<compile_context>
chip_gen: v7x
topology: tpu7x:2x2x1
jax: 0.10.2.dev20260603
libtpu: 0.0.44.dev20260713+nightly
codegen_flags: <defaults>
</compile_context>

<pallas_src>
import functools

import jax
import jax.numpy as jnp
from jax import lax
from jax.experimental import pallas as pl
from jax.experimental.pallas import tpu as pltpu
from jax.experimental.pallas import tpu_sc as plsc

_B = 16384
_W = 5
_D = 64
_H = 512
_O = 50
_V = 1000000

_N = _B * _W
_NC = 2
_NS = 16
_NW = _NC * _NS
_BPW = _B // _NW
_CB = 64
_CI = _CB * _W
_NCHUNKS = _BPW // _CB


@functools.lru_cache(maxsize=1)
def _make_sc_gather():
    @functools.partial(
        pl.kernel,
        mesh=plsc.VectorSubcoreMesh(core_axis_name="c", subcore_axis_name="s"),
        out_type=jax.ShapeDtypeStruct((_B, _W * _D), jnp.float32),
        scratch_types=[
            pltpu.SMEM((_CI,), jnp.int32),
            pltpu.VMEM((_CI,), jnp.int32),
            pltpu.VMEM((_CB, _W * _D), jnp.float32),
            pltpu.SemaphoreType.DMA,
        ],
    )
    def _sc_gather(table_hbm, idx_hbm, out_hbm, idx_s, idx_v, compact, sem):
        wid = lax.axis_index("s") * _NC + lax.axis_index("c")
        brow = wid * _BPW

        def chunk_body(ci, carry):
            row0 = brow + ci * _CB
            pltpu.sync_copy(idx_hbm.at[pl.ds(row0 * _W, _CI)], idx_v)
            for k in range(_CI // 16):
                v16 = idx_v[pl.ds(k * 16, 16)]
                for l in range(16):
                    idx_s[k * 16 + l] = v16[l]

            def issue_body(b, carry2):
                for w in range(_W):
                    v = idx_s[b * _W + w]
                    t = lax.shift_right_logical(v, 3)
                    s = lax.bitwise_and(v, 7)
                    pltpu.async_copy(
                        table_hbm.at[t, s],
                        compact.at[b, pl.ds(w * _D, _D)],
                        sem,
                    )
                return carry2

            lax.fori_loop(0, _CB, issue_body, 0)

            def drain_body(b, carry2):
                for w in range(_W):
                    pltpu.make_async_copy(
                        table_hbm.at[0, 0],
                        compact.at[b, pl.ds(w * _D, _D)],
                        sem,
                    ).wait()
                return carry2

            lax.fori_loop(0, _CB, drain_body, 0)
            pltpu.sync_copy(compact, out_hbm.at[pl.ds(row0, _CB)])
            return carry

        lax.fori_loop(0, _NCHUNKS, chunk_body, 0)

    return _sc_gather


_BB = 1024


def _mlp_body(e_ref, w1_ref, b1_ref, w2_ref, b2_ref, out_ref):
    e = e_ref[...]
    h = jnp.tanh(
        jnp.dot(e, w1_ref[...], preferred_element_type=jnp.float32) + b1_ref[...]
    )
    o = jnp.dot(h, w2_ref[...], preferred_element_type=jnp.float32) + b2_ref[...]
    m = jnp.max(o, axis=1, keepdims=True)
    s = jnp.log(jnp.sum(jnp.exp(o - m), axis=1, keepdims=True))
    out_ref[...] = o - m - s


def _tc_mlp(e, W1, b1, W2, b2):
    grid = (_B // _BB,)
    return pl.pallas_call(
        _mlp_body,
        grid=grid,
        in_specs=[
            pl.BlockSpec((_BB, _W * _D), lambda i: (i, 0)),
            pl.BlockSpec((_W * _D, _H), lambda i: (0, 0)),
            pl.BlockSpec((1, _H), lambda i: (0, 0)),
            pl.BlockSpec((_H, _O), lambda i: (0, 0)),
            pl.BlockSpec((1, _O), lambda i: (0, 0)),
        ],
        out_specs=pl.BlockSpec((_BB, _O), lambda i: (i, 0)),
        out_shape=jax.ShapeDtypeStruct((_B, _O), jnp.float32),
    )(e, W1, b1, W2, b2)


def kernel(x, table, W1, b1, W2, b2):
    idx = x.reshape(_N)
    table3 = table.reshape(_V // 8, 8, _D)
    e = _make_sc_gather()(table3, idx)
    return _tc_mlp(e, W1, b1.reshape(1, _H), W2, b2.reshape(1, _O))

# --- scband reference (transcript-rebuilt; emitter-appended) ---
"""Pipeline reference for scband-tagger2-34041910788204 (READ-ONLY COPY).

The authoritative reference and input builder live on the scoring server;
editing this copy changes nothing except your own understanding.
"""

import jax, jax.numpy as jnp
import numpy as np

VOCAB = 1000000
EMBED_DIM = 64
WINDOW = 5
BATCH = 16384
HIDDEN = 512
OUT = 50


def setup_inputs(seed: int = 0) -> dict:
    key = jax.random.key(seed)
    ks = jax.random.split(key, 6)
    x = jax.random.randint(ks[0], (BATCH, WINDOW), 0, VOCAB, dtype=jnp.int32)
    table = jax.random.normal(ks[1], (VOCAB, EMBED_DIM), dtype=jnp.float32) * 0.02
    W1 = jax.random.normal(ks[2], (EMBED_DIM * WINDOW, HIDDEN), dtype=jnp.float32) * 0.05
    b1 = jnp.zeros((HIDDEN,), dtype=jnp.float32)
    W2 = jax.random.normal(ks[3], (HIDDEN, OUT), dtype=jnp.float32) * 0.05
    b2 = jnp.zeros((OUT,), dtype=jnp.float32)
    return {"x": x, "table": table, "W1": W1, "b1": b1, "W2": W2, "b2": b2}


def reference(x, table, W1, b1, W2, b2):
    # nn.Embedding lookup -> gather rows of table
    e = jnp.take(table, x, axis=0)            # [B, W, D]
    e = e.reshape(e.shape[0], -1)             # [B, W*D]  (x.view(x.size(0), -1))
    h = jnp.tanh(e @ W1 + b1)                 # fc1 + tanh
    o = h @ W2 + b2                           # fc2
    return jax.nn.log_softmax(o, axis=1)      # F.log_softmax(x, dim=1)

if __name__ == "__main__":
    import jax
    _d = setup_inputs()
    print(jax.jit(kernel)(*tuple(_d.values())))

</pallas_src>

<mosaic_0001>
#map = affine_map<(d0, d1) -> (0, 0, 0)>
#map1 = affine_map<(d0, d1) -> (0)>
#map2 = affine_map<(d0, d1) -> (0, 0)>
module attributes {stable_mosaic.version = 14 : i64} {
  func.func @_sc_gather(%arg0: i32, %arg1: i32, %arg2: memref<125000x8x64xf32, #tpu.memory_space<hbm>>, %arg3: memref<81920xi32, #tpu.memory_space<hbm>>, %arg4: memref<16384x320xf32, #tpu.memory_space<hbm>>, %arg5: memref<320xi32, #tpu.memory_space<smem>>, %arg6: memref<320xi32, #tpu.memory_space<vmem>>, %arg7: memref<64x320xf32, #tpu.memory_space<vmem>>, %arg8: memref<!tpu.dma_semaphore, #tpu.memory_space<semaphore_mem>>) attributes {dimension_semantics = [#tpu.dimension_semantics<core_parallel>, #tpu.dimension_semantics<subcore_parallel>], iteration_bounds = array<i64: 2, 16>, scalar_prefetch = 0 : i64, scratch_operands = 4 : i64, tpu.core_type = #tpu.core_type<sc_vector_subcore>, window_params = [{transform_indices = #map}, {transform_indices = #map1}, {transform_indices = #map2}]} {
    %mul3A = arith.constant 2 : i32
    %mul3A_0 = arith.muli %arg1, %mul3A : i32
    %add3A = arith.addi %mul3A_0, %arg0 : i32
    %mul3A_1 = arith.constant 512 : i32
    %mul3A_2 = arith.muli %add3A, %mul3A_1 : i32
    %scan3A = arith.constant 0 : i32
    %scan3A_3 = arith.constant 0 : i32
    %scan3A_4 = arith.constant 8 : i32
    %scan3A_5 = arith.addi %scan3A_3, %scan3A_4 : i32
    %scan3A_6 = arith.constant 1 : i32
    scf.for %scan3A_8 = %scan3A_3 to %scan3A_5 step %scan3A_6  : i32 {
      %mul3A_9 = arith.constant 64 : i32
      %mul3A_10 = arith.muli %scan3A_8, %mul3A_9 : i32
      %add3A_11 = arith.addi %mul3A_2, %mul3A_10 : i32
      %mul3A_12 = arith.constant 5 : i32
      %mul3A_13 = arith.muli %add3A_11, %mul3A_12 : i32
      "tpu.region"() ({
        %run_scoped3A = tpu.sem_alloc : memref<!tpu.dma_semaphore, #tpu.memory_space<semaphore_mem>>
        %dma_start3A = tpu.memref_slice %arg3[%mul3A_13] : memref<81920xi32, #tpu.memory_space<hbm>> -> memref<320xi32, #tpu.memory_space<hbm>>
        %dma_start3A_1682 = tpu.memref_slice %arg3[%mul3A_13] : memref<81920xi32, #tpu.memory_space<hbm>> -> memref<320xi32, #tpu.memory_space<hbm>>
        tpu.enqueue_dma source(%dma_start3A_1682 : memref<320xi32, #tpu.memory_space<hbm>>) target(%arg6 : memref<320xi32, #tpu.memory_space<vmem>>) target_semaphore(%run_scoped3A : memref<!tpu.dma_semaphore, #tpu.memory_space<semaphore_mem>>)
        %dma_wait3A = tpu.memref_slice %arg3[%mul3A_13] : memref<81920xi32, #tpu.memory_space<hbm>> -> memref<320xi32, #tpu.memory_space<hbm>>
        %dma_wait3A_1683 = tpu.memref_slice %arg3[%mul3A_13] : memref<81920xi32, #tpu.memory_space<hbm>> -> memref<320xi32, #tpu.memory_space<hbm>>
        tpu.wait_dma2 semaphore(%run_scoped3A : memref<!tpu.dma_semaphore, #tpu.memory_space<semaphore_mem>>) src(%dma_wait3A_1683 : memref<320xi32, #tpu.memory_space<hbm>>) dst(%arg6 : memref<320xi32, #tpu.memory_space<vmem>>)
        tpu.yield
      }) : () -> ()
      %get3A = arith.constant 0 : index
      %get3A_14 = tpu.vector_load %arg6[%get3A] {strides = array<i32>} : memref<320xi32, #tpu.memory_space<vmem>>, vector<16xi32>,
      %get3A_15 = vector.shape_cast %get3A_14 : vector<16xi32> to vector<16xi32>
      %slice3A = vector.extract_strided_slice %get3A_15 {offsets = [0], sizes = [1], strides = [1]} : vector<16xi32> to vector<1xi32>
      %squeeze3A = vector.extract %slice3A[0] : i32 from vector<1xi32>
      %swap3A = arith.constant 0 : i32
      %swap3A_16 = arith.index_cast %swap3A : i32 to index
      %swap3A_17 = memref.load %arg5[%swap3A_16] : memref<320xi32, #tpu.memory_space<smem>>
      memref.store %squeeze3A, %arg5[%swap3A_16] : memref<320xi32, #tpu.memory_space<smem>>
      %slice3A_18 = vector.extract_strided_slice %get3A_15 {offsets = [1], sizes = [1], strides = [1]} : vector<16xi32> to vector<1xi32>
      %squeeze3A_19 = vector.extract %slice3A_18[0] : i32 from vector<1xi32>
      %swap3A_20 = arith.constant 1 : i32
      %swap3A_21 = arith.index_cast %swap3A_20 : i32 to index
      %swap3A_22 = memref.load %arg5[%swap3A_21] : memref<320xi32, #tpu.memory_space<smem>>
      memref.store %squeeze3A_19, %arg5[%swap3A_21] : memref<320xi32, #tpu.memory_space<smem>>
      %slice3A_23 = vector.extract_strided_slice %get3A_15 {offsets = [2], sizes = [1], strides = [1]} : vector<16xi32> to vector<1xi32>
      %squeeze3A_24 = vector.extract %slice3A_23[0] : i32 from vector<1xi32>
      %swap3A_25 = arith.constant 2 : i32
      %swap3A_26 = arith.index_cast %swap3A_25 : i32 to index
      %swap3A_27 = memref.load %arg5[%swap3A_26] : memref<320xi32, #tpu.memory_space<smem>>
      memref.store %squeeze3A_24, %arg5[%swap3A_26] : memref<320xi32, #tpu.memory_space<smem>>
      %slice3A_28 = vector.extract_strided_slice %get3A_15 {offsets = [3], sizes = [1], strides = [1]} : vector<16xi32> to vector<1xi32>
      %squeeze3A_29 = vector.extract %slice3A_28[0] : i32 from vector<1xi32>
      %swap3A_30 = arith.constant 3 : i32
      %swap3A_31 = arith.index_cast %swap3A_30 : i32 to index
      %swap3A_32 = memref.load %arg5[%swap3A_31] : memref<320xi32, #tpu.memory_space<smem>>
      memref.store %squeeze3A_29, %arg5[%swap3A_31] : memref<320xi32, #tpu.memory_space<smem>>
      %slice3A_33 = vector.extract_strided_slice %get3A_15 {offsets = [4], sizes = [1], strides = [1]} : vector<16xi32> to vector<1xi32>
      %squeeze3A_34 = vector.extract %slice3A_33[0] : i32 from vector<1xi32>
      %swap3A_35 = arith.constant 4 : i32
      %swap3A_36 = arith.index_cast %swap3A_35 : i32 to index
      %swap3A_37 = memref.load %arg5[%swap3A_36] : memref<320xi32, #tpu.memory_space<smem>>
      memref.store %squeeze3A_34, %arg5[%swap3A_36] : memref<320xi32, #tpu.memory_space<smem>>
      %slice3A_38 = vector.extract_strided_slice %get3A_15 {offsets = [5], sizes = [1], strides = [1]} : vector<16xi32> to vector<1xi32>
      %squeeze3A_39 = vector.extract %slice3A_38[0] : i32 from vector<1xi32>
      %swap3A_40 = arith.constant 5 : i32
      %swap3A_41 = arith.index_cast %swap3A_40 : i32 to index
      %swap3A_42 = memref.load %arg5[%swap3A_41] : memref<320xi32, #tpu.memory_space<smem>>
      memref.store %squeeze3A_39, %arg5[%swap3A_41] : memref<320xi32, #tpu.memory_space<smem>>
      %slice3A_43 = vector.extract_strided_slice %get3A_15 {offsets = [6], sizes = [1], strides = [1]} : vector<16xi32> to vector<1xi32>
      %squeeze3A_44 = vector.extract %slice3A_43[0] : i32 from vector<1xi32>
      %swap3A_45 = arith.constant 6 : i32
      %swap3A_46 = arith.index_cast %swap3A_45 : i32 to index
      %swap3A_47 = memref.load %arg5[%swap3A_46] : memref<320xi32, #tpu.memory_space<smem>>
      memref.store %squeeze3A_44, %arg5[%swap3A_46] : memref<320xi32, #tpu.memory_space<smem>>
      %slice3A_48 = vector.extract_strided_slice %get3A_15 {offsets = [7], sizes = [1], strides = [1]} : vector<16xi32> to vector<1xi32>
      %squeeze3A_49 = vector.extract %slice3A_48[0] : i32 from vector<1xi32>
      %swap3A_50 = arith.constant 7 : i32
      %swap3A_51 = arith.index_cast %swap3A_50 : i32 to index
      %swap3A_52 = memref.load %arg5[%swap3A_51] : memref<320xi32, #tpu.memory_space<smem>>
      memref.store %squeeze3A_49, %arg5[%swap3A_51] : memref<320xi32, #tpu.memory_space<smem>>
      %slice3A_53 = vector.extract_strided_slice %get3A_15 {offsets = [8], sizes = [1], strides = [1]} : vector<16xi32> to vector<1xi32>
      %squeeze3A_54 = vector.extract %slice3A_53[0] : i32 from vector<1xi32>
      %swap3A_55 = arith.constant 8 : i32
      %swap3A_56 = arith.index_cast %swap3A_55 : i32 to index
      %swap3A_57 = memref.load %arg5[%swap3A_56] : memref<320xi32, #tpu.memory_space<smem>>
      memref.store %squeeze3A_54, %arg5[%swap3A_56] : memref<320xi32, #tpu.memory_space<smem>>
      %slice3A_58 = vector.extract_strided_slice %get3A_15 {offsets = [9], sizes = [1], strides = [1]} : vector<16xi32> to vector<1xi32>
      %squeeze3A_59 = vector.extract %slice3A_58[0] : i32 from vector<1xi32>
      %swap3A_60 = arith.constant 9 : i32
      %swap3A_61 = arith.index_cast %swap3A_60 : i32 to index
      %swap3A_62 = memref.load %arg5[%swap3A_61] : memref<320xi32, #tpu.memory_space<smem>>
      memref.store %squeeze3A_59, %arg5[%swap3A_61] : memref<320xi32, #tpu.memory_space<smem>>
      %slice3A_63 = vector.extract_strided_slice %get3A_15 {offsets = [10], sizes = [1], strides = [1]} : vector<16xi32> to vector<1xi32>
      %squeeze3A_64 = vector.extract %slice3A_63[0] : i32 from vector<1xi32>
      %swap3A_65 = arith.constant 10 : i32
      %swap3A_66 = arith.index_cast %swap3A_65 : i32 to index
      %swap3A_67 = memref.load %arg5[%swap3A_66] : memref<320xi32, #tpu.memory_space<smem>>
      memref.store %squeeze3A_64, %arg5[%swap3A_66] : memref<320xi32, #tpu.memory_space<smem>>
      %slice3A_68 = vector.extract_strided_slice %get3A_15 {offsets = [11], sizes = [1], strides = [1]} : vector<16xi32> to vector<1xi32>
      %squeeze3A_69 = vector.extract %slice3A_68[0] : i32 from vector<1xi32>
      %swap3A_70 = arith.constant 11 : i32
      %swap3A_71 = arith.index_cast %swap3A_70 : i32 to index
      %swap3A_72 = memref.load %arg5[%swap3A_71] : memref<320xi32, #tpu.memory_space<smem>>
      memref.store %squeeze3A_69, %arg5[%swap3A_71] : memref<320xi32, #tpu.memory_space<smem>>
      %slice3A_73 = vector.extract_strided_slice %get3A_15 {offsets = [12], sizes = [1], strides = [1]} : vector<16xi32> to vector<1xi32>
      %squeeze3A_74 = vector.extract %slice3A_73[0] : i32 from vector<1xi32>
      %swap3A_75 = arith.constant 12 : i32
      %swap3A_76 = arith.index_cast %swap3A_75 : i32 to index
      %swap3A_77 = memref.load %arg5[%swap3A_76] : memref<320xi32, #tpu.memory_space<smem>>
      memref.store %squeeze3A_74, %arg5[%swap3A_76] : memref<320xi32, #tpu.memory_space<smem>>
      %slice3A_78 = vector.extract_strided_slice %get3A_15 {offsets = [13], sizes = [1], strides = [1]} : vector<16xi32> to vector<1xi32>
      %squeeze3A_79 = vector.extract %slice3A_78[0] : i32 from vector<1xi32>
      %swap3A_80 = arith.constant 13 : i32
      %swap3A_81 = arith.index_cast %swap3A_80 : i32 to index
      %swap3A_82 = memref.load %arg5[%swap3A_81] : memref<320xi32, #tpu.memory_space<smem>>
      memref.store %squeeze3A_79, %arg5[%swap3A_81] : memref<320xi32, #tpu.memory_space<smem>>
      %slice3A_83 = vector.extract_strided_slice %get3A_15 {offsets = [14], sizes = [1], strides = [1]} : vector<16xi32> to vector<1xi32>
      %squeeze3A_84 = vector.extract %slice3A_83[0] : i32 from vector<1xi32>
      %swap3A_85 = arith.constant 14 : i32
      %swap3A_86 = arith.index_cast %swap3A_85 : i32 to index
      %swap3A_87 = memref.load %arg5[%swap3A_86] : memref<320xi32, #tpu.memory_space<smem>>
      memref.store %squeeze3A_84, %arg5[%swap3A_86] : memref<320xi32, #tpu.memory_space<smem>>
      %slice3A_88 = vector.extract_strided_slice %get3A_15 {offsets = [15], sizes = [1], strides = [1]} : vector<16xi32> to vector<1xi32>
      %squeeze3A_89 = vector.extract %slice3A_88[0] : i32 from vector<1xi32>
      %swap3A_90 = arith.constant 15 : i32
      %swap3A_91 = arith.index_cast %swap3A_90 : i32 to index
      %swap3A_92 = memref.load %arg5[%swap3A_91] : memref<320xi32, #tpu.memory_space<smem>>
      memref.store %squeeze3A_89, %arg5[%swap3A_91] : memref<320xi32, #tpu.memory_space<smem>>
      %get3A_93 = arith.constant 16 : index
      %get3A_94 = tpu.vector_load %arg6[%get3A_93] {strides = array<i32>} : memref<320xi32, #tpu.memory_space<vmem>>, vector<16xi32>,
      %get3A_95 = vector.shape_cast %get3A_94 : vector<16xi32> to vector<16xi32>
      %slice3A_96 = vector.extract_strided_slice %get3A_95 {offsets = [0], sizes = [1], strides = [1]} : vector<16xi32> to vector<1xi32>
      %squeeze3A_97 = vector.extract %slice3A_96[0] : i32 from vector<1xi32>
      %swap3A_98 = arith.constant 16 : i32
      %swap3A_99 = arith.index_cast %swap3A_98 : i32 to index
      %swap3A_100 = memref.load %arg5[%swap3A_99] : memref<320xi32, #tpu.memory_space<smem>>
      memref.store %squeeze3A_97, %arg5[%swap3A_99] : memref<320xi32, #tpu.memory_space<smem>>
      %slice3A_101 = vector.extract_strided_slice %get3A_95 {offsets = [1], sizes = [1], strides = [1]} : vector<16xi32> to vector<1xi32>
      %squeeze3A_102 = vector.extract %slice3A_101[0] : i32 from vector<1xi32>
      %swap3A_103 = arith.constant 17 : i32
      %swap3A_104 = arith.index_cast %swap3A_103 : i32 to index
      %swap3A_105 = memref.load %arg5[%swap3A_104] : memref<320xi32, #tpu.memory_space<smem>>
      memref.store %squeeze3A_102, %arg5[%swap3A_104] : memref<320xi32, #tpu.memory_space<smem>>
      %slice3A_106 = vector.extract_strided_slice %get3A_95 {offsets = [2], sizes = [1], strides = [1]} : vector<16xi32> to vector<1xi32>
      %squeeze3A_107 = vector.extract %slice3A_106[0] : i32 from vector<1xi32>
      %swap3A_108 = arith.constant 18 : i32
      %swap3A_109 = arith.index_cast %swap3A_108 : i32 to index
      %swap3A_110 = memref.load %arg5[%swap3A_109] : memref<320xi32, #tpu.memory_space<smem>>
      memref.store %squeeze3A_107, %arg5[%swap3A_109] : memref<320xi32, #tpu.memory_space<smem>>
      %slice3A_111 = vector.extract_strided_slice %get3A_95 {offsets = [3], sizes = [1], strides = [1]} : vector<16xi32> to vector<1xi32>
      %squeeze3A_112 = vector.extract %slice3A_111[0] : i32 from vector<1xi32>
      %swap3A_113 = arith.constant 19 : i32
      %swap3A_114 = arith.index_cast %swap3A_113 : i32 to index
      %swap3A_115 = memref.load %arg5[%swap3A_114] : memref<320xi32, #tpu.memory_space<smem>>
      memref.store %squeeze3A_112, %arg5[%swap3A_114] : memref<320xi32, #tpu.memory_space<smem>>
      %slice3A_116 = vector.extract_strided_slice %get3A_95 {offsets = [4], sizes = [1], strides = [1]} : vector<16xi32> to vector<1xi32>
      %squeeze3A_117 = vector.extract %slice3A_116[0] : i32 from vector<1xi32>
      %swap3A_118 = arith.constant 20 : i32
      %swap3A_119 = arith.index_cast %swap3A_118 : i32 to index
      %swap3A_120 = memref.load %arg5[%swap3A_119] : memref<320xi32, #tpu.memory_space<smem>>
      memref.store %squeeze3A_117, %arg5[%swap3A_119] : memref<320xi32, #tpu.memory_space<smem>>
      %slice3A_121 = vector.extract_strided_slice %get3A_95 {offsets = [5], sizes = [1], strides = [1]} : vector<16xi32> to vector<1xi32>
      %squeeze3A_122 = vector.extract %slice3A_121[0] : i32 from vector<1xi32>
      %swap3A_123 = arith.constant 21 : i32
      %swap3A_124 = arith.index_cast %swap3A_123 : i32 to index
      %swap3A_125 = memref.load %arg5[%swap3A_124] : memref<320xi32, #tpu.memory_space<smem>>
      memref.store %squeeze3A_122, %arg5[%swap3A_124] : memref<320xi32, #tpu.memory_space<smem>>
      %slice3A_126 = vector.extract_strided_slice %get3A_95 {offsets = [6], sizes = [1], strides = [1]} : vector<16xi32> to vector<1xi32>
      %squeeze3A_127 = vector.extract %slice3A_126[0] : i32 from vector<1xi32>
      %swap3A_128 = arith.constant 22 : i32
      %swap3A_129 = arith.index_cast %swap3A_128 : i32 to index
      %swap3A_130 = memref.load %arg5[%swap3A_129] : memref<320xi32, #tpu.memory_space<smem>>
      memref.store %squeeze3A_127, %arg5[%swap3A_129] : memref<320xi32, #tpu.memory_space<smem>>
      %slice3A_131 = vector.extract_strided_slice %get3A_95 {offsets = [7], sizes = [1], strides = [1]} : vector<16xi32> to vector<1xi32>
      %squeeze3A_132 = vector.extract %slice3A_131[0] : i32 from vector<1xi32>
      %swap3A_133 = arith.constant 23 : i32
      %swap3A_134 = arith.index_cast %swap3A_133 : i32 to index
      %swap3A_135 = memref.load %arg5[%swap3A_134] : memref<320xi32, #tpu.memory_space<smem>>
      memref.store %squeeze3A_132, %arg5[%swap3A_134] : memref<320xi32, #tpu.memory_space<smem>>
      %slice3A_136 = vector.extract_strided_slice %get3A_95 {offsets = [8], sizes = [1], strides = [1]} : vector<16xi32> to vector<1xi32>
      %squeeze3A_137 = vector.extract %slice3A_136[0] : i32 from vector<1xi32>
      %swap3A_138 = arith.constant 24 : i32
      %swap3A_139 = arith.index_cast %swap3A_138 : i32 to index
      %swap3A_140 = memref.load %arg5[%swap3A_139] : memref<320xi32, #tpu.memory_space<smem>>
      memref.store %squeeze3A_137, %arg5[%swap3A_139] : memref<320xi32, #tpu.memory_space<smem>>
      %slice3A_141 = vector.extract_strided_slice %get3A_95 {offsets = [9], sizes = [1], strides = [1]} : vector<16xi32> to vector<1xi32>
      %squeeze3A_142 = vector.extract %slice3A_141[0] : i32 from vector<1xi32>
      %swap3A_143 = arith.constant 25 : i32
      %swap3A_144 = arith.index_cast %swap3A_143 : i32 to index
      %swap3A_145 = memref.load %arg5[%swap3A_144] : memref<320xi32, #tpu.memory_space<smem>>
      memref.store %squeeze3A_142, %arg5[%swap3A_144] : memref<320xi32, #tpu.memory_space<smem>>
      %slice3A_146 = vector.extract_strided_slice %get3A_95 {offsets = [10], sizes = [1], strides = [1]} : vector<16xi32> to vector<1xi32>
      %squeeze3A_147 = vector.extract %slice3A_146[0] : i32 from vector<1xi32>
      %swap3A_148 = arith.constant 26 : i32
      %swap3A_149 = arith.index_cast %swap3A_148 : i32 to index
      %swap3A_150 = memref.load %arg5[%swap3A_149] : memref<320xi32, #tpu.memory_space<smem>>
      memref.store %squeeze3A_147, %arg5[%swap3A_149] : memref<320xi32, #tpu.memory_space<smem>>
      %slice3A_151 = vector.extract_strided_slice %get3A_95 {offsets = [11], sizes = [1], strides = [1]} : vector<16xi32> to vector<1xi32>
      %squeeze3A_152 = vector.extract %slice3A_151[0] : i32 from vector<1xi32>
      %swap3A_153 = arith.constant 27 : i32
      %swap3A_154 = arith.index_cast %swap3A_153 : i32 to index
      %swap3A_155 = memref.load %arg5[%swap3A_154] : memref<320xi32, #tpu.memory_space<smem>>
      memref.store %squeeze3A_152, %arg5[%swap3A_154] : memref<320xi32, #tpu.memory_space<smem>>
      %slice3A_156 = vector.extract_strided_slice %get3A_95 {offsets = [12], sizes = [1], strides = [1]} : vector<16xi32> to vector<1xi32>
      %squeeze3A_157 = vector.extract %slice3A_156[0] : i32 from vector<1xi32>
      %swap3A_158 = arith.constant 28 : i32
      %swap3A_159 = arith.index_cast %swap3A_158 : i32 to index
      %swap3A_160 = memref.load %arg5[%swap3A_159] : memref<320xi32, #tpu.memory_space<smem>>
      memref.store %squeeze3A_157, %arg5[%swap3A_159] : memref<320xi32, #tpu.memory_space<smem>>
      %slice3A_161 = vector.extract_strided_slice %get3A_95 {offsets = [13], sizes = [1], strides = [1]} : vector<16xi32> to vector<1xi32>
      %squeeze3A_162 = vector.extract %slice3A_161[0] : i32 from vector<1xi32>
      %swap3A_163 = arith.constant 29 : i32
      %swap3A_164 = arith.index_cast %swap3A_163 : i32 to index
      %swap3A_165 = memref.load %arg5[%swap3A_164] : memref<320xi32, #tpu.memory_space<smem>>
      memref.store %squeeze3A_162, %arg5[%swap3A_164] : memref<320xi32, #tpu.memory_space<smem>>
      %slice3A_166 = vector.extract_strided_slice %get3A_95 {offsets = [14], sizes = [1], strides = [1]} : vector<16xi32> to vector<1xi32>
      %squeeze3A_167 = vector.extract %slice3A_166[0] : i32 from vector<1xi32>
      %swap3A_168 = arith.constant 30 : i32
      %swap3A_169 = arith.index_cast %swap3A_168 : i32 to index
      %swap3A_170 = memref.load %arg5[%swap3A_169] : memref<320xi32, #tpu.memory_space<smem>>
      memref.store %squeeze3A_167, %arg5[%swap3A_169] : memref<320xi32, #tpu.memory_space<smem>>
      %slice3A_171 = vector.extract_strided_slice %get3A_95 {offsets = [15], sizes = [1], strides = [1]} : vector<16xi32> to vector<1xi32>
      %squeeze3A_172 = vector.extract %slice3A_171[0] : i32 from vector<1xi32>
      %swap3A_173 = arith.constant 31 : i32
      %swap3A_174 = arith.index_cast %swap3A_173 : i32 to index
      %swap3A_175 = memref.load %arg5[%swap3A_174] : memref<320xi32, #tpu.memory_space<smem>>
      memref.store %squeeze3A_172, %arg5[%swap3A_174] : memref<320xi32, #tpu.memory_space<smem>>
      %get3A_176 = arith.constant 32 : index
      %get3A_177 = tpu.vector_load %arg6[%get3A_176] {strides = array<i32>} : memref<320xi32, #tpu.memory_space<vmem>>, vector<16xi32>,
      %get3A_178 = vector.shape_cast %get3A_177 : vector<16xi32> to vector<16xi32>
      %slice3A_179 = vector.extract_strided_slice %get3A_178 {offsets = [0], sizes = [1], strides = [1]} : vector<16xi32> to vector<1xi32>
      %squeeze3A_180 = vector.extract %slice3A_179[0] : i32 from vector<1xi32>
      %swap3A_181 = arith.constant 32 : i32
      %swap3A_182 = arith.index_cast %swap3A_181 : i32 to index
      %swap3A_183 = memref.load %arg5[%swap3A_182] : memref<320xi32, #tpu.memory_space<smem>>
      memref.store %squeeze3A_180, %arg5[%swap3A_182] : memref<320xi32, #tpu.memory_space<smem>>
      %slice3A_184 = vector.extract_strided_slice %get3A_178 {offsets = [1], sizes = [1], strides = [1]} : vector<16xi32> to vector<1xi32>
      %squeeze3A_185 = vector.extract %slice3A_184[0] : i32 from vector<1xi32>
      %swap3A_186 = arith.constant 33 : i32
      %swap3A_187 = arith.index_cast %swap3A_186 : i32 to index
      %swap3A_188 = memref.load %arg5[%swap3A_187] : memref<320xi32, #tpu.memory_space<smem>>
      memref.store %squeeze3A_185, %arg5[%swap3A_187] : memref<320xi32, #tpu.memory_space<smem>>
      %slice3A_189 = vector.extract_strided_slice %get3A_178 {offsets = [2], sizes = [1], strides = [1]} : vector<16xi32> to vector<1xi32>
      %squeeze3A_190 = vector.extract %slice3A_189[0] : i32 from vector<1xi32>
      %swap3A_191 = arith.constant 34 : i32
      %swap3A_192 = arith.index_cast %swap3A_191 : i32 to index
      %swap3A_193 = memref.load %arg5[%swap3A_192] : memref<320xi32, #tpu.memory_space<smem>>
      memref.store %squeeze3A_190, %arg5[%swap3A_192] : memref<320xi32, #tpu.memory_space<smem>>
      %slice3A_194 = vector.extract_strided_slice %get3A_178 {offsets = [3], sizes = [1], strides = [1]} : vector<16xi32> to vector<1xi32>
      %squeeze3A_195 = vector.extract %slice3A_194[0] : i32 from vector<1xi32>
      %swap3A_196 = arith.constant 35 : i32
      %swap3A_197 = arith.index_cast %swap3A_196 : i32 to index
      %swap3A_198 = memref.load %arg5[%swap3A_197] : memref<320xi32, #tpu.memory_space<smem>>
      memref.store %squeeze3A_195, %arg5[%swap3A_197] : memref<320xi32, #tpu.memory_space<smem>>
      %slice3A_199 = vector.extract_strided_slice %get3A_178 {offsets = [4], sizes = [1], strides = [1]} : vector<16xi32> to vector<1xi32>
      %squeeze3A_200 = vector.extract %slice3A_199[0] : i32 from vector<1xi32>
      %swap3A_201 = arith.constant 36 : i32
      %swap3A_202 = arith.index_cast %swap3A_201 : i32 to index
      %swap3A_203 = memref.load %arg5[%swap3A_202] : memref<320xi32, #tpu.memory_space<smem>>
      memref.store %squeeze3A_200, %arg5[%swap3A_202] : memref<320xi32, #tpu.memory_space<smem>>
      %slice3A_204 = vector.extract_strided_slice %get3A_178 {offsets = [5], sizes = [1], strides = [1]} : vector<16xi32> to vector<1xi32>
      %squeeze3A_205 = vector.extract %slice3A_204[0] : i32 from vector<1xi32>
      %swap3A_206 = arith.constant 37 : i32
      %swap3A_207 = arith.index_cast %swap3A_206 : i32 to index
      %swap3A_208 = memref.load %arg5[%swap3A_207] : memref<320xi32, #tpu.memory_space<smem>>
      memref.store %squeeze3A_205, %arg5[%swap3A_207] : memref<320xi32, #tpu.memory_space<smem>>
      %slice3A_209 = vector.extract_strided_slice %get3A_178 {offsets = [6], sizes = [1], strides = [1]} : vector<16xi32> to vector<1xi32>
      %squeeze3A_210 = vector.extract %slice3A_209[0] : i32 from vector<1xi32>
      %swap3A_211 = arith.constant 38 : i32
      %swap3A_212 = arith.index_cast %swap3A_211 : i32 to index
      %swap3A_213 = memref.load %arg5[%swap3A_212] : memref<320xi32, #tpu.memory_space<smem>>
      memref.store %squeeze3A_210, %arg5[%swap3A_212] : memref<320xi32, #tpu.memory_space<smem>>
      %slice3A_214 = vector.extract_strided_slice %get3A_178 {offsets = [7], sizes = [1], strides = [1]} : vector<16xi32> to vector<1xi32>
      %squeeze3A_215 = vector.extract %slice3A_214[0] : i32 from vector<1xi32>
      %swap3A_216 = arith.constant 39 : i32
      %swap3A_217 = arith.index_cast %swap3A_216 : i32 to index
      %swap3A_218 = memref.load %arg5[%swap3A_217] : memref<320xi32, #tpu.memory_space<smem>>
      memref.store %squeeze3A_215, %arg5[%swap3A_217] : memref<320xi32, #tpu.memory_space<smem>>
      %slice3A_219 = vector.extract_strided_slice %get3A_178 {offsets = [8], sizes = [1], strides = [1]} : vector<16xi32> to vector<1xi32>
      %squeeze3A_220 = vector.extract %slice3A_219[0] : i32 from vector<1xi32>
      %swap3A_221 = arith.constant 40 : i32
      %swap3A_222 = arith.index_cast %swap3A_221 : i32 to index
      %swap3A_223 = memref.load %arg5[%swap3A_222] : memref<320xi32, #tpu.memory_space<smem>>
      memref.store %squeeze3A_220, %arg5[%swap3A_222] : memref<320xi32, #tpu.memory_space<smem>>
      %slice3A_224 = vector.extract_strided_slice %get3A_178 {offsets = [9], sizes = [1], strides = [1]} : vector<16xi32> to vector<1xi32>
      %squeeze3A_225 = vector.extract %slice3A_224[0] : i32 from vector<1xi32>
      %swap3A_226 = arith.constant 41 : i32
      %swap3A_227 = arith.index_cast %swap3A_226 : i32 to index
      %swap3A_228 = memref.load %arg5[%swap3A_227] : memref<320xi32, #tpu.memory_space<smem>>
      memref.store %squeeze3A_225, %arg5[%swap3A_227] : memref<320xi32, #tpu.memory_space<smem>>
      %slice3A_229 = vector.extract_strided_slice %get3A_178 {offsets = [10], sizes = [1], strides = [1]} : vector<16xi32> to vector<1xi32>
      %squeeze3A_230 = vector.extract %slice3A_229[0] : i32 from vector<1xi32>
      %swap3A_231 = arith.constant 42 : i32
      %swap3A_232 = arith.index_cast %swap3A_231 : i32 to index
      %swap3A_233 = memref.load %arg5[%swap3A_232] : memref<320xi32, #tpu.memory_space<smem>>
      memref.store %squeeze3A_230, %arg5[%swap3A_232] : memref<320xi32, #tpu.memory_space<smem>>
      %slice3A_234 = vector.extract_strided_slice %get3A_178 {offsets = [11], sizes = [1], strides = [1]} : vector<16xi32> to vector<1xi32>
      %squeeze3A_235 = vector.extract %slice3A_234[0] : i32 from vector<1xi32>
      %swap3A_236 = arith.constant 43 : i32
      %swap3A_237 = arith.index_cast %swap3A_236 : i32 to index
      %swap3A_238 = memref.load %arg5[%swap3A_237] : memref<320xi32, #tpu.memory_space<smem>>
      memref.store %squeeze3A_235, %arg5[%swap3A_237] : memref<320xi32, #tpu.memory_space<smem>>
      %slice3A_239 = vector.extract_strided_slice %get3A_178 {offsets = [12], sizes = [1], strides = [1]} : vector<16xi32> to vector<1xi32>
      %squeeze3A_240 = vector.extract %slice3A_239[0] : i32 from vector<1xi32>
      %swap3A_241 = arith.constant 44 : i32
      %swap3A_242 = arith.index_cast %swap3A_241 : i32 to index
      %swap3A_243 = memref.load %arg5[%swap3A_242] : memref<320xi32, #tpu.memory_space<smem>>
      memref.store %squeeze3A_240, %arg5[%swap3A_242] : memref<320xi32, #tpu.memory_space<smem>>
      %slice3A_244 = vector.extract_strided_slice %get3A_178 {offsets = [13], sizes = [1], strides = [1]} : vector<16xi32> to vector<1xi32>
      %squeeze3A_245 = vector.extract %slice3A_244[0] : i32 from vector<1xi32>
      %swap3A_246 = arith.constant 45 : i32
      %swap3A_247 = arith.index_cast %swap3A_246 : i32 to index
      %swap3A_248 = memref.load %arg5[%swap3A_247] : memref<320xi32, #tpu.memory_space<smem>>
      memref.store %squeeze3A_245, %arg5[%swap3A_247] : memref<320xi32, #tpu.memory_space<smem>>
      %slice3A_249 = vector.extract_strided_slice %get3A_178 {offsets = [14], sizes = [1], strides = [1]} : vector<16xi32> to vector<1xi32>
      %squeeze3A_250 = vector.extract %slice3A_249[0] : i32 from vector<1xi32>
      %swap3A_251 = arith.constant 46 : i32
      %swap3A_252 = arith.index_cast %swap3A_251 : i32 to index
      %swap3A_253 = memref.load %arg5[%swap3A_252] : memref<320xi32, #tpu.memory_space<smem>>
      memref.store %squeeze3A_250, %arg5[%swap3A_252] : memref<320xi32, #tpu.memory_space<smem>>
      %slice3A_254 = vector.extract_strided_slice %get3A_178 {offsets = [15], sizes = [1], strides = [1]} : vector<16xi32> to vector<1xi32>
      %squeeze3A_255 = vector.extract %slice3A_254[0] : i32 from vector<1xi32>
      %swap3A_256 = arith.constant 47 : i32
      %swap3A_257 = arith.index_cast %swap3A_256 : i32 to index
      %swap3A_258 = memref.load %arg5[%swap3A_257] : memref<320xi32, #tpu.memory_space<smem>>
      memref.store %squeeze3A_255, %arg5[%swap3A_257] : memref<320xi32, #tpu.memory_space<smem>>
      %get3A_259 = arith.constant 48 : index
      %get3A_260 = tpu.vector_load %arg6[%get3A_259] {strides = array<i32>} : memref<320xi32, #tpu.memory_space<vmem>>, vector<16xi32>,
      %get3A_261 = vector.shape_cast %get3A_260 : vector<16xi32> to vector<16xi32>
      %slice3A_262 = vector.extract_strided_slice %get3A_261 {offsets = [0], sizes = [1], strides = [1]} : vector<16xi32> to vector<1xi32>
      %squeeze3A_263 = vector.extract %slice3A_262[0] : i32 from vector<1xi32>
      %swap3A_264 = arith.constant 48 : i32
      %swap3A_265 = arith.index_cast %swap3A_264 : i32 to index
      %swap3A_266 = memref.load %arg5[%swap3A_265] : memref<320xi32, #tpu.memory_space<smem>>
      memref.store %squeeze3A_263, %arg5[%swap3A_265] : memref<320xi32, #tpu.memory_space<smem>>
      %slice3A_267 = vector.extract_strided_slice %get3A_261 {offsets = [1], sizes = [1], strides = [1]} : vector<16xi32> to vector<1xi32>
      %squeeze3A_268 = vector.extract %slice3A_267[0] : i32 from vector<1xi32>
      %swap3A_269 = arith.constant 49 : i32
      %swap3A_270 = arith.index_cast %swap3A_269 : i32 to index
      %swap3A_271 = memref.load %arg5[%swap3A_270] : memref<320xi32, #tpu.memory_space<smem>>
      memref.store %squeeze3A_268, %arg5[%swap3A_270] : memref<320xi32, #tpu.memory_space<smem>>
      %slice3A_272 = vector.extract_strided_slice %get3A_261 {offsets = [2], sizes = [1], strides = [1]} : vector<16xi32> to vector<1xi32>
      %squeeze3A_273 = vector.extract %slice3A_272[0] : i32 from vector<1xi32>
      %swap3A_274 = arith.constant 50 : i32
      %swap3A_275 = arith.index_cast %swap3A_274 : i32 to index
      %swap3A_276 = memref.load %arg5[%swap3A_275] : memref<320xi32, #tpu.memory_space<smem>>
      memref.store %squeeze3A_273, %arg5[%swap3A_275] : memref<320xi32, #tpu.memory_space<smem>>
      %slice3A_277 = vector.extract_strided_slice %get3A_261 {offsets = [3], sizes = [1], strides = [1]} : vector<16xi32> to vector<1xi32>
      %squeeze3A_278 = vector.extract %slice3A_277[0] : i32 from vector<1xi32>
      %swap3A_279 = arith.constant 51 : i32
      %swap3A_280 = arith.index_cast %swap3A_279 : i32 to index
      %swap3A_281 = memref.load %arg5[%swap3A_280] : memref<320xi32, #tpu.memory_space<smem>>
      memref.store %squeeze3A_278, %arg5[%swap3A_280] : memref<320xi32, #tpu.memory_space<smem>>
      %slice3A_282 = vector.extract_strided_slice %get3A_261 {offsets = [4], sizes = [1], strides = [1]} : vector<16xi32> to vector<1xi32>
      %squeeze3A_283 = vector.extract %slice3A_282[0] : i32 from vector<1xi32>
      %swap3A_284 = arith.constant 52 : i32
      %swap3A_285 = arith.index_cast %swap3A_284 : i32 to index
      %swap3A_286 = memref.load %arg5[%swap3A_285] : memref<320xi32, #tpu.memory_space<smem>>
      memref.store %squeeze3A_283, %arg5[%swap3A_285] : memref<320xi32, #tpu.memory_space<smem>>
      %slice3A_287 = vector.extract_strided_slice %get3A_261 {offsets = [5], sizes = [1], strides = [1]} : vector<16xi32> to vector<1xi32>
      %squeeze3A_288 = vector.extract %slice3A_287[0] : i32 from vector<1xi32>
      %swap3A_289 = arith.constant 53 : i32
      %swap3A_290 = arith.index_cast %swap3A_289 : i32 to index
      %swap3A_291 = memref.load %arg5[%swap3A_290] : memref<320xi32, #tpu.memory_space<smem>>
      memref.store %squeeze3A_288, %arg5[%swap3A_290] : memref<320xi32, #tpu.memory_space<smem>>
      %slice3A_292 = vector.extract_strided_slice %get3A_261 {offsets = [6], sizes = [1], strides = [1]} : vector<16xi32> to vector<1xi32>
      %squeeze3A_293 = vector.extract %slice3A_292[0] : i32 from vector<1xi32>
      %swap3A_294 = arith.constant 54 : i32
      %swap3A_295 = arith.index_cast %swap3A_294 : i32 to index
      %swap3A_296 = memref.load %arg5[%swap3A_295] : memref<320xi32, #tpu.memory_space<smem>>
      memref.store %squeeze3A_293, %arg5[%swap3A_295] : memref<320xi32, #tpu.memory_space<smem>>
      %slice3A_297 = vector.extract_strided_slice %get3A_261 {offsets = [7], sizes = [1], strides = [1]} : vector<16xi32> to vector<1xi32>
      %squeeze3A_298 = vector.extract %slice3A_297[0] : i32 from vector<1xi32>
      %swap3A_299 = arith.constant 55 : i32
      %swap3A_300 = arith.index_cast %swap3A_299 : i32 to index
      %swap3A_301 = memref.load %arg5[%swap3A_300] : memref<320xi32, #tpu.memory_space<smem>>
      memref.store %squeeze3A_298, %arg5[%swap3A_300] : memref<320xi32, #tpu.memory_space<smem>>
      %slice3A_302 = vector.extract_strided_slice %get3A_261 {offsets = [8], sizes = [1], strides = [1]} : vector<16xi32> to vector<1xi32>
      %squeeze3A_303 = vector.extract %slice3A_302[0] : i32 from vector<1xi32>
      %swap3A_304 = arith.constant 56 : i32
      %swap3A_305 = arith.index_cast %swap3A_304 : i32 to index
      %swap3A_306 = memref.load %arg5[%swap3A_305] : memref<320xi32, #tpu.memory_space<smem>>
      memref.store %squeeze3A_303, %arg5[%swap3A_305] : memref<320xi32, #tpu.memory_space<smem>>
      %slice3A_307 = vector.extract_strided_slice %get3A_261 {offsets = [9], sizes = [1], strides = [1]} : vector<16xi32> to vector<1xi32>
      %squeeze3A_308 = vector.extract %slice3A_307[0] : i32 from vector<1xi32>
      %swap3A_309 = arith.constant 57 : i32
      %swap3A_310 = arith.index_cast %swap3A_309 : i32 to index
      %swap3A_311 = memref.load %arg5[%swap3A_310] : memref<320xi32, #tpu.memory_space<smem>>
      memref.store %squeeze3A_308, %arg5[%swap3A_310] : memref<320xi32, #tpu.memory_space<smem>>
      %slice3A_312 = vector.extract_strided_slice %get3A_261 {offsets = [10], sizes = [1], strides = [1]} : vector<16xi32> to vector<1xi32>
      %squeeze3A_313 = vector.extract %slice3A_312[0] : i32 from vector<1xi32>
      %swap3A_314 = arith.constant 58 : i32
      %swap3A_315 = arith.index_cast %swap3A_314 : i32 to index
      %swap3A_316 = memref.load %arg5[%swap3A_315] : memref<320xi32, #tpu.memory_space<smem>>
      memref.store %squeeze3A_313, %arg5[%swap3A_315] : memref<320xi32, #tpu.memory_space<smem>>
      %slice3A_317 = vector.extract_strided_slice %get3A_261 {offsets = [11], sizes = [1], strides = [1]} : vector<16xi32> to vector<1xi32>
      %squeeze3A_318 = vector.extract %slice3A_317[0] : i32 from vector<1xi32>
      %swap3A_319 = arith.constant 59 : i32
      %swap3A_320 = arith.index_cast %swap3A_319 : i32 to index
      %swap3A_321 = memref.load %arg5[%swap3A_320] : memref<320xi32, #tpu.memory_space<smem>>
      memref.store %squeeze3A_318, %arg5[%swap3A_320] : memref<320xi32, #tpu.memory_space<smem>>
      %slice3A_322 = vector.extract_strided_slice %get3A_261 {offsets = [12], sizes = [1], strides = [1]} : vector<16xi32> to vector<1xi32>
      %squeeze3A_323 = vector.extract %slice3A_322[0] : i32 from vector<1xi32>
      %swap3A_324 = arith.constant 60 : i32
      %swap3A_325 = arith.index_cast %swap3A_324 : i32 to index
      %swap3A_326 = memref.load %arg5[%swap3A_325] : memref<320xi32, #tpu.memory_space<smem>>
      memref.store %squeeze3A_323, %arg5[%swap3A_325] : memref<320xi32, #tpu.memory_space<smem>>
      %slice3A_327 = vector.extract_strided_slice %get3A_261 {offsets = [13], sizes = [1], strides = [1]} : vector<16xi32> to vector<1xi32>
      %squeeze3A_328 = vector.extract %slice3A_327[0] : i32 from vector<1xi32>
      %swap3A_329 = arith.constant 61 : i32
      %swap3A_330 = arith.index_cast %swap3A_329 : i32 to index
      %swap3A_331 = memref.load %arg5[%swap3A_330] : memref<320xi32, #tpu.memory_space<smem>>
      memref.store %squeeze3A_328, %arg5[%swap3A_330] : memref<320xi32, #tpu.memory_space<smem>>
      %slice3A_332 = vector.extract_strided_slice %get3A_261 {offsets = [14], sizes = [1], strides = [1]} : vector<16xi32> to vector<1xi32>
      %squeeze3A_333 = vector.extract %slice3A_332[0] : i32 from vector<1xi32>
      %swap3A_334 = arith.constant 62 : i32
      %swap3A_335 = arith.index_cast %swap3A_334 : i32 to index
      %swap3A_336 = memref.load %arg5[%swap3A_335] : memref<320xi32, #tpu.memory_space<smem>>
      memref.store %squeeze3A_333, %arg5[%swap3A_335] : memref<320xi32, #tpu.memory_space<smem>>
      %slice3A_337 = vector.extract_strided_slice %get3A_261 {offsets = [15], sizes = [1], strides = [1]} : vector<16xi32> to vector<1xi32>
      %squeeze3A_338 = vector.extract %slice3A_337[0] : i32 from vector<1xi32>
      %swap3A_339 = arith.constant 63 : i32
      %swap3A_340 = arith.index_cast %swap3A_339 : i32 to index
      %swap3A_341 = memref.load %arg5[%swap3A_340] : memref<320xi32, #tpu.memory_space<smem>>
      memref.store %squeeze3A_338, %arg5[%swap3A_340] : memref<320xi32, #tpu.memory_space<smem>>
      %get3A_342 = arith.constant 64 : index
      %get3A_343 = tpu.vector_load %arg6[%get3A_342] {strides = array<i32>} : memref<320xi32, #tpu.memory_space<vmem>>, vector<16xi32>,
      %get3A_344 = vector.shape_cast %get3A_343 : vector<16xi32> to vector<16xi32>
      %slice3A_345 = vector.extract_strided_slice %get3A_344 {offsets = [0], sizes = [1], strides = [1]} : vector<16xi32> to vector<1xi32>
      %squeeze3A_346 = vector.extract %slice3A_345[0] : i32 from vector<1xi32>
      %swap3A_347 = arith.constant 64 : i32
      %swap3A_348 = arith.index_cast %swap3A_347 : i32 to index
      %swap3A_349 = memref.load %arg5[%swap3A_348] : memref<320xi32, #tpu.memory_space<smem>>
      memref.store %squeeze3A_346, %arg5[%swap3A_348] : memref<320xi32, #tpu.memory_space<smem>>
      %slice3A_350 = vector.extract_strided_slice %get3A_344 {offsets = [1], sizes = [1], strides = [1]} : vector<16xi32> to vector<1xi32>
      %squeeze3A_351 = vector.extract %slice3A_350[0] : i32 from vector<1xi32>
      %swap3A_352 = arith.constant 65 : i32
      %swap3A_353 = arith.index_cast %swap3A_352 : i32 to index
      %swap3A_354 = memref.load %arg5[%swap3A_353] : memref<320xi32, #tpu.memory_space<smem>>
      memref.store %squeeze3A_351, %arg5[%swap3A_353] : memref<320xi32, #tpu.memory_space<smem>>
      %slice3A_355 = vector.extract_strided_slice %get3A_344 {offsets = [2], sizes = [1], strides = [1]} : vector<16xi32> to vector<1xi32>
      %squeeze3A_356 = vector.extract %slice3A_355[0] : i32 from vector<1xi32>
      %swap3A_357 = arith.constant 66 : i32
      %swap3A_358 = arith.index_cast %swap3A_357 : i32 to index
      %swap3A_359 = memref.load %arg5[%swap3A_358] : memref<320xi32, #tpu.memory_space<smem>>
      memref.store %squeeze3A_356, %arg5[%swap3A_358] : memref<320xi32, #tpu.memory_space<smem>>
      %slice3A_360 = vector.extract_strided_slice %get3A_344 {offsets = [3], sizes = [1], strides = [1]} : vector<16xi32> to vector<1xi32>
      %squeeze3A_361 = vector.extract %slice3A_360[0] : i32 from vector<1xi32>
      %swap3A_362 = arith.constant 67 : i32
      %swap3A_363 = arith.index_cast %swap3A_362 : i32 to index
      %swap3A_364 = memref.load %arg5[%swap3A_363] : memref<320xi32, #tpu.memory_space<smem>>
      memref.store %squeeze3A_361, %arg5[%swap3A_363] : memref<320xi32, #tpu.memory_space<smem>>
      %slice3A_365 = vector.extract_strided_slice %get3A_344 {offsets = [4], sizes = [1], strides = [1]} : vector<16xi32> to vector<1xi32>
      %squeeze3A_366 = vector.extract %slice3A_365[0] : i32 from vector<1xi32>
      %swap3A_367 = arith.constant 68 : i32
      %swap3A_368 = arith.index_cast %swap3A_367 : i32 to index
      %swap3A_369 = memref.load %arg5[%swap3A_368] : memref<320xi32, #tpu.memory_space<smem>>
      memref.store %squeeze3A_366, %arg5[%swap3A_368] : memref<320xi32, #tpu.memory_space<smem>>
      %slice3A_370 = vector.extract_strided_slice %get3A_344 {offsets = [5], sizes = [1], strides = [1]} : vector<16xi32> to vector<1xi32>
      %squeeze3A_371 = vector.extract %slice3A_370[0] : i32 from vector<1xi32>
      %swap3A_372 = arith.constant 69 : i32
      %swap3A_373 = arith.index_cast %swap3A_372 : i32 to index
      %swap3A_374 = memref.load %arg5[%swap3A_373] : memref<320xi32, #tpu.memory_space<smem>>
      memref.store %squeeze3A_371, %arg5[%swap3A_373] : memref<320xi32, #tpu.memory_space<smem>>
      %slice3A_375 = vector.extract_strided_slice %get3A_344 {offsets = [6], sizes = [1], strides = [1]} : vector<16xi32> to vector<1xi32>
      %squeeze3A_376 = vector.extract %slice3A_375[0] : i32 from vector<1xi32>
      %swap3A_377 = arith.constant 70 : i32
      %swap3A_378 = arith.index_cast %swap3A_377 : i32 to index
      %swap3A_379 = memref.load %arg5[%swap3A_378] : memref<320xi32, #tpu.memory_space<smem>>
      memref.store %squeeze3A_376, %arg5[%swap3A_378] : memref<320xi32, #tpu.memory_space<smem>>
      %slice3A_380 = vector.extract_strided_slice %get3A_344 {offsets = [7], sizes = [1], strides = [1]} : vector<16xi32> to vector<1xi32>
      %squeeze3A_381 = vector.extract %slice3A_380[0] : i32 from vector<1xi32>
      %swap3A_382 = arith.constant 71 : i32
      %swap3A_383 = arith.index_cast %swap3A_382 : i32 to index
      %swap3A_384 = memref.load %arg5[%swap3A_383] : memref<320xi32, #tpu.memory_space<smem>>
      memref.store %squeeze3A_381, %arg5[%swap3A_383] : memref<320xi32, #tpu.memory_space<smem>>
      %slice3A_385 = vector.extract_strided_slice %get3A_344 {offsets = [8], sizes = [1], strides = [1]} : vector<16xi32> to vector<1xi32>
      %squeeze3A_386 = vector.extract %slice3A_385[0] : i32 from vector<1xi32>
      %swap3A_387 = arith.constant 72 : i32
      %swap3A_388 = arith.index_cast %swap3A_387 : i32 to index
      %swap3A_389 = memref.load %arg5[%swap3A_388] : memref<320xi32, #tpu.memory_space<smem>>
      memref.store %squeeze3A_386, %arg5[%swap3A_388] : memref<320xi32, #tpu.memory_space<smem>>
      %slice3A_390 = vector.extract_strided_slice %get3A_344 {offsets = [9], sizes = [1], strides = [1]} : vector<16xi32> to vector<1xi32>
      %squeeze3A_391 = vector.extract %slice3A_390[0] : i32 from vector<1xi32>
      %swap3A_392 = arith.constant 73 : i32
      %swap3A_393 = arith.index_cast %swap3A_392 : i32 to index
      %swap3A_394 = memref.load %arg5[%swap3A_393] : memref<320xi32, #tpu.memory_space<smem>>
      memref.store %squeeze3A_391, %arg5[%swap3A_393] : memref<320xi32, #tpu.memory_space<smem>>
      %slice3A_395 = vector.extract_strided_slice %get3A_344 {offsets = [10], sizes = [1], strides = [1]} : vector<16xi32> to vector<1xi32>
      %squeeze3A_396 = vector.extract %slice3A_395[0] : i32 from vector<1xi32>
      %swap3A_397 = arith.constant 74 : i32
      %swap3A_398 = arith.index_cast %swap3A_397 : i32 to index
      %swap3A_399 = memref.load %arg5[%swap3A_398] : memref<320xi32, #tpu.memory_space<smem>>
      memref.store %squeeze3A_396, %arg5[%swap3A_398] : memref<320xi32, #tpu.memory_space<smem>>
      %slice3A_400 = vector.extract_strided_slice %get3A_344 {offsets = [11], sizes = [1], strides = [1]} : vector<16xi32> to vector<1xi32>
      %squeeze3A_401 = vector.extract %slice3A_400[0] : i32 from vector<1xi32>
      %swap3A_402 = arith.constant 75 : i32
      %swap3A_403 = arith.index_cast %swap3A_402 : i32 to index
      %swap3A_404 = memref.load %arg5[%swap3A_403] : memref<320xi32, #tpu.memory_space<smem>>
      memref.store %squeeze3A_401, %arg5[%swap3A_403] : memref<320xi32, #tpu.memory_space<smem>>
      %slice3A_405 = vector.extract_strided_slice %get3A_344 {offsets = [12], sizes = [1], strides = [1]} : vector<16xi32> to vector<1xi32>
      %squeeze3A_406 = vector.extract %slice3A_405[0] : i32 from vector<1xi32>
      %swap3A_407 = arith.constant 76 : i32
      %swap3A_408 = arith.index_cast %swap3A_407 : i32 to index
      %swap3A_409 = memref.load %arg5[%swap3A_408] : memref<320xi32, #tpu.memory_space<smem>>
      memref.store %squeeze3A_406, %arg5[%swap3A_408] : memref<320xi32, #tpu.memory_space<smem>>
      %slice3A_410 = vector.extract_strided_slice %get3A_344 {offsets = [13], sizes = [1], strides = [1]} : vector<16xi32> to vector<1xi32>
      %squeeze3A_411 = vector.extract %slice3A_410[0] : i32 from vector<1xi32>
      %swap3A_412 = arith.constant 77 : i32
      %swap3A_413 = arith.index_cast %swap3A_412 : i32 to index
      %swap3A_414 = memref.load %arg5[%swap3A_413] : memref<320xi32, #tpu.memory_space<smem>>
      memref.store %squeeze3A_411, %arg5[%swap3A_413] : memref<320xi32, #tpu.memory_space<smem>>
      %slice3A_415 = vector.extract_strided_slice %get3A_344 {offsets = [14], sizes = [1], strides = [1]} : vector<16xi32> to vector<1xi32>
      %squeeze3A_416 = vector.extract %slice3A_415[0] : i32 from vector<1xi32>
      %swap3A_417 = arith.constant 78 : i32
      %swap3A_418 = arith.index_cast %swap3A_417 : i32 to index
      %swap3A_419 = memref.load %arg5[%swap3A_418] : memref<320xi32, #tpu.memory_space<smem>>
      memref.store %squeeze3A_416, %arg5[%swap3A_418] : memref<320xi32, #tpu.memory_space<smem>>
      %slice3A_420 = vector.extract_strided_slice %get3A_344 {offsets = [15], sizes = [1], strides = [1]} : vector<16xi32> to vector<1xi32>
      %squeeze3A_421 = vector.extract %slice3A_420[0] : i32 from vector<1xi32>
      %swap3A_422 = arith.constant 79 : i32
      %swap3A_423 = arith.index_cast %swap3A_422 : i32 to index
      %swap3A_424 = memref.load %arg5[%swap3A_423] : memref<320xi32, #tpu.memory_space<smem>>
      memref.store %squeeze3A_421, %arg5[%swap3A_423] : memref<320xi32, #tpu.memory_space<smem>>
      %get3A_425 = arith.constant 80 : index
      %get3A_426 = tpu.vector_load %arg6[%get3A_425] {strides = array<i32>} : memref<320xi32, #tpu.memory_space<vmem>>, vector<16xi32>,
      %get3A_427 = vector.shape_cast %get3A_426 : vector<16xi32> to vector<16xi32>
      %slice3A_428 = vector.extract_strided_slice %get3A_427 {offsets = [0], sizes = [1], strides = [1]} : vector<16xi32> to vector<1xi32>
      %squeeze3A_429 = vector.extract %slice3A_428[0] : i32 from vector<1xi32>
      %swap3A_430 = arith.constant 80 : i32
      %swap3A_431 = arith.index_cast %swap3A_430 : i32 to index
      %swap3A_432 = memref.load %arg5[%swap3A_431] : memref<320xi32, #tpu.memory_space<smem>>
      memref.store %squeeze3A_429, %arg5[%swap3A_431] : memref<320xi32, #tpu.memory_space<smem>>
      %slice3A_433 = vector.extract_strided_slice %get3A_427 {offsets = [1], sizes = [1], strides = [1]} : vector<16xi32> to vector<1xi32>
      %squeeze3A_434 = vector.extract %slice3A_433[0] : i32 from vector<1xi32>
      %swap3A_435 = arith.constant 81 : i32
      %swap3A_436 = arith.index_cast %swap3A_435 : i32 to index
      %swap3A_437 = memref.load %arg5[%swap3A_436] : memref<320xi32, #tpu.memory_space<smem>>
      memref.store %squeeze3A_434, %arg5[%swap3A_436] : memref<320xi32, #tpu.memory_space<smem>>
      %slice3A_438 = vector.extract_strided_slice %get3A_427 {offsets = [2], sizes = [1], strides = [1]} : vector<16xi32> to vector<1xi32>
      %squeeze3A_439 = vector.extract %slice3A_438[0] : i32 from vector<1xi32>
      %swap3A_440 = arith.constant 82 : i32
      %swap3A_441 = arith.index_cast %swap3A_440 : i32 to index
      %swap3A_442 = memref.load %arg5[%swap3A_441] : memref<320xi32, #tpu.memory_space<smem>>
      memref.store %squeeze3A_439, %arg5[%swap3A_441] : memref<320xi32, #tpu.memory_space<smem>>
      %slice3A_443 = vector.extract_strided_slice %get3A_427 {offsets = [3], sizes = [1], strides = [1]} : vector<16xi32> to vector<1xi32>
      %squeeze3A_444 = vector.extract %slice3A_443[0] : i32 from vector<1xi32>
      %swap3A_445 = arith.constant 83 : i32
      %swap3A_446 = arith.index_cast %swap3A_445 : i32 to index
      %swap3A_447 = memref.load %arg5[%swap3A_446] : memref<320xi32, #tpu.memory_space<smem>>
      memref.store %squeeze3A_444, %arg5[%swap3A_446] : memref<320xi32, #tpu.memory_space<smem>>
      %slice3A_448 = vector.extract_strided_slice %get3A_427 {offsets = [4], sizes = [1], strides = [1]} : vector<16xi32> to vector<1xi32>
      %squeeze3A_449 = vector.extract %slice3A_448[0] : i32 from vector<1xi32>
      %swap3A_450 = arith.constant 84 : i32
      %swap3A_451 = arith.index_cast %swap3A_450 : i32 to index
      %swap3A_452 = memref.load %arg5[%swap3A_451] : memref<320xi32, #tpu.memory_space<smem>>
      memref.store %squeeze3A_449, %arg5[%swap3A_451] : memref<320xi32, #tpu.memory_space<smem>>
      %slice3A_453 = vector.extract_strided_slice %get3A_427 {offsets = [5], sizes = [1], strides = [1]} : vector<16xi32> to vector<1xi32>
      %squeeze3A_454 = vector.extract %slice3A_453[0] : i32 from vector<1xi32>
      %swap3A_455 = arith.constant 85 : i32
      %swap3A_456 = arith.index_cast %swap3A_455 : i32 to index
      %swap3A_457 = memref.load %arg5[%swap3A_456] : memref<320xi32, #tpu.memory_space<smem>>
      memref.store %squeeze3A_454, %arg5[%swap3A_456] : memref<320xi32, #tpu.memory_space<smem>>
      %slice3A_458 = vector.extract_strided_slice %get3A_427 {offsets = [6], sizes = [1], strides = [1]} : vector<16xi32> to vector<1xi32>
      %squeeze3A_459 = vector.extract %slice3A_458[0] : i32 from vector<1xi32>
      %swap3A_460 = arith.constant 86 : i32
      %swap3A_461 = arith.index_cast %swap3A_460 : i32 to index
      %swap3A_462 = memref.load %arg5[%swap3A_461] : memref<320xi32, #tpu.memory_space<smem>>
      memref.store %squeeze3A_459, %arg5[%swap3A_461] : memref<320xi32, #tpu.memory_space<smem>>
      %slice3A_463 = vector.extract_strided_slice %get3A_427 {offsets = [7], sizes = [1], strides = [1]} : vector<16xi32> to vector<1xi32>
      %squeeze3A_464 = vector.extract %slice3A_463[0] : i32 from vector<1xi32>
      %swap3A_465 = arith.constant 87 : i32
      %swap3A_466 = arith.index_cast %swap3A_465 : i32 to index
      %swap3A_467 = memref.load %arg5[%swap3A_466] : memref<320xi32, #tpu.memory_space<smem>>
      memref.store %squeeze3A_464, %arg5[%swap3A_466] : memref<320xi32, #tpu.memory_space<smem>>
      %slice3A_468 = vector.extract_strided_slice %get3A_427 {offsets = [8], sizes = [1], strides = [1]} : vector<16xi32> to vector<1xi32>
      %squeeze3A_469 = vector.extract %slice3A_468[0] : i32 from vector<1xi32>
      %swap3A_470 = arith.constant 88 : i32
      %swap3A_471 = arith.index_cast %swap3A_470 : i32 to index
      %swap3A_472 = memref.load %arg5[%swap3A_471] : memref<320xi32, #tpu.memory_space<smem>>
      memref.store %squeeze3A_469, %arg5[%swap3A_471] : memref<320xi32, #tpu.memory_space<smem>>
      %slice3A_473 = vector.extract_strided_slice %get3A_427 {offsets = [9], sizes = [1], strides = [1]} : vector<16xi32> to vector<1xi32>
      %squeeze3A_474 = vector.extract %slice3A_473[0] : i32 from vector<1xi32>
      %swap3A_475 = arith.constant 89 : i32
      %swap3A_476 = arith.index_cast %swap3A_475 : i32 to index
      %swap3A_477 = memref.load %arg5[%swap3A_476] : memref<320xi32, #tpu.memory_space<smem>>
      memref.store %squeeze3A_474, %arg5[%swap3A_476] : memref<320xi32, #tpu.memory_space<smem>>
      %slice3A_478 = vector.extract_strided_slice %get3A_427 {offsets = [10], sizes = [1], strides = [1]} : vector<16xi32> to vector<1xi32>
      %squeeze3A_479 = vector.extract %slice3A_478[0] : i32 from vector<1xi32>
      %swap3A_480 = arith.constant 90 : i32
      %swap3A_481 = arith.index_cast %swap3A_480 : i32 to index
      %swap3A_482 = memref.load %arg5[%swap3A_481] : memref<320xi32, #tpu.memory_space<smem>>
      memref.store %squeeze3A_479, %arg5[%swap3A_481] : memref<320xi32, #tpu.memory_space<smem>>
      %slice3A_483 = vector.extract_strided_slice %get3A_427 {offsets = [11], sizes = [1], strides = [1]} : vector<16xi32> to vector<1xi32>
      %squeeze3A_484 = vector.extract %slice3A_483[0] : i32 from vector<1xi32>
      %swap3A_485 = arith.constant 91 : i32
      %swap3A_486 = arith.index_cast %swap3A_485 : i32 to index
      %swap3A_487 = memref.load %arg5[%swap3A_486] : memref<320xi32, #tpu.memory_space<smem>>
      memref.store %squeeze3A_484, %arg5[%swap3A_486] : memref<320xi32, #tpu.memory_space<smem>>
      %slice3A_488 = vector.extract_strided_slice %get3A_427 {offsets = [12], sizes = [1], strides = [1]} : vector<16xi32> to vector<1xi32>
      %squeeze3A_489 = vector.extract %slice3A_488[0] : i32 from vector<1xi32>
      %swap3A_490 = arith.constant 92 : i32
      %swap3A_491 = arith.index_cast %swap3A_490 : i32 to index
      %swap3A_492 = memref.load %arg5[%swap3A_491] : memref<320xi32, #tpu.memory_space<smem>>
      memref.store %squeeze3A_489, %arg5[%swap3A_491] : memref<320xi32, #tpu.memory_space<smem>>
      %slice3A_493 = vector.extract_strided_slice %get3A_427 {offsets = [13], sizes = [1], strides = [1]} : vector<16xi32> to vector<1xi32>
      %squeeze3A_494 = vector.extract %slice3A_493[0] : i32 from vector<1xi32>
      %swap3A_495 = arith.constant 93 : i32
      %swap3A_496 = arith.index_cast %swap3A_495 : i32 to index
      %swap3A_497 = memref.load %arg5[%swap3A_496] : memref<320xi32, #tpu.memory_space<smem>>
      memref.store %squeeze3A_494, %arg5[%swap3A_496] : memref<320xi32, #tpu.memory_space<smem>>
      %slice3A_498 = vector.extract_strided_slice %get3A_427 {offsets = [14], sizes = [1], strides = [1]} : vector<16xi32> to vector<1xi32>
      %squeeze3A_499 = vector.extract %slice3A_498[0] : i32 from vector<1xi32>
      %swap3A_500 = arith.constant 94 : i32
      %swap3A_501 = arith.index_cast %swap3A_500 : i32 to index
      %swap3A_502 = memref.load %arg5[%swap3A_501] : memref<320xi32, #tpu.memory_space<smem>>
      memref.store %squeeze3A_499, %arg5[%swap3A_501] : memref<320xi32, #tpu.memory_space<smem>>
      %slice3A_503 = vector.extract_strided_slice %get3A_427 {offsets = [15], sizes = [1], strides = [1]} : vector<16xi32> to vector<1xi32>
      %squeeze3A_504 = vector.extract %slice3A_503[0] : i32 from vector<1xi32>
      %swap3A_505 = arith.constant 95 : i32
      %swap3A_506 = arith.index_cast %swap3A_505 : i32 to index
      %swap3A_507 = memref.load %arg5[%swap3A_506] : memref<320xi32, #tpu.memory_space<smem>>
      memref.store %squeeze3A_504, %arg5[%swap3A_506] : memref<320xi32, #tpu.memory_space<smem>>
      %get3A_508 = arith.constant 96 : index
      %get3A_509 = tpu.vector_load %arg6[%get3A_508] {strides = array<i32>} : memref<320xi32, #tpu.memory_space<vmem>>, vector<16xi32>,
      %get3A_510 = vector.shape_cast %get3A_509 : vector<16xi32> to vector<16xi32>
      %slice3A_511 = vector.extract_strided_slice %get3A_510 {offsets = [0], sizes = [1], strides = [1]} : vector<16xi32> to vector<1xi32>
      %squeeze3A_512 = vector.extract %slice3A_511[0] : i32 from vector<1xi32>
      %swap3A_513 = arith.constant 96 : i32
      %swap3A_514 = arith.index_cast %swap3A_513 : i32 to index
      %swap3A_515 = memref.load %arg5[%swap3A_514] : memref<320xi32, #tpu.memory_space<smem>>
      memref.store %squeeze3A_512, %arg5[%swap3A_514] : memref<320xi32, #tpu.memory_space<smem>>
      %slice3A_516 = vector.extract_strided_slice %get3A_510 {offsets = [1], sizes = [1], strides = [1]} : vector<16xi32> to vector<1xi32>
      %squeeze3A_517 = vector.extract %slice3A_516[0] : i32 from vector<1xi32>
      %swap3A_518 = arith.constant 97 : i32
      %swap3A_519 = arith.index_cast %swap3A_518 : i32 to index
      %swap3A_520 = memref.load %arg5[%swap3A_519] : memref<320xi32, #tpu.memory_space<smem>>
      memref.store %squeeze3A_517, %arg5[%swap3A_519] : memref<320xi32, #tpu.memory_space<smem>>
      %slice3A_521 = vector.extract_strided_slice %get3A_510 {offsets = [2], sizes = [1], strides = [1]} : vector<16xi32> to vector<1xi32>
      %squeeze3A_522 = vector.extract %slice3A_521[0] : i32 from vector<1xi32>
      %swap3A_523 = arith.constant 98 : i32
      %swap3A_524 = arith.index_cast %swap3A_523 : i32 to index
      %swap3A_525 = memref.load %arg5[%swap3A_524] : memref<320xi32, #tpu.memory_space<smem>>
      memref.store %squeeze3A_522, %arg5[%swap3A_524] : memref<320xi32, #tpu.memory_space<smem>>
      %slice3A_526 = vector.extract_strided_slice %get3A_510 {offsets = [3], sizes = [1], strides = [1]} : vector<16xi32> to vector<1xi32>
      %squeeze3A_527 = vector.extract %slice3A_526[0] : i32 from vector<1xi32>
      %swap3A_528 = arith.constant 99 : i32
      %swap3A_529 = arith.index_cast %swap3A_528 : i32 to index
      %swap3A_530 = memref.load %arg5[%swap3A_529] : memref<320xi32, #tpu.memory_space<smem>>
      memref.store %squeeze3A_527, %arg5[%swap3A_529] : memref<320xi32, #tpu.memory_space<smem>>
      %slice3A_531 = vector.extract_strided_slice %get3A_510 {offsets = [4], sizes = [1], strides = [1]} : vector<16xi32> to vector<1xi32>
      %squeeze3A_532 = vector.extract %slice3A_531[0] : i32 from vector<1xi32>
      %swap3A_533 = arith.constant 100 : i32
      %swap3A_534 = arith.index_cast %swap3A_533 : i32 to index
      %swap3A_535 = memref.load %arg5[%swap3A_534] : memref<320xi32, #tpu.memory_space<smem>>
      memref.store %squeeze3A_532, %arg5[%swap3A_534] : memref<320xi32, #tpu.memory_space<smem>>
      %slice3A_536 = vector.extract_strided_slice %get3A_510 {offsets = [5], sizes = [1], strides = [1]} : vector<16xi32> to vector<1xi32>
      %squeeze3A_537 = vector.extract %slice3A_536[0] : i32 from vector<1xi32>
      %swap3A_538 = arith.constant 101 : i32
      %swap3A_539 = arith.index_cast %swap3A_538 : i32 to index
      %swap3A_540 = memref.load %arg5[%swap3A_539] : memref<320xi32, #tpu.memory_space<smem>>
      memref.store %squeeze3A_537, %arg5[%swap3A_539] : memref<320xi32, #tpu.memory_space<smem>>
      %slice3A_541 = vector.extract_strided_slice %get3A_510 {offsets = [6], sizes = [1], strides = [1]} : vector<16xi32> to vector<1xi32>
      %squeeze3A_542 = vector.extract %slice3A_541[0] : i32 from vector<1xi32>
      %swap3A_543 = arith.constant 102 : i32
      %swap3A_544 = arith.index_cast %swap3A_543 : i32 to index
      %swap3A_545 = memref.load %arg5[%swap3A_544] : memref<320xi32, #tpu.memory_space<smem>>
      memref.store %squeeze3A_542, %arg5[%swap3A_544] : memref<320xi32, #tpu.memory_space<smem>>
      %slice3A_546 = vector.extract_strided_slice %get3A_510 {offsets = [7], sizes = [1], strides = [1]} : vector<16xi32> to vector<1xi32>
      %squeeze3A_547 = vector.extract %slice3A_546[0] : i32 from vector<1xi32>
      %swap3A_548 = arith.constant 103 : i32
      %swap3A_549 = arith.index_cast %swap3A_548 : i32 to index
      %swap3A_550 = memref.load %arg5[%swap3A_549] : memref<320xi32, #tpu.memory_space<smem>>
      memref.store %squeeze3A_547, %arg5[%swap3A_549] : memref<320xi32, #tpu.memory_space<smem>>
      %slice3A_551 = vector.extract_strided_slice %get3A_510 {offsets = [8], sizes = [1], strides = [1]} : vector<16xi32> to vector<1xi32>
      %squeeze3A_552 = vector.extract %slice3A_551[0] : i32 from vector<1xi32>
      %swap3A_553 = arith.constant 104 : i32
      %swap3A_554 = arith.index_cast %swap3A_553 : i32 to index
      %swap3A_555 = memref.load %arg5[%swap3A_554] : memref<320xi32, #tpu.memory_space<smem>>
      memref.store %squeeze3A_552, %arg5[%swap3A_554] : memref<320xi32, #tpu.memory_space<smem>>
      %slice3A_556 = vector.extract_strided_slice %get3A_510 {offsets = [9], sizes = [1], strides = [1]} : vector<16xi32> to vector<1xi32>
      %squeeze3A_557 = vector.extract %slice3A_556[0] : i32 from vector<1xi32>
      %swap3A_558 = arith.constant 105 : i32
      %swap3A_559 = arith.index_cast %swap3A_558 : i32 to index
      %swap3A_560 = memref.load %arg5[%swap3A_559] : memref<320xi32, #tpu.memory_space<smem>>
      memref.store %squeeze3A_557, %arg5[%swap3A_559] : memref<320xi32, #tpu.memory_space<smem>>
      %slice3A_561 = vector.extract_strided_slice %get3A_510 {offsets = [10], sizes = [1], strides = [1]} : vector<16xi32> to vector<1xi32>
      %squeeze3A_562 = vector.extract %slice3A_561[0] : i32 from vector<1xi32>
      %swap3A_563 = arith.constant 106 : i32
      %swap3A_564 = arith.index_cast %swap3A_563 : i32 to index
      %swap3A_565 = memref.load %arg5[%swap3A_564] : memref<320xi32, #tpu.memory_space<smem>>
      memref.store %squeeze3A_562, %arg5[%swap3A_564] : memref<320xi32, #tpu.memory_space<smem>>
      %slice3A_566 = vector.extract_strided_slice %get3A_510 {offsets = [11], sizes = [1], strides = [1]} : vector<16xi32> to vector<1xi32>
      %squeeze3A_567 = vector.extract %slice3A_566[0] : i32 from vector<1xi32>
      %swap3A_568 = arith.constant 107 : i32
      %swap3A_569 = arith.index_cast %swap3A_568 : i32 to index
      %swap3A_570 = memref.load %arg5[%swap3A_569] : memref<320xi32, #tpu.memory_space<smem>>
      memref.store %squeeze3A_567, %arg5[%swap3A_569] : memref<320xi32, #tpu.memory_space<smem>>
      %slice3A_571 = vector.extract_strided_slice %get3A_510 {offsets = [12], sizes = [1], strides = [1]} : vector<16xi32> to vector<1xi32>
      %squeeze3A_572 = vector.extract %slice3A_571[0] : i32 from vector<1xi32>
      %swap3A_573 = arith.constant 108 : i32
      %swap3A_574 = arith.index_cast %swap3A_573 : i32 to index
      %swap3A_575 = memref.load %arg5[%swap3A_574] : memref<320xi32, #tpu.memory_space<smem>>
      memref.store %squeeze3A_572, %arg5[%swap3A_574] : memref<320xi32, #tpu.memory_space<smem>>
      %slice3A_576 = vector.extract_strided_slice %get3A_510 {offsets = [13], sizes = [1], strides = [1]} : vector<16xi32> to vector<1xi32>
      %squeeze3A_577 = vector.extract %slice3A_576[0] : i32 from vector<1xi32>
      %swap3A_578 = arith.constant 109 : i32
      %swap3A_579 = arith.index_cast %swap3A_578 : i32 to index
      %swap3A_580 = memref.load %arg5[%swap3A_579] : memref<320xi32, #tpu.memory_space<smem>>
      memref.store %squeeze3A_577, %arg5[%swap3A_579] : memref<320xi32, #tpu.memory_space<smem>>
      %slice3A_581 = vector.extract_strided_slice %get3A_510 {offsets = [14], sizes = [1], strides = [1]} : vector<16xi32> to vector<1xi32>
      %squeeze3A_582 = vector.extract %slice3A_581[0] : i32 from vector<1xi32>
      %swap3A_583 = arith.constant 110 : i32
      %swap3A_584 = arith.index_cast %swap3A_583 : i32 to index
      %swap3A_585 = memref.load %arg5[%swap3A_584] : memref<320xi32, #tpu.memory_space<smem>>
      memref.store %squeeze3A_582, %arg5[%swap3A_584] : memref<320xi32, #tpu.memory_space<smem>>
      %slice3A_586 = vector.extract_strided_slice %get3A_510 {offsets = [15], sizes = [1], strides = [1]} : vector<16xi32> to vector<1xi32>
      %squeeze3A_587 = vector.extract %slice3A_586[0] : i32 from vector<1xi32>
      %swap3A_588 = arith.constant 111 : i32
      %swap3A_589 = arith.index_cast %swap3A_588 : i32 to index
      %swap3A_590 = memref.load %arg5[%swap3A_589] : memref<320xi32, #tpu.memory_space<smem>>
      memref.store %squeeze3A_587, %arg5[%swap3A_589] : memref<320xi32, #tpu.memory_space<smem>>
      %get3A_591 = arith.constant 112 : index
      %get3A_592 = tpu.vector_load %arg6[%get3A_591] {strides = array<i32>} : memref<320xi32, #tpu.memory_space<vmem>>, vector<16xi32>,
      %get3A_593 = vector.shape_cast %get3A_592 : vector<16xi32> to vector<16xi32>
      %slice3A_594 = vector.extract_strided_slice %get3A_593 {offsets = [0], sizes = [1], strides = [1]} : vector<16xi32> to vector<1xi32>
      %squeeze3A_595 = vector.extract %slice3A_594[0] : i32 from vector<1xi32>
      %swap3A_596 = arith.constant 112 : i32
      %swap3A_597 = arith.index_cast %swap3A_596 : i32 to index
      %swap3A_598 = memref.load %arg5[%swap3A_597] : memref<320xi32, #tpu.memory_space<smem>>
      memref.store %squeeze3A_595, %arg5[%swap3A_597] : memref<320xi32, #tpu.memory_space<smem>>
      %slice3A_599 = vector.extract_strided_slice %get3A_593 {offsets = [1], sizes = [1], strides = [1]} : vector<16xi32> to vector<1xi32>
      %squeeze3A_600 = vector.extract %slice3A_599[0] : i32 from vector<1xi32>
      %swap3A_601 = arith.constant 113 : i32
      %swap3A_602 = arith.index_cast %swap3A_601 : i32 to index
      %swap3A_603 = memref.load %arg5[%swap3A_602] : memref<320xi32, #tpu.memory_space<smem>>
      memref.store %squeeze3A_600, %arg5[%swap3A_602] : memref<320xi32, #tpu.memory_space<smem>>
      %slice3A_604 = vector.extract_strided_slice %get3A_593 {offsets = [2], sizes = [1], strides = [1]} : vector<16xi32> to vector<1xi32>
      %squeeze3A_605 = vector.extract %slice3A_604[0] : i32 from vector<1xi32>
      %swap3A_606 = arith.constant 114 : i32
      %swap3A_607 = arith.index_cast %swap3A_606 : i32 to index
      %swap3A_608 = memref.load %arg5[%swap3A_607] : memref<320xi32, #tpu.memory_space<smem>>
      memref.store %squeeze3A_605, %arg5[%swap3A_607] : memref<320xi32, #tpu.memory_space<smem>>
      %slice3A_609 = vector.extract_strided_slice %get3A_593 {offsets = [3], sizes = [1], strides = [1]} : vector<16xi32> to vector<1xi32>
      %squeeze3A_610 = vector.extract %slice3A_609[0] : i32 from vector<1xi32>
      %swap3A_611 = arith.constant 115 : i32
      %swap3A_612 = arith.index_cast %swap3A_611 : i32 to index
      %swap3A_613 = memref.load %arg5[%swap3A_612] : memref<320xi32, #tpu.memory_space<smem>>
      memref.store %squeeze3A_610, %arg5[%swap3A_612] : memref<320xi32, #tpu.memory_space<smem>>
      %slice3A_614 = vector.extract_strided_slice %get3A_593 {offsets = [4], sizes = [1], strides = [1]} : vector<16xi32> to vector<1xi32>
      %squeeze3A_615 = vector.extract %slice3A_614[0] : i32 from vector<1xi32>
      %swap3A_616 = arith.constant 116 : i32
      %swap3A_617 = arith.index_cast %swap3A_616 : i32 to index
      %swap3A_618 = memref.load %arg5[%swap3A_617] : memref<320xi32, #tpu.memory_space<smem>>
      memref.store %squeeze3A_615, %arg5[%swap3A_617] : memref<320xi32, #tpu.memory_space<smem>>
      %slice3A_619 = vector.extract_strided_slice %get3A_593 {offsets = [5], sizes = [1], strides = [1]} : vector<16xi32> to vector<1xi32>
      %squeeze3A_620 = vector.extract %slice3A_619[0] : i32 from vector<1xi32>
      %swap3A_621 = arith.constant 117 : i32
      %swap3A_622 = arith.index_cast %swap3A_621 : i32 to index
      %swap3A_623 = memref.load %arg5[%swap3A_622] : memref<320xi32, #tpu.memory_space<smem>>
      memref.store %squeeze3A_620, %arg5[%swap3A_622] : memref<320xi32, #tpu.memory_space<smem>>
      %slice3A_624 = vector.extract_strided_slice %get3A_593 {offsets = [6], sizes = [1], strides = [1]} : vector<16xi32> to vector<1xi32>
      %squeeze3A_625 = vector.extract %slice3A_624[0] : i32 from vector<1xi32>
      %swap3A_626 = arith.constant 118 : i32
      %swap3A_627 = arith.index_cast %swap3A_626 : i32 to index
      %swap3A_628 = memref.load %arg5[%swap3A_627] : memref<320xi32, #tpu.memory_space<smem>>
      memref.store %squeeze3A_625, %arg5[%swap3A_627] : memref<320xi32, #tpu.memory_space<smem>>
      %slice3A_629 = vector.extract_strided_slice %get3A_593 {offsets = [7], sizes = [1], strides = [1]} : vector<16xi32> to vector<1xi32>
      %squeeze3A_630 = vector.extract %slice3A_629[0] : i32 from vector<1xi32>
      %swap3A_631 = arith.constant 119 : i32
      %swap3A_632 = arith.index_cast %swap3A_631 : i32 to index
      %swap3A_633 = memref.load %arg5[%swap3A_632] : memref<320xi32, #tpu.memory_space<smem>>
      memref.store %squeeze3A_630, %arg5[%swap3A_632] : memref<320xi32, #tpu.memory_space<smem>>
      %slice3A_634 = vector.extract_strided_slice %get3A_593 {offsets = [8], sizes = [1], strides = [1]} : vector<16xi32> to vector<1xi32>
      %squeeze3A_635 = vector.extract %slice3A_634[0] : i32 from vector<1xi32>
      %swap3A_636 = arith.constant 120 : i32
      %swap3A_637 = arith.index_cast %swap3A_636 : i32 to index
      %swap3A_638 = memref.load %arg5[%swap3A_637] : memref<320xi32, #tpu.memory_space<smem>>
      memref.store %squeeze3A_635, %arg5[%swap3A_637] : memref<320xi32, #tpu.memory_space<smem>>
      %slice3A_639 = vector.extract_strided_slice %get3A_593 {offsets = [9], sizes = [1], strides = [1]} : vector<16xi32> to vector<1xi32>
      %squeeze3A_640 = vector.extract %slice3A_639[0] : i32 from vector<1xi32>
      %swap3A_641 = arith.constant 121 : i32
      %swap3A_642 = arith.index_cast %swap3A_641 : i32 to index
      %swap3A_643 = memref.load %arg5[%swap3A_642] : memref<320xi32, #tpu.memory_space<smem>>
      memref.store %squeeze3A_640, %arg5[%swap3A_642] : memref<320xi32, #tpu.memory_space<smem>>
      %slice3A_644 = vector.extract_strided_slice %get3A_593 {offsets = [10], sizes = [1], strides = [1]} : vector<16xi32> to vector<1xi32>
      %squeeze3A_645 = vector.extract %slice3A_644[0] : i32 from vector<1xi32>
      %swap3A_646 = arith.constant 122 : i32
      %swap3A_647 = arith.index_cast %swap3A_646 : i32 to index
      %swap3A_648 = memref.load %arg5[%swap3A_647] : memref<320xi32, #tpu.memory_space<smem>>
      memref.store %squeeze3A_645, %arg5[%swap3A_647] : memref<320xi32, #tpu.memory_space<smem>>
      %slice3A_649 = vector.extract_strided_slice %get3A_593 {offsets = [11], sizes = [1], strides = [1]} : vector<16xi32> to vector<1xi32>
      %squeeze3A_650 = vector.extract %slice3A_649[0] : i32 from vector<1xi32>
      %swap3A_651 = arith.constant 123 : i32
      %swap3A_652 = arith.index_cast %swap3A_651 : i32 to index
      %swap3A_653 = memref.load %arg5[%swap3A_652] : memref<320xi32, #tpu.memory_space<smem>>
      memref.store %squeeze3A_650, %arg5[%swap3A_652] : memref<320xi32, #tpu.memory_space<smem>>
      %slice3A_654 = vector.extract_strided_slice %get3A_593 {offsets = [12], sizes = [1], strides = [1]} : vector<16xi32> to vector<1xi32>
      %squeeze3A_655 = vector.extract %slice3A_654[0] : i32 from vector<1xi32>
      %swap3A_656 = arith.constant 124 : i32
      %swap3A_657 = arith.index_cast %swap3A_656 : i32 to index
      %swap3A_658 = memref.load %arg5[%swap3A_657] : memref<320xi32, #tpu.memory_space<smem>>
      memref.store %squeeze3A_655, %arg5[%swap3A_657] : memref<320xi32, #tpu.memory_space<smem>>
      %slice3A_659 = vector.extract_strided_slice %get3A_593 {offsets = [13], sizes = [1], strides = [1]} : vector<16xi32> to vector<1xi32>
      %squeeze3A_660 = vector.extract %slice3A_659[0] : i32 from vector<1xi32>
      %swap3A_661 = arith.constant 125 : i32
      %swap3A_662 = arith.index_cast %swap3A_661 : i32 to index
      %swap3A_663 = memref.load %arg5[%swap3A_662] : memref<320xi32, #tpu.memory_space<smem>>
      memref.store %squeeze3A_660, %arg5[%swap3A_662] : memref<320xi32, #tpu.memory_space<smem>>
      %slice3A_664 = vector.extract_strided_slice %get3A_593 {offsets = [14], sizes = [1], strides = [1]} : vector<16xi32> to vector<1xi32>
      %squeeze3A_665 = vector.extract %slice3A_664[0] : i32 from vector<1xi32>
      %swap3A_666 = arith.constant 126 : i32
      %swap3A_667 = arith.index_cast %swap3A_666 : i32 to index
      %swap3A_668 = memref.load %arg5[%swap3A_667] : memref<320xi32, #tpu.memory_space<smem>>
      memref.store %squeeze3A_665, %arg5[%swap3A_667] : memref<320xi32, #tpu.memory_space<smem>>
      %slice3A_669 = vector.extract_strided_slice %get3A_593 {offsets = [15], sizes = [1], strides = [1]} : vector<16xi32> to vector<1xi32>
      %squeeze3A_670 = vector.extract %slice3A_669[0] : i32 from vector<1xi32>
      %swap3A_671 = arith.constant 127 : i32
      %swap3A_672 = arith.index_cast %swap3A_671 : i32 to index
      %swap3A_673 = memref.load %arg5[%swap3A_672] : memref<320xi32, #tpu.memory_space<smem>>
      memref.store %squeeze3A_670, %arg5[%swap3A_672] : memref<320xi32, #tpu.memory_space<smem>>
      %get3A_674 = arith.constant 128 : index
      %get3A_675 = tpu.vector_load %arg6[%get3A_674] {strides = array<i32>} : memref<320xi32, #tpu.memory_space<vmem>>, vector<16xi32>,
      %get3A_676 = vector.shape_cast %get3A_675 : vector<16xi32> to vector<16xi32>
      %slice3A_677 = vector.extract_strided_slice %get3A_676 {offsets = [0], sizes = [1], strides = [1]} : vector<16xi32> to vector<1xi32>
      %squeeze3A_678 = vector.extract %slice3A_677[0] : i32 from vector<1xi32>
      %swap3A_679 = arith.constant 128 : i32
      %swap3A_680 = arith.index_cast %swap3A_679 : i32 to index
      %swap3A_681 = memref.load %arg5[%swap3A_680] : memref<320xi32, #tpu.memory_space<smem>>
      memref.store %squeeze3A_678, %arg5[%swap3A_680] : memref<320xi32, #tpu.memory_space<smem>>
      %slice3A_682 = vector.extract_strided_slice %get3A_676 {offsets = [1], sizes = [1], strides = [1]} : vector<16xi32> to vector<1xi32>
      %squeeze3A_683 = vector.extract %slice3A_682[0] : i32 from vector<1xi32>
      %swap3A_684 = arith.constant 129 : i32
      %swap3A_685 = arith.index_cast %swap3A_684 : i32 to index
      %swap3A_686 = memref.load %arg5[%swap3A_685] : memref<320xi32, #tpu.memory_space<smem>>
      memref.store %squeeze3A_683, %arg5[%swap3A_685] : memref<320xi32, #tpu.memory_space<smem>>
      %slice3A_687 = vector.extract_strided_slice %get3A_676 {offsets = [2], sizes = [1], strides = [1]} : vector<16xi32> to vector<1xi32>
      %squeeze3A_688 = vector.extract %slice3A_687[0] : i32 from vector<1xi32>
      %swap3A_689 = arith.constant 130 : i32
      %swap3A_690 = arith.index_cast %swap3A_689 : i32 to index
      %swap3A_691 = memref.load %arg5[%swap3A_690] : memref<320xi32, #tpu.memory_space<smem>>
      memref.store %squeeze3A_688, %arg5[%swap3A_690] : memref<320xi32, #tpu.memory_space<smem>>
      %slice3A_692 = vector.extract_strided_slice %get3A_676 {offsets = [3], sizes = [1], strides = [1]} : vector<16xi32> to vector<1xi32>
      %squeeze3A_693 = vector.extract %slice3A_692[0] : i32 from vector<1xi32>
      %swap3A_694 = arith.constant 131 : i32
      %swap3A_695 = arith.index_cast %swap3A_694 : i32 to index
      %swap3A_696 = memref.load %arg5[%swap3A_695] : memref<320xi32, #tpu.memory_space<smem>>
      memref.store %squeeze3A_693, %arg5[%swap3A_695] : memref<320xi32, #tpu.memory_space<smem>>
      %slice3A_697 = vector.extract_strided_slice %get3A_676 {offsets = [4], sizes = [1], strides = [1]} : vector<16xi32> to vector<1xi32>
      %squeeze3A_698 = vector.extract %slice3A_697[0] : i32 from vector<1xi32>
      %swap3A_699 = arith.constant 132 : i32
      %swap3A_700 = arith.index_cast %swap3A_699 : i32 to index
      %swap3A_701 = memref.load %arg5[%swap3A_700] : memref<320xi32, #tpu.memory_space<smem>>
      memref.store %squeeze3A_698, %arg5[%swap3A_700] : memref<320xi32, #tpu.memory_space<smem>>
      %slice3A_702 = vector.extract_strided_slice %get3A_676 {offsets = [5], sizes = [1], strides = [1]} : vector<16xi32> to vector<1xi32>
      %squeeze3A_703 = vector.extract %slice3A_702[0] : i32 from vector<1xi32>
      %swap3A_704 = arith.constant 133 : i32
      %swap3A_705 = arith.index_cast %swap3A_704 : i32 to index
      %swap3A_706 = memref.load %arg5[%swap3A_705] : memref<320xi32, #tpu.memory_space<smem>>
      memref.store %squeeze3A_703, %arg5[%swap3A_705] : memref<320xi32, #tpu.memory_space<smem>>
      %slice3A_707 = vector.extract_strided_slice %get3A_676 {offsets = [6], sizes = [1], strides = [1]} : vector<16xi32> to vector<1xi32>
      %squeeze3A_708 = vector.extract %slice3A_707[0] : i32 from vector<1xi32>
      %swap3A_709 = arith.constant 134 : i32
      %swap3A_710 = arith.index_cast %swap3A_709 : i32 to index
      %swap3A_711 = memref.load %arg5[%swap3A_710] : memref<320xi32, #tpu.memory_space<smem>>
      memref.store %squeeze3A_708, %arg5[%swap3A_710] : memref<320xi32, #tpu.memory_space<smem>>
      %slice3A_712 = vector.extract_strided_slice %get3A_676 {offsets = [7], sizes = [1], strides = [1]} : vector<16xi32> to vector<1xi32>
      %squeeze3A_713 = vector.extract %slice3A_712[0] : i32 from vector<1xi32>
      %swap3A_714 = arith.constant 135 : i32
      %swap3A_715 = arith.index_cast %swap3A_714 : i32 to index
      %swap3A_716 = memref.load %arg5[%swap3A_715] : memref<320xi32, #tpu.memory_space<smem>>
      memref.store %squeeze3A_713, %arg5[%swap3A_715] : memref<320xi32, #tpu.memory_space<smem>>
      %slice3A_717 = vector.extract_strided_slice %get3A_676 {offsets = [8], sizes = [1], strides = [1]} : vector<16xi32> to vector<1xi32>
      %squeeze3A_718 = vector.extract %slice3A_717[0] : i32 from vector<1xi32>
      %swap3A_719 = arith.constant 136 : i32
      %swap3A_720 = arith.index_cast %swap3A_719 : i32 to index
      %swap3A_721 = memref.load %arg5[%swap3A_720] : memref<320xi32, #tpu.memory_space<smem>>
      memref.store %squeeze3A_718, %arg5[%swap3A_720] : memref<320xi32, #tpu.memory_space<smem>>
      %slice3A_722 = vector.extract_strided_slice %get3A_676 {offsets = [9], sizes = [1], strides = [1]} : vector<16xi32> to vector<1xi32>
      %squeeze3A_723 = vector.extract %slice3A_722[0] : i32 from vector<1xi32>
      %swap3A_724 = arith.constant 137 : i32
      %swap3A_725 = arith.index_cast %swap3A_724 : i32 to index
      %swap3A_726 = memref.load %arg5[%swap3A_725] : memref<320xi32, #tpu.memory_space<smem>>
      memref.store %squeeze3A_723, %arg5[%swap3A_725] : memref<320xi32, #tpu.memory_space<smem>>
      %slice3A_727 = vector.extract_strided_slice %get3A_676 {offsets = [10], sizes = [1], strides = [1]} : vector<16xi32> to vector<1xi32>
      %squeeze3A_728 = vector.extract %slice3A_727[0] : i32 from vector<1xi32>
      %swap3A_729 = arith.constant 138 : i32
      %swap3A_730 = arith.index_cast %swap3A_729 : i32 to index
      %swap3A_731 = memref.load %arg5[%swap3A_730] : memref<320xi32, #tpu.memory_space<smem>>
      memref.store %squeeze3A_728, %arg5[%swap3A_730] : memref<320xi32, #tpu.memory_space<smem>>
      %slice3A_732 = vector.extract_strided_slice %get3A_676 {offsets = [11], sizes = [1], strides = [1]} : vector<16xi32> to vector<1xi32>
      %squeeze3A_733 = vector.extract %slice3A_732[0] : i32 from vector<1xi32>
      %swap3A_734 = arith.constant 139 : i32
      %swap3A_735 = arith.index_cast %swap3A_734 : i32 to index
      %swap3A_736 = memref.load %arg5[%swap3A_735] : memref<320xi32, #tpu.memory_space<smem>>
      memref.store %squeeze3A_733, %arg5[%swap3A_735] : memref<320xi32, #tpu.memory_space<smem>>
      %slice3A_737 = vector.extract_strided_slice %get3A_676 {offsets = [12], sizes = [1], strides = [1]} : vector<16xi32> to vector<1xi32>
      %squeeze3A_738 = vector.extract %slice3A_737[0] : i32 from vector<1xi32>
      %swap3A_739 = arith.constant 140 : i32
      %swap3A_740 = arith.index_cast %swap3A_739 : i32 to index
      %swap3A_741 = memref.load %arg5[%swap3A_740] : memref<320xi32, #tpu.memory_space<smem>>
      memref.store %squeeze3A_738, %arg5[%swap3A_740] : memref<320xi32, #tpu.memory_space<smem>>
      %slice3A_742 = vector.extract_strided_slice %get3A_676 {offsets = [13], sizes = [1], strides = [1]} : vector<16xi32> to vector<1xi32>
      %squeeze3A_743 = vector.extract %slice3A_742[0] : i32 from vector<1xi32>
      %swap3A_744 = arith.constant 141 : i32
      %swap3A_745 = arith.index_cast %swap3A_744 : i32 to index
      %swap3A_746 = memref.load %arg5[%swap3A_745] : memref<320xi32, #tpu.memory_space<smem>>
      memref.store %squeeze3A_743, %arg5[%swap3A_745] : memref<320xi32, #tpu.memory_space<smem>>
      %slice3A_747 = vector.extract_strided_slice %get3A_676 {offsets = [14], sizes = [1], strides = [1]} : vector<16xi32> to vector<1xi32>
      %squeeze3A_748 = vector.extract %slice3A_747[0] : i32 from vector<1xi32>
      %swap3A_749 = arith.constant 142 : i32
      %swap3A_750 = arith.index_cast %swap3A_749 : i32 to index
      %swap3A_751 = memref.load %arg5[%swap3A_750] : memref<320xi32, #tpu.memory_space<smem>>
      memref.store %squeeze3A_748, %arg5[%swap3A_750] : memref<320xi32, #tpu.memory_space<smem>>
      %slice3A_752 = vector.extract_strided_slice %get3A_676 {offsets = [15], sizes = [1], strides = [1]} : vector<16xi32> to vector<1xi32>
      %squeeze3A_753 = vector.extract %slice3A_752[0] : i32 from vector<1xi32>
      %swap3A_754 = arith.constant 143 : i32
      %swap3A_755 = arith.index_cast %swap3A_754 : i32 to index
      %swap3A_756 = memref.load %arg5[%swap3A_755] : memref<320xi32, #tpu.memory_space<smem>>
      memref.store %squeeze3A_753, %arg5[%swap3A_755] : memref<320xi32, #tpu.memory_space<smem>>
      %get3A_757 = arith.constant 144 : index
      %get3A_758 = tpu.vector_load %arg6[%get3A_757] {strides = array<i32>} : memref<320xi32, #tpu.memory_space<vmem>>, vector<16xi32>,
      %get3A_759 = vector.shape_cast %get3A_758 : vector<16xi32> to vector<16xi32>
      %slice3A_760 = vector.extract_strided_slice %get3A_759 {offsets = [0], sizes = [1], strides = [1]} : vector<16xi32> to vector<1xi32>
      %squeeze3A_761 = vector.extract %slice3A_760[0] : i32 from vector<1xi32>
      %swap3A_762 = arith.constant 144 : i32
      %swap3A_763 = arith.index_cast %swap3A_762 : i32 to index
      %swap3A_764 = memref.load %arg5[%swap3A_763] : memref<320xi32, #tpu.memory_space<smem>>
      memref.store %squeeze3A_761, %arg5[%swap3A_763] : memref<320xi32, #tpu.memory_space<smem>>
      %slice3A_765 = vector.extract_strided_slice %get3A_759 {offsets = [1], sizes = [1], strides = [1]} : vector<16xi32> to vector<1xi32>
      %squeeze3A_766 = vector.extract %slice3A_765[0] : i32 from vector<1xi32>
      %swap3A_767 = arith.constant 145 : i32
      %swap3A_768 = arith.index_cast %swap3A_767 : i32 to index
      %swap3A_769 = memref.load %arg5[%swap3A_768] : memref<320xi32, #tpu.memory_space<smem>>
      memref.store %squeeze3A_766, %arg5[%swap3A_768] : memref<320xi32, #tpu.memory_space<smem>>
      %slice3A_770 = vector.extract_strided_slice %get3A_759 {offsets = [2], sizes = [1], strides = [1]} : vector<16xi32> to vector<1xi32>
      %squeeze3A_771 = vector.extract %slice3A_770[0] : i32 from vector<1xi32>
      %swap3A_772 = arith.constant 146 : i32
      %swap3A_773 = arith.index_cast %swap3A_772 : i32 to index
      %swap3A_774 = memref.load %arg5[%swap3A_773] : memref<320xi32, #tpu.memory_space<smem>>
      memref.store %squeeze3A_771, %arg5[%swap3A_773] : memref<320xi32, #tpu.memory_space<smem>>
      %slice3A_775 = vector.extract_strided_slice %get3A_759 {offsets = [3], sizes = [1], strides = [1]} : vector<16xi32> to vector<1xi32>
      %squeeze3A_776 = vector.extract %slice3A_775[0] : i32 from vector<1xi32>
      %swap3A_777 = arith.constant 147 : i32
      %swap3A_778 = arith.index_cast %swap3A_777 : i32 to index
      %swap3A_779 = memref.load %arg5[%swap3A_778] : memref<320xi32, #tpu.memory_space<smem>>
      memref.store %squeeze3A_776, %arg5[%swap3A_778] : memref<320xi32, #tpu.memory_space<smem>>
      %slice3A_780 = vector.extract_strided_slice %get3A_759 {offsets = [4], sizes = [1], strides = [1]} : vector<16xi32> to vector<1xi32>
      %squeeze3A_781 = vector.extract %slice3A_780[0] : i32 from vector<1xi32>
      %swap3A_782 = arith.constant 148 : i32
      %swap3A_783 = arith.index_cast %swap3A_782 : i32 to index
      %swap3A_784 = memref.load %arg5[%swap3A_783] : memref<320xi32, #tpu.memory_space<smem>>
      memref.store %squeeze3A_781, %arg5[%swap3A_783] : memref<320xi32, #tpu.memory_space<smem>>
      %slice3A_785 = vector.extract_strided_slice %get3A_759 {offsets = [5], sizes = [1], strides = [1]} : vector<16xi32> to vector<1xi32>
      %squeeze3A_786 = vector.extract %slice3A_785[0] : i32 from vector<1xi32>
      %swap3A_787 = arith.constant 149 : i32
      %swap3A_788 = arith.index_cast %swap3A_787 : i32 to index
      %swap3A_789 = memref.load %arg5[%swap3A_788] : memref<320xi32, #tpu.memory_space<smem>>
      memref.store %squeeze3A_786, %arg5[%swap3A_788] : memref<320xi32, #tpu.memory_space<smem>>
      %slice3A_790 = vector.extract_strided_slice %get3A_759 {offsets = [6], sizes = [1], strides = [1]} : vector<16xi32> to vector<1xi32>
      %squeeze3A_791 = vector.extract %slice3A_790[0] : i32 from vector<1xi32>
      %swap3A_792 = arith.constant 150 : i32
      %swap3A_793 = arith.index_cast %swap3A_792 : i32 to index
      %swap3A_794 = memref.load %arg5[%swap3A_793] : memref<320xi32, #tpu.memory_space<smem>>
      memref.store %squeeze3A_791, %arg5[%swap3A_793] : memref<320xi32, #tpu.memory_space<smem>>
      %slice3A_795 = vector.extract_strided_slice %get3A_759 {offsets = [7], sizes = [1], strides = [1]} : vector<16xi32> to vector<1xi32>
      %squeeze3A_796 = vector.extract %slice3A_795[0] : i32 from vector<1xi32>
      %swap3A_797 = arith.constant 151 : i32
      %swap3A_798 = arith.index_cast %swap3A_797 : i32 to index
      %swap3A_799 = memref.load %arg5[%swap3A_798] : memref<320xi32, #tpu.memory_space<smem>>
      memref.store %squeeze3A_796, %arg5[%swap3A_798] : memref<320xi32, #tpu.memory_space<smem>>
      %slice3A_800 = vector.extract_strided_slice %get3A_759 {offsets = [8], sizes = [1], strides = [1]} : vector<16xi32> to vector<1xi32>
      %squeeze3A_801 = vector.extract %slice3A_800[0] : i32 from vector<1xi32>
      %swap3A_802 = arith.constant 152 : i32
      %swap3A_803 = arith.index_cast %swap3A_802 : i32 to index
      %swap3A_804 = memref.load %arg5[%swap3A_803] : memref<320xi32, #tpu.memory_space<smem>>
      memref.store %squeeze3A_801, %arg5[%swap3A_803] : memref<320xi32, #tpu.memory_space<smem>>
      %slice3A_805 = vector.extract_strided_slice %get3A_759 {offsets = [9], sizes = [1], strides = [1]} : vector<16xi32> to vector<1xi32>
      %squeeze3A_806 = vector.extract %slice3A_805[0] : i32 from vector<1xi32>
      %swap3A_807 = arith.constant 153 : i32
      %swap3A_808 = arith.index_cast %swap3A_807 : i32 to index
      %swap3A_809 = memref.load %arg5[%swap3A_808] : memref<320xi32, #tpu.memory_space<smem>>
      memref.store %squeeze3A_806, %arg5[%swap3A_808] : memref<320xi32, #tpu.memory_space<smem>>
      %slice3A_810 = vector.extract_strided_slice %get3A_759 {offsets = [10], sizes = [1], strides = [1]} : vector<16xi32> to vector<1xi32>
      %squeeze3A_811 = vector.extract %slice3A_810[0] : i32 from vector<1xi32>
      %swap3A_812 = arith.constant 154 : i32
      %swap3A_813 = arith.index_cast %swap3A_812 : i32 to index
      %swap3A_814 = memref.load %arg5[%swap3A_813] : memref<320xi32, #tpu.memory_space<smem>>
      memref.store %squeeze3A_811, %arg5[%swap3A_813] : memref<320xi32, #tpu.memory_space<smem>>
      %slice3A_815 = vector.extract_strided_slice %get3A_759 {offsets = [11], sizes = [1], strides = [1]} : vector<16xi32> to vector<1xi32>
      %squeeze3A_816 = vector.extract %slice3A_815[0] : i32 from vector<1xi32>
      %swap3A_817 = arith.constant 155 : i32
      %swap3A_818 = arith.index_cast %swap3A_817 : i32 to index
      %swap3A_819 = memref.load %arg5[%swap3A_818] : memref<320xi32, #tpu.memory_space<smem>>
      memref.store %squeeze3A_816, %arg5[%swap3A_818] : memref<320xi32, #tpu.memory_space<smem>>
      %slice3A_820 = vector.extract_strided_slice %get3A_759 {offsets = [12], sizes = [1], strides = [1]} : vector<16xi32> to vector<1xi32>
      %squeeze3A_821 = vector.extract %slice3A_820[0] : i32 from vector<1xi32>
      %swap3A_822 = arith.constant 156 : i32
      %swap3A_823 = arith.index_cast %swap3A_822 : i32 to index
      %swap3A_824 = memref.load %arg5[%swap3A_823] : memref<320xi32, #tpu.memory_space<smem>>
      memref.store %squeeze3A_821, %arg5[%swap3A_823] : memref<320xi32, #tpu.memory_space<smem>>
      %slice3A_825 = vector.extract_strided_slice %get3A_759 {offsets = [13], sizes = [1], strides = [1]} : vector<16xi32> to vector<1xi32>
      %squeeze3A_826 = vector.extract %slice3A_825[0] : i32 from vector<1xi32>
      %swap3A_827 = arith.constant 157 : i32
      %swap3A_828 = arith.index_cast %swap3A_827 : i32 to index
      %swap3A_829 = memref.load %arg5[%swap3A_828] : memref<320xi32, #tpu.memory_space<smem>>
      memref.store %squeeze3A_826, %arg5[%swap3A_828] : memref<320xi32, #tpu.memory_space<smem>>
      %slice3A_830 = vector.extract_strided_slice %get3A_759 {offsets = [14], sizes = [1], strides = [1]} : vector<16xi32> to vector<1xi32>
      %squeeze3A_831 = vector.extract %slice3A_830[0] : i32 from vector<1xi32>
      %swap3A_832 = arith.constant 158 : i32
      %swap3A_833 = arith.index_cast %swap3A_832 : i32 to index
      %swap3A_834 = memref.load %arg5[%swap3A_833] : memref<320xi32, #tpu.memory_space<smem>>
      memref.store %squeeze3A_831, %arg5[%swap3A_833] : memref<320xi32, #tpu.memory_space<smem>>
      %slice3A_835 = vector.extract_strided_slice %get3A_759 {offsets = [15], sizes = [1], strides = [1]} : vector<16xi32> to vector<1xi32>
      %squeeze3A_836 = vector.extract %slice3A_835[0] : i32 from vector<1xi32>
      %swap3A_837 = arith.constant 159 : i32
      %swap3A_838 = arith.index_cast %swap3A_837 : i32 to index
      %swap3A_839 = memref.load %arg5[%swap3A_838] : memref<320xi32, #tpu.memory_space<smem>>
      memref.store %squeeze3A_836, %arg5[%swap3A_838] : memref<320xi32, #tpu.memory_space<smem>>
      %get3A_840 = arith.constant 160 : index
      %get3A_841 = tpu.vector_load %arg6[%get3A_840] {strides = array<i32>} : memref<320xi32, #tpu.memory_space<vmem>>, vector<16xi32>,
      %get3A_842 = vector.shape_cast %get3A_841 : vector<16xi32> to vector<16xi32>
      %slice3A_843 = vector.extract_strided_slice %get3A_842 {offsets = [0], sizes = [1], strides = [1]} : vector<16xi32> to vector<1xi32>
      %squeeze3A_844 = vector.extract %slice3A_843[0] : i32 from vector<1xi32>
      %swap3A_845 = arith.constant 160 : i32
      %swap3A_846 = arith.index_cast %swap3A_845 : i32 to index
      %swap3A_847 = memref.load %arg5[%swap3A_846] : memref<320xi32, #tpu.memory_space<smem>>
      memref.store %squeeze3A_844, %arg5[%swap3A_846] : memref<320xi32, #tpu.memory_space<smem>>
      %slice3A_848 = vector.extract_strided_slice %get3A_842 {offsets = [1], sizes = [1], strides = [1]} : vector<16xi32> to vector<1xi32>
      %squeeze3A_849 = vector.extract %slice3A_848[0] : i32 from vector<1xi32>
      %swap3A_850 = arith.constant 161 : i32
      %swap3A_851 = arith.index_cast %swap3A_850 : i32 to index
      %swap3A_852 = memref.load %arg5[%swap3A_851] : memref<320xi32, #tpu.memory_space<smem>>
      memref.store %squeeze3A_849, %arg5[%swap3A_851] : memref<320xi32, #tpu.memory_space<smem>>
      %slice3A_853 = vector.extract_strided_slice %get3A_842 {offsets = [2], sizes = [1], strides = [1]} : vector<16xi32> to vector<1xi32>
      %squeeze3A_854 = vector.extract %slice3A_853[0] : i32 from vector<1xi32>
      %swap3A_855 = arith.constant 162 : i32
      %swap3A_856 = arith.index_cast %swap3A_855 : i32 to index
      %swap3A_857 = memref.load %arg5[%swap3A_856] : memref<320xi32, #tpu.memory_space<smem>>
      memref.store %squeeze3A_854, %arg5[%swap3A_856] : memref<320xi32, #tpu.memory_space<smem>>
      %slice3A_858 = vector.extract_strided_slice %get3A_842 {offsets = [3], sizes = [1], strides = [1]} : vector<16xi32> to vector<1xi32>
      %squeeze3A_859 = vector.extract %slice3A_858[0] : i32 from vector<1xi32>
      %swap3A_860 = arith.constant 163 : i32
      %swap3A_861 = arith.index_cast %swap3A_860 : i32 to index
      %swap3A_862 = memref.load %arg5[%swap3A_861] : memref<320xi32, #tpu.memory_space<smem>>
      memref.store %squeeze3A_859, %arg5[%swap3A_861] : memref<320xi32, #tpu.memory_space<smem>>
      %slice3A_863 = vector.extract_strided_slice %get3A_842 {offsets = [4], sizes = [1], strides = [1]} : vector<16xi32> to vector<1xi32>
      %squeeze3A_864 = vector.extract %slice3A_863[0] : i32 from vector<1xi32>
      %swap3A_865 = arith.constant 164 : i32
      %swap3A_866 = arith.index_cast %swap3A_865 : i32 to index
      %swap3A_867 = memref.load %arg5[%swap3A_866] : memref<320xi32, #tpu.memory_space<smem>>
      memref.store %squeeze3A_864, %arg5[%swap3A_866] : memref<320xi32, #tpu.memory_space<smem>>
      %slice3A_868 = vector.extract_strided_slice %get3A_842 {offsets = [5], sizes = [1], strides = [1]} : vector<16xi32> to vector<1xi32>
      %squeeze3A_869 = vector.extract %slice3A_868[0] : i32 from vector<1xi32>
      %swap3A_870 = arith.constant 165 : i32
      %swap3A_871 = arith.index_cast %swap3A_870 : i32 to index
      %swap3A_872 = memref.load %arg5[%swap3A_871] : memref<320xi32, #tpu.memory_space<smem>>
      memref.store %squeeze3A_869, %arg5[%swap3A_871] : memref<320xi32, #tpu.memory_space<smem>>
      %slice3A_873 = vector.extract_strided_slice %get3A_842 {offsets = [6], sizes = [1], strides = [1]} : vector<16xi32> to vector<1xi32>
      %squeeze3A_874 = vector.extract %slice3A_873[0] : i32 from vector<1xi32>
      %swap3A_875 = arith.constant 166 : i32
      %swap3A_876 = arith.index_cast %swap3A_875 : i32 to index
      %swap3A_877 = memref.load %arg5[%swap3A_876] : memref<320xi32, #tpu.memory_space<smem>>
      memref.store %squeeze3A_874, %arg5[%swap3A_876] : memref<320xi32, #tpu.memory_space<smem>>
      %slice3A_878 = vector.extract_strided_slice %get3A_842 {offsets = [7], sizes = [1], strides = [1]} : vector<16xi32> to vector<1xi32>
      %squeeze3A_879 = vector.extract %slice3A_878[0] : i32 from vector<1xi32>
      %swap3A_880 = arith.constant 167 : i32
      %swap3A_881 = arith.index_cast %swap3A_880 : i32 to index
      %swap3A_882 = memref.load %arg5[%swap3A_881] : memref<320xi32, #tpu.memory_space<smem>>
      memref.store %squeeze3A_879, %arg5[%swap3A_881] : memref<320xi32, #tpu.memory_space<smem>>
      %slice3A_883 = vector.extract_strided_slice %get3A_842 {offsets = [8], sizes = [1], strides = [1]} : vector<16xi32> to vector<1xi32>
      %squeeze3A_884 = vector.extract %slice3A_883[0] : i32 from vector<1xi32>
      %swap3A_885 = arith.constant 168 : i32
      %swap3A_886 = arith.index_cast %swap3A_885 : i32 to index
      %swap3A_887 = memref.load %arg5[%swap3A_886] : memref<320xi32, #tpu.memory_space<smem>>
      memref.store %squeeze3A_884, %arg5[%swap3A_886] : memref<320xi32, #tpu.memory_space<smem>>
      %slice3A_888 = vector.extract_strided_slice %get3A_842 {offsets = [9], sizes = [1], strides = [1]} : vector<16xi32> to vector<1xi32>
      %squeeze3A_889 = vector.extract %slice3A_888[0] : i32 from vector<1xi32>
      %swap3A_890 = arith.constant 169 : i32
      %swap3A_891 = arith.index_cast %swap3A_890 : i32 to index
      %swap3A_892 = memref.load %arg5[%swap3A_891] : memref<320xi32, #tpu.memory_space<smem>>
      memref.store %squeeze3A_889, %arg5[%swap3A_891] : memref<320xi32, #tpu.memory_space<smem>>
      %slice3A_893 = vector.extract_strided_slice %get3A_842 {offsets = [10], sizes = [1], strides = [1]} : vector<16xi32> to vector<1xi32>
      %squeeze3A_894 = vector.extract %slice3A_893[0] : i32 from vector<1xi32>
      %swap3A_895 = arith.constant 170 : i32
      %swap3A_896 = arith.index_cast %swap3A_895 : i32 to index
      %swap3A_897 = memref.load %arg5[%swap3A_896] : memref<320xi32, #tpu.memory_space<smem>>
      memref.store %squeeze3A_894, %arg5[%swap3A_896] : memref<320xi32, #tpu.memory_space<smem>>
      %slice3A_898 = vector.extract_strided_slice %get3A_842 {offsets = [11], sizes = [1], strides = [1]} : vector<16xi32> to vector<1xi32>
      %squeeze3A_899 = vector.extract %slice3A_898[0] : i32 from vector<1xi32>
      %swap3A_900 = arith.constant 171 : i32
      %swap3A_901 = arith.index_cast %swap3A_900 : i32 to index
      %swap3A_902 = memref.load %arg5[%swap3A_901] : memref<320xi32, #tpu.memory_space<smem>>
      memref.store %squeeze3A_899, %arg5[%swap3A_901] : memref<320xi32, #tpu.memory_space<smem>>
      %slice3A_903 = vector.extract_strided_slice %get3A_842 {offsets = [12], sizes = [1], strides = [1]} : vector<16xi32> to vector<1xi32>
      %squeeze3A_904 = vector.extract %slice3A_903[0] : i32 from vector<1xi32>
      %swap3A_905 = arith.constant 172 : i32
      %swap3A_906 = arith.index_cast %swap3A_905 : i32 to index
      %swap3A_907 = memref.load %arg5[%swap3A_906] : memref<320xi32, #tpu.memory_space<smem>>
      memref.store %squeeze3A_904, %arg5[%swap3A_906] : memref<320xi32, #tpu.memory_space<smem>>
      %slice3A_908 = vector.extract_strided_slice %get3A_842 {offsets = [13], sizes = [1], strides = [1]} : vector<16xi32> to vector<1xi32>
      %squeeze3A_909 = vector.extract %slice3A_908[0] : i32 from vector<1xi32>
      %swap3A_910 = arith.constant 173 : i32
      %swap3A_911 = arith.index_cast %swap3A_910 : i32 to index
      %swap3A_912 = memref.load %arg5[%swap3A_911] : memref<320xi32, #tpu.memory_space<smem>>
      memref.store %squeeze3A_909, %arg5[%swap3A_911] : memref<320xi32, #tpu.memory_space<smem>>
      %slice3A_913 = vector.extract_strided_slice %get3A_842 {offsets = [14], sizes = [1], strides = [1]} : vector<16xi32> to vector<1xi32>
      %squeeze3A_914 = vector.extract %slice3A_913[0] : i32 from vector<1xi32>
      %swap3A_915 = arith.constant 174 : i32
      %swap3A_916 = arith.index_cast %swap3A_915 : i32 to index
      %swap3A_917 = memref.load %arg5[%swap3A_916] : memref<320xi32, #tpu.memory_space<smem>>
      memref.store %squeeze3A_914, %arg5[%swap3A_916] : memref<320xi32, #tpu.memory_space<smem>>
      %slice3A_918 = vector.extract_strided_slice %get3A_842 {offsets = [15], sizes = [1], strides = [1]} : vector<16xi32> to vector<1xi32>
      %squeeze3A_919 = vector.extract %slice3A_918[0] : i32 from vector<1xi32>
      %swap3A_920 = arith.constant 175 : i32
      %swap3A_921 = arith.index_cast %swap3A_920 : i32 to index
      %swap3A_922 = memref.load %arg5[%swap3A_921] : memref<320xi32, #tpu.memory_space<smem>>
      memref.store %squeeze3A_919, %arg5[%swap3A_921] : memref<320xi32, #tpu.memory_space<smem>>
      %get3A_923 = arith.constant 176 : index
      %get3A_924 = tpu.vector_load %arg6[%get3A_923] {strides = array<i32>} : memref<320xi32, #tpu.memory_space<vmem>>, vector<16xi32>,
      %get3A_925 = vector.shape_cast %get3A_924 : vector<16xi32> to vector<16xi32>
      %slice3A_926 = vector.extract_strided_slice %get3A_925 {offsets = [0], sizes = [1], strides = [1]} : vector<16xi32> to vector<1xi32>
      %squeeze3A_927 = vector.extract %slice3A_926[0] : i32 from vector<1xi32>
      %swap3A_928 = arith.constant 176 : i32
      %swap3A_929 = arith.index_cast %swap3A_928 : i32 to index
      %swap3A_930 = memref.load %arg5[%swap3A_929] : memref<320xi32, #tpu.memory_space<smem>>
      memref.store %squeeze3A_927, %arg5[%swap3A_929] : memref<320xi32, #tpu.memory_space<smem>>
      %slice3A_931 = vector.extract_strided_slice %get3A_925 {offsets = [1], sizes = [1], strides = [1]} : vector<16xi32> to vector<1xi32>
      %squeeze3A_932 = vector.extract %slice3A_931[0] : i32 from vector<1xi32>
      %swap3A_933 = arith.constant 177 : i32
      %swap3A_934 = arith.index_cast %swap3A_933 : i32 to index
      %swap3A_935 = memref.load %arg5[%swap3A_934] : memref<320xi32, #tpu.memory_space<smem>>
      memref.store %squeeze3A_932, %arg5[%swap3A_934] : memref<320xi32, #tpu.memory_space<smem>>
      %slice3A_936 = vector.extract_strided_slice %get3A_925 {offsets = [2], sizes = [1], strides = [1]} : vector<16xi32> to vector<1xi32>
      %squeeze3A_937 = vector.extract %slice3A_936[0] : i32 from vector<1xi32>
      %swap3A_938 = arith.constant 178 : i32
      %swap3A_939 = arith.index_cast %swap3A_938 : i32 to index
      %swap3A_940 = memref.load %arg5[%swap3A_939] : memref<320xi32, #tpu.memory_space<smem>>
      memref.store %squeeze3A_937, %arg5[%swap3A_939] : memref<320xi32, #tpu.memory_space<smem>>
      %slice3A_941 = vector.extract_strided_slice %get3A_925 {offsets = [3], sizes = [1], strides = [1]} : vector<16xi32> to vector<1xi32>
      %squeeze3A_942 = vector.extract %slice3A_941[0] : i32 from vector<1xi32>
      %swap3A_943 = arith.constant 179 : i32
      %swap3A_944 = arith.index_cast %swap3A_943 : i32 to index
      %swap3A_945 = memref.load %arg5[%swap3A_944] : memref<320xi32, #tpu.memory_space<smem>>
      memref.store %squeeze3A_942, %arg5[%swap3A_944] : memref<320xi32, #tpu.memory_space<smem>>
      %slice3A_946 = vector.extract_strided_slice %get3A_925 {offsets = [4], sizes = [1], strides = [1]} : vector<16xi32> to vector<1xi32>
      %squeeze3A_947 = vector.extract %slice3A_946[0] : i32 from vector<1xi32>
      %swap3A_948 = arith.constant 180 : i32
      %swap3A_949 = arith.index_cast %swap3A_948 : i32 to index
      %swap3A_950 = memref.load %arg5[%swap3A_949] : memref<320xi32, #tpu.memory_space<smem>>
      memref.store %squeeze3A_947, %arg5[%swap3A_949] : memref<320xi32, #tpu.memory_space<smem>>
      %slice3A_951 = vector.extract_strided_slice %get3A_925 {offsets = [5], sizes = [1], strides = [1]} : vector<16xi32> to vector<1xi32>
      %squeeze3A_952 = vector.extract %slice3A_951[0] : i32 from vector<1xi32>
      %swap3A_953 = arith.constant 181 : i32
      %swap3A_954 = arith.index_cast %swap3A_953 : i32 to index
      %swap3A_955 = memref.load %arg5[%swap3A_954] : memref<320xi32, #tpu.memory_space<smem>>
      memref.store %squeeze3A_952, %arg5[%swap3A_954] : memref<320xi32, #tpu.memory_space<smem>>
      %slice3A_956 = vector.extract_strided_slice %get3A_925 {offsets = [6], sizes = [1], strides = [1]} : vector<16xi32> to vector<1xi32>
      %squeeze3A_957 = vector.extract %slice3A_956[0] : i32 from vector<1xi32>
      %swap3A_958 = arith.constant 182 : i32
      %swap3A_959 = arith.index_cast %swap3A_958 : i32 to index
      %swap3A_960 = memref.load %arg5[%swap3A_959] : memref<320xi32, #tpu.memory_space<smem>>
      memref.store %squeeze3A_957, %arg5[%swap3A_959] : memref<320xi32, #tpu.memory_space<smem>>
      %slice3A_961 = vector.extract_strided_slice %get3A_925 {offsets = [7], sizes = [1], strides = [1]} : vector<16xi32> to vector<1xi32>
      %squeeze3A_962 = vector.extract %slice3A_961[0] : i32 from vector<1xi32>
      %swap3A_963 = arith.constant 183 : i32
      %swap3A_964 = arith.index_cast %swap3A_963 : i32 to index
      %swap3A_965 = memref.load %arg5[%swap3A_964] : memref<320xi32, #tpu.memory_space<smem>>
      memref.store %squeeze3A_962, %arg5[%swap3A_964] : memref<320xi32, #tpu.memory_space<smem>>
      %slice3A_966 = vector.extract_strided_slice %get3A_925 {offsets = [8], sizes = [1], strides = [1]} : vector<16xi32> to vector<1xi32>
      %squeeze3A_967 = vector.extract %slice3A_966[0] : i32 from vector<1xi32>
      %swap3A_968 = arith.constant 184 : i32
      %swap3A_969 = arith.index_cast %swap3A_968 : i32 to index
      %swap3A_970 = memref.load %arg5[%swap3A_969] : memref<320xi32, #tpu.memory_space<smem>>
      memref.store %squeeze3A_967, %arg5[%swap3A_969] : memref<320xi32, #tpu.memory_space<smem>>
      %slice3A_971 = vector.extract_strided_slice %get3A_925 {offsets = [9], sizes = [1], strides = [1]} : vector<16xi32> to vector<1xi32>
      %squeeze3A_972 = vector.extract %slice3A_971[0] : i32 from vector<1xi32>
      %swap3A_973 = arith.constant 185 : i32
      %swap3A_974 = arith.index_cast %swap3A_973 : i32 to index
      %swap3A_975 = memref.load %arg5[%swap3A_974] : memref<320xi32, #tpu.memory_space<smem>>
      memref.store %squeeze3A_972, %arg5[%swap3A_974] : memref<320xi32, #tpu.memory_space<smem>>
      %slice3A_976 = vector.extract_strided_slice %get3A_925 {offsets = [10], sizes = [1], strides = [1]} : vector<16xi32> to vector<1xi32>
      %squeeze3A_977 = vector.extract %slice3A_976[0] : i32 from vector<1xi32>
      %swap3A_978 = arith.constant 186 : i32
      %swap3A_979 = arith.index_cast %swap3A_978 : i32 to index
      %swap3A_980 = memref.load %arg5[%swap3A_979] : memref<320xi32, #tpu.memory_space<smem>>
      memref.store %squeeze3A_977, %arg5[%swap3A_979] : memref<320xi32, #tpu.memory_space<smem>>
      %slice3A_981 = vector.extract_strided_slice %get3A_925 {offsets = [11], sizes = [1], strides = [1]} : vector<16xi32> to vector<1xi32>
      %squeeze3A_982 = vector.extract %slice3A_981[0] : i32 from vector<1xi32>
      %swap3A_983 = arith.constant 187 : i32
      %swap3A_984 = arith.index_cast %swap3A_983 : i32 to index
      %swap3A_985 = memref.load %arg5[%swap3A_984] : memref<320xi32, #tpu.memory_space<smem>>
      memref.store %squeeze3A_982, %arg5[%swap3A_984] : memref<320xi32, #tpu.memory_space<smem>>
      %slice3A_986 = vector.extract_strided_slice %get3A_925 {offsets = [12], sizes = [1], strides = [1]} : vector<16xi32> to vector<1xi32>
      %squeeze3A_987 = vector.extract %slice3A_986[0] : i32 from vector<1xi32>
      %swap3A_988 = arith.constant 188 : i32
      %swap3A_989 = arith.index_cast %swap3A_988 : i32 to index
      %swap3A_990 = memref.load %arg5[%swap3A_989] : memref<320xi32, #tpu.memory_space<smem>>
      memref.store %squeeze3A_987, %arg5[%swap3A_989] : memref<320xi32, #tpu.memory_space<smem>>
      %slice3A_991 = vector.extract_strided_slice %get3A_925 {offsets = [13], sizes = [1], strides = [1]} : vector<16xi32> to vector<1xi32>
      %squeeze3A_992 = vector.extract %slice3A_991[0] : i32 from vector<1xi32>
      %swap3A_993 = arith.constant 189 : i32
      %swap3A_994 = arith.index_cast %swap3A_993 : i32 to index
      %swap3A_995 = memref.load %arg5[%swap3A_994] : memref<320xi32, #tpu.memory_space<smem>>
      memref.store %squeeze3A_992, %arg5[%swap3A_994] : memref<320xi32, #tpu.memory_space<smem>>
      %slice3A_996 = vector.extract_strided_slice %get3A_925 {offsets = [14], sizes = [1], strides = [1]} : vector<16xi32> to vector<1xi32>
      %squeeze3A_997 = vector.extract %slice3A_996[0] : i32 from vector<1xi32>
      %swap3A_998 = arith.constant 190 : i32
      %swap3A_999 = arith.index_cast %swap3A_998 : i32 to index
      %swap3A_1000 = memref.load %arg5[%swap3A_999] : memref<320xi32, #tpu.memory_space<smem>>
      memref.store %squeeze3A_997, %arg5[%swap3A_999] : memref<320xi32, #tpu.memory_space<smem>>
      %slice3A_1001 = vector.extract_strided_slice %get3A_925 {offsets = [15], sizes = [1], strides = [1]} : vector<16xi32> to vector<1xi32>
      %squeeze3A_1002 = vector.extract %slice3A_1001[0] : i32 from vector<1xi32>
      %swap3A_1003 = arith.constant 191 : i32
      %swap3A_1004 = arith.index_cast %swap3A_1003 : i32 to index
      %swap3A_1005 = memref.load %arg5[%swap3A_1004] : memref<320xi32, #tpu.memory_space<smem>>
      memref.store %squeeze3A_1002, %arg5[%swap3A_1004] : memref<320xi32, #tpu.memory_space<smem>>
      %get3A_1006 = arith.constant 192 : index
      %get3A_1007 = tpu.vector_load %arg6[%get3A_1006] {strides = array<i32>} : memref<320xi32, #tpu.memory_space<vmem>>, vector<16xi32>,
      %get3A_1008 = vector.shape_cast %get3A_1007 : vector<16xi32> to vector<16xi32>
      %slice3A_1009 = vector.extract_strided_slice %get3A_1008 {offsets = [0], sizes = [1], strides = [1]} : vector<16xi32> to vector<1xi32>
      %squeeze3A_1010 = vector.extract %slice3A_1009[0] : i32 from vector<1xi32>
      %swap3A_1011 = arith.constant 192 : i32
      %swap3A_1012 = arith.index_cast %swap3A_1011 : i32 to index
      %swap3A_1013 = memref.load %arg5[%swap3A_1012] : memref<320xi32, #tpu.memory_space<smem>>
      memref.store %squeeze3A_1010, %arg5[%swap3A_1012] : memref<320xi32, #tpu.memory_space<smem>>
      %slice3A_1014 = vector.extract_strided_slice %get3A_1008 {offsets = [1], sizes = [1], strides = [1]} : vector<16xi32> to vector<1xi32>
      %squeeze3A_1015 = vector.extract %slice3A_1014[0] : i32 from vector<1xi32>
      %swap3A_1016 = arith.constant 193 : i32
      %swap3A_1017 = arith.index_cast %swap3A_1016 : i32 to index
      %swap3A_1018 = memref.load %arg5[%swap3A_1017] : memref<320xi32, #tpu.memory_space<smem>>
      memref.store %squeeze3A_1015, %arg5[%swap3A_1017] : memref<320xi32, #tpu.memory_space<smem>>
      %slice3A_1019 = vector.extract_strided_slice %get3A_1008 {offsets = [2], sizes = [1], strides = [1]} : vector<16xi32> to vector<1xi32>
      %squeeze3A_1020 = vector.extract %slice3A_1019[0] : i32 from vector<1xi32>
      %swap3A_1021 = arith.constant 194 : i32
      %swap3A_1022 = arith.index_cast %swap3A_1021 : i32 to index
      %swap3A_1023 = memref.load %arg5[%swap3A_1022] : memref<320xi32, #tpu.memory_space<smem>>
      memref.store %squeeze3A_1020, %arg5[%swap3A_1022] : memref<320xi32, #tpu.memory_space<smem>>
      %slice3A_1024 = vector.extract_strided_slice %get3A_1008 {offsets = [3], sizes = [1], strides = [1]} : vector<16xi32> to vector<1xi32>
      %squeeze3A_1025 = vector.extract %slice3A_1024[0] : i32 from vector<1xi32>
      %swap3A_1026 = arith.constant 195 : i32
      %swap3A_1027 = arith.index_cast %swap3A_1026 : i32 to index
      %swap3A_1028 = memref.load %arg5[%swap3A_1027] : memref<320xi32, #tpu.memory_space<smem>>
      memref.store %squeeze3A_1025, %arg5[%swap3A_1027] : memref<320xi32, #tpu.memory_space<smem>>
      %slice3A_1029 = vector.extract_strided_slice %get3A_1008 {offsets = [4], sizes = [1], strides = [1]} : vector<16xi32> to vector<1xi32>
      %squeeze3A_1030 = vector.extract %slice3A_1029[0] : i32 from vector<1xi32>
      %swap3A_1031 = arith.constant 196 : i32
      %swap3A_1032 = arith.index_cast %swap3A_1031 : i32 to index
      %swap3A_1033 = memref.load %arg5[%swap3A_1032] : memref<320xi32, #tpu.memory_space<smem>>
      memref.store %squeeze3A_1030, %arg5[%swap3A_1032] : memref<320xi32, #tpu.memory_space<smem>>
      %slice3A_1034 = vector.extract_strided_slice %get3A_1008 {offsets = [5], sizes = [1], strides = [1]} : vector<16xi32> to vector<1xi32>
      %squeeze3A_1035 = vector.extract %slice3A_1034[0] : i32 from vector<1xi32>
      %swap3A_1036 = arith.constant 197 : i32
      %swap3A_1037 = arith.index_cast %swap3A_1036 : i32 to index
      %swap3A_1038 = memref.load %arg5[%swap3A_1037] : memref<320xi32, #tpu.memory_space<smem>>
      memref.store %squeeze3A_1035, %arg5[%swap3A_1037] : memref<320xi32, #tpu.memory_space<smem>>
      %slice3A_1039 = vector.extract_strided_slice %get3A_1008 {offsets = [6], sizes = [1], strides = [1]} : vector<16xi32> to vector<1xi32>
      %squeeze3A_1040 = vector.extract %slice3A_1039[0] : i32 from vector<1xi32>
      %swap3A_1041 = arith.constant 198 : i32
      %swap3A_1042 = arith.index_cast %swap3A_1041 : i32 to index
      %swap3A_1043 = memref.load %arg5[%swap3A_1042] : memref<320xi32, #tpu.memory_space<smem>>
      memref.store %squeeze3A_1040, %arg5[%swap3A_1042] : memref<320xi32, #tpu.memory_space<smem>>
      %slice3A_1044 = vector.extract_strided_slice %get3A_1008 {offsets = [7], sizes = [1], strides = [1]} : vector<16xi32> to vector<1xi32>
      %squeeze3A_1045 = vector.extract %slice3A_1044[0] : i32 from vector<1xi32>
      %swap3A_1046 = arith.constant 199 : i32
      %swap3A_1047 = arith.index_cast %swap3A_1046 : i32 to index
      %swap3A_1048 = memref.load %arg5[%swap3A_1047] : memref<320xi32, #tpu.memory_space<smem>>
      memref.store %squeeze3A_1045, %arg5[%swap3A_1047] : memref<320xi32, #tpu.memory_space<smem>>
      %slice3A_1049 = vector.extract_strided_slice %get3A_1008 {offsets = [8], sizes = [1], strides = [1]} : vector<16xi32> to vector<1xi32>
      %squeeze3A_1050 = vector.extract %slice3A_1049[0] : i32 from vector<1xi32>
      %swap3A_1051 = arith.constant 200 : i32
      %swap3A_1052 = arith.index_cast %swap3A_1051 : i32 to index
      %swap3A_1053 = memref.load %arg5[%swap3A_1052] : memref<320xi32, #tpu.memory_space<smem>>
      memref.store %squeeze3A_1050, %arg5[%swap3A_1052] : memref<320xi32, #tpu.memory_space<smem>>
      %slice3A_1054 = vector.extract_strided_slice %get3A_1008 {offsets = [9], sizes = [1], strides = [1]} : vector<16xi32> to vector<1xi32>
      %squeeze3A_1055 = vector.extract %slice3A_1054[0] : i32 from vector<1xi32>
      %swap3A_1056 = arith.constant 201 : i32
      %swap3A_1057 = arith.index_cast %swap3A_1056 : i32 to index
      %swap3A_1058 = memref.load %arg5[%swap3A_1057] : memref<320xi32, #tpu.memory_space<smem>>
      memref.store %squeeze3A_1055, %arg5[%swap3A_1057] : memref<320xi32, #tpu.memory_space<smem>>
      %slice3A_1059 = vector.extract_strided_slice %get3A_1008 {offsets = [10], sizes = [1], strides = [1]} : vector<16xi32> to vector<1xi32>
      %squeeze3A_1060 = vector.extract %slice3A_1059[0] : i32 from vector<1xi32>
      %swap3A_1061 = arith.constant 202 : i32
      %swap3A_1062 = arith.index_cast %swap3A_1061 : i32 to index
      %swap3A_1063 = memref.load %arg5[%swap3A_1062] : memref<320xi32, #tpu.memory_space<smem>>
      memref.store %squeeze3A_1060, %arg5[%swap3A_1062] : memref<320xi32, #tpu.memory_space<smem>>
      %slice3A_1064 = vector.extract_strided_slice %get3A_1008 {offsets = [11], sizes = [1], strides = [1]} : vector<16xi32> to vector<1xi32>
      %squeeze3A_1065 = vector.extract %slice3A_1064[0] : i32 from vector<1xi32>
      %swap3A_1066 = arith.constant 203 : i32
      %swap3A_1067 = arith.index_cast %swap3A_1066 : i32 to index
      %swap3A_1068 = memref.load %arg5[%swap3A_1067] : memref<320xi32, #tpu.memory_space<smem>>
      memref.store %squeeze3A_1065, %arg5[%swap3A_1067] : memref<320xi32, #tpu.memory_space<smem>>
      %slice3A_1069 = vector.extract_strided_slice %get3A_1008 {offsets = [12], sizes = [1], strides = [1]} : vector<16xi32> to vector<1xi32>
      %squeeze3A_1070 = vector.extract %slice3A_1069[0] : i32 from vector<1xi32>
      %swap3A_1071 = arith.constant 204 : i32
      %swap3A_1072 = arith.index_cast %swap3A_1071 : i32 to index
      %swap3A_1073 = memref.load %arg5[%swap3A_1072] : memref<320xi32, #tpu.memory_space<smem>>
      memref.store %squeeze3A_1070, %arg5[%swap3A_1072] : memref<320xi32, #tpu.memory_space<smem>>
      %slice3A_1074 = vector.extract_strided_slice %get3A_1008 {offsets = [13], sizes = [1], strides = [1]} : vector<16xi32> to vector<1xi32>
      %squeeze3A_1075 = vector.extract %slice3A_1074[0] : i32 from vector<1xi32>
      %swap3A_1076 = arith.constant 205 : i32
      %swap3A_1077 = arith.index_cast %swap3A_1076 : i32 to index
      %swap3A_1078 = memref.load %arg5[%swap3A_1077] : memref<320xi32, #tpu.memory_space<smem>>
      memref.store %squeeze3A_1075, %arg5[%swap3A_1077] : memref<320xi32, #tpu.memory_space<smem>>
      %slice3A_1079 = vector.extract_strided_slice %get3A_1008 {offsets = [14], sizes = [1], strides = [1]} : vector<16xi32> to vector<1xi32>
      %squeeze3A_1080 = vector.extract %slice3A_1079[0] : i32 from vector<1xi32>
      %swap3A_1081 = arith.constant 206 : i32
      %swap3A_1082 = arith.index_cast %swap3A_1081 : i32 to index
      %swap3A_1083 = memref.load %arg5[%swap3A_1082] : memref<320xi32, #tpu.memory_space<smem>>
      memref.store %squeeze3A_1080, %arg5[%swap3A_1082] : memref<320xi32, #tpu.memory_space<smem>>
      %slice3A_1084 = vector.extract_strided_slice %get3A_1008 {offsets = [15], sizes = [1], strides = [1]} : vector<16xi32> to vector<1xi32>
      %squeeze3A_1085 = vector.extract %slice3A_1084[0] : i32 from vector<1xi32>
      %swap3A_1086 = arith.constant 207 : i32
      %swap3A_1087 = arith.index_cast %swap3A_1086 : i32 to index
      %swap3A_1088 = memref.load %arg5[%swap3A_1087] : memref<320xi32, #tpu.memory_space<smem>>
      memref.store %squeeze3A_1085, %arg5[%swap3A_1087] : memref<320xi32, #tpu.memory_space<smem>>
      %get3A_1089 = arith.constant 208 : index
      %get3A_1090 = tpu.vector_load %arg6[%get3A_1089] {strides = array<i32>} : memref<320xi32, #tpu.memory_space<vmem>>, vector<16xi32>,
      %get3A_1091 = vector.shape_cast %get3A_1090 : vector<16xi32> to vector<16xi32>
      %slice3A_1092 = vector.extract_strided_slice %get3A_1091 {offsets = [0], sizes = [1], strides = [1]} : vector<16xi32> to vector<1xi32>
      %squeeze3A_1093 = vector.extract %slice3A_1092[0] : i32 from vector<1xi32>
      %swap3A_1094 = arith.constant 208 : i32
      %swap3A_1095 = arith.index_cast %swap3A_1094 : i32 to index
      %swap3A_1096 = memref.load %arg5[%swap3A_1095] : memref<320xi32, #tpu.memory_space<smem>>
      memref.store %squeeze3A_1093, %arg5[%swap3A_1095] : memref<320xi32, #tpu.memory_space<smem>>
      %slice3A_1097 = vector.extract_strided_slice %get3A_1091 {offsets = [1], sizes = [1], strides = [1]} : vector<16xi32> to vector<1xi32>
      %squeeze3A_1098 = vector.extract %slice3A_1097[0] : i32 from vector<1xi32>
      %swap3A_1099 = arith.constant 209 : i32
      %swap3A_1100 = arith.index_cast %swap3A_1099 : i32 to index
      %swap3A_1101 = memref.load %arg5[%swap3A_1100] : memref<320xi32, #tpu.memory_space<smem>>
      memref.store %squeeze3A_1098, %arg5[%swap3A_1100] : memref<320xi32, #tpu.memory_space<smem>>
      %slice3A_1102 = vector.extract_strided_slice %get3A_1091 {offsets = [2], sizes = [1], strides = [1]} : vector<16xi32> to vector<1xi32>
      %squeeze3A_1103 = vector.extract %slice3A_1102[0] : i32 from vector<1xi32>
      %swap3A_1104 = arith.constant 210 : i32
      %swap3A_1105 = arith.index_cast %swap3A_1104 : i32 to index
      %swap3A_1106 = memref.load %arg5[%swap3A_1105] : memref<320xi32, #tpu.memory_space<smem>>
      memref.store %squeeze3A_1103, %arg5[%swap3A_1105] : memref<320xi32, #tpu.memory_space<smem>>
      %slice3A_1107 = vector.extract_strided_slice %get3A_1091 {offsets = [3], sizes = [1], strides = [1]} : vector<16xi32> to vector<1xi32>
      %squeeze3A_1108 = vector.extract %slice3A_1107[0] : i32 from vector<1xi32>
      %swap3A_1109 = arith.constant 211 : i32
      %swap3A_1110 = arith.index_cast %swap3A_1109 : i32 to index
      %swap3A_1111 = memref.load %arg5[%swap3A_1110] : memref<320xi32, #tpu.memory_space<smem>>
      memref.store %squeeze3A_1108, %arg5[%swap3A_1110] : memref<320xi32, #tpu.memory_space<smem>>
      %slice3A_1112 = vector.extract_strided_slice %get3A_1091 {offsets = [4], sizes = [1], strides = [1]} : vector<16xi32> to vector<1xi32>
      %squeeze3A_1113 = vector.extract %slice3A_1112[0] : i32 from vector<1xi32>
      %swap3A_1114 = arith.constant 212 : i32
      %swap3A_1115 = arith.index_cast %swap3A_1114 : i32 to index
      %swap3A_1116 = memref.load %arg5[%swap3A_1115] : memref<320xi32, #tpu.memory_space<smem>>
      memref.store %squeeze3A_1113, %arg5[%swap3A_1115] : memref<320xi32, #tpu.memory_space<smem>>
      %slice3A_1117 = vector.extract_strided_slice %get3A_1091 {offsets = [5], sizes = [1], strides = [1]} : vector<16xi32> to vector<1xi32>
      %squeeze3A_1118 = vector.extract %slice3A_1117[0] : i32 from vector<1xi32>
      %swap3A_1119 = arith.constant 213 : i32
      %swap3A_1120 = arith.index_cast %swap3A_1119 : i32 to index
      %swap3A_1121 = memref.load %arg5[%swap3A_1120] : memref<320xi32, #tpu.memory_space<smem>>
      memref.store %squeeze3A_1118, %arg5[%swap3A_1120] : memref<320xi32, #tpu.memory_space<smem>>
      %slice3A_1122 = vector.extract_strided_slice %get3A_1091 {offsets = [6], sizes = [1], strides = [1]} : vector<16xi32> to vector<1xi32>
      %squeeze3A_1123 = vector.extract %slice3A_1122[0] : i32 from vector<1xi32>
      %swap3A_1124 = arith.constant 214 : i32
      %swap3A_1125 = arith.index_cast %swap3A_1124 : i32 to index
      %swap3A_1126 = memref.load %arg5[%swap3A_1125] : memref<320xi32, #tpu.memory_space<smem>>
      memref.store %squeeze3A_1123, %arg5[%swap3A_1125] : memref<320xi32, #tpu.memory_space<smem>>
      %slice3A_1127 = vector.extract_strided_slice %get3A_1091 {offsets = [7], sizes = [1], strides = [1]} : vector<16xi32> to vector<1xi32>
      %squeeze3A_1128 = vector.extract %slice3A_1127[0] : i32 from vector<1xi32>
      %swap3A_1129 = arith.constant 215 : i32
      %swap3A_1130 = arith.index_cast %swap3A_1129 : i32 to index
      %swap3A_1131 = memref.load %arg5[%swap3A_1130] : memref<320xi32, #tpu.memory_space<smem>>
      memref.store %squeeze3A_1128, %arg5[%swap3A_1130] : memref<320xi32, #tpu.memory_space<smem>>
      %slice3A_1132 = vector.extract_strided_slice %get3A_1091 {offsets = [8], sizes = [1], strides = [1]} : vector<16xi32> to vector<1xi32>
      %squeeze3A_1133 = vector.extract %slice3A_1132[0] : i32 from vector<1xi32>
      %swap3A_1134 = arith.constant 216 : i32
      %swap3A_1135 = arith.index_cast %swap3A_1134 : i32 to index
      %swap3A_1136 = memref.load %arg5[%swap3A_1135] : memref<320xi32, #tpu.memory_space<smem>>
      memref.store %squeeze3A_1133, %arg5[%swap3A_1135] : memref<320xi32, #tpu.memory_space<smem>>
      %slice3A_1137 = vector.extract_strided_slice %get3A_1091 {offsets = [9], sizes = [1], strides = [1]} : vector<16xi32> to vector<1xi32>
      %squeeze3A_1138 = vector.extract %slice3A_1137[0] : i32 from vector<1xi32>
      %swap3A_1139 = arith.constant 217 : i32
      %swap3A_1140 = arith.index_cast %swap3A_1139 : i32 to index
      %swap3A_1141 = memref.load %arg5[%swap3A_1140] : memref<320xi32, #tpu.memory_space<smem>>
      memref.store %squeeze3A_1138, %arg5[%swap3A_1140] : memref<320xi32, #tpu.memory_space<smem>>
      %slice3A_1142 = vector.extract_strided_slice %get3A_1091 {offsets = [10], sizes = [1], strides = [1]} : vector<16xi32> to vector<1xi32>
      %squeeze3A_1143 = vector.extract %slice3A_1142[0] : i32 from vector<1xi32>
      %swap3A_1144 = arith.constant 218 : i32
      %swap3A_1145 = arith.index_cast %swap3A_1144 : i32 to index
      %swap3A_1146 = memref.load %arg5[%swap3A_1145] : memref<320xi32, #tpu.memory_space<smem>>
      memref.store %squeeze3A_1143, %arg5[%swap3A_1145] : memref<320xi32, #tpu.memory_space<smem>>
      %slice3A_1147 = vector.extract_strided_slice %get3A_1091 {offsets = [11], sizes = [1], strides = [1]} : vector<16xi32> to vector<1xi32>
      %squeeze3A_1148 = vector.extract %slice3A_1147[0] : i32 from vector<1xi32>
      %swap3A_1149 = arith.constant 219 : i32
      %swap3A_1150 = arith.index_cast %swap3A_1149 : i32 to index
      %swap3A_1151 = memref.load %arg5[%swap3A_1150] : memref<320xi32, #tpu.memory_space<smem>>
      memref.store %squeeze3A_1148, %arg5[%swap3A_1150] : memref<320xi32, #tpu.memory_space<smem>>
      %slice3A_1152 = vector.extract_strided_slice %get3A_1091 {offsets = [12], sizes = [1], strides = [1]} : vector<16xi32> to vector<1xi32>
      %squeeze3A_1153 = vector.extract %slice3A_1152[0] : i32 from vector<1xi32>
      %swap3A_1154 = arith.constant 220 : i32
      %swap3A_1155 = arith.index_cast %swap3A_1154 : i32 to index
      %swap3A_1156 = memref.load %arg5[%swap3A_1155] : memref<320xi32, #tpu.memory_space<smem>>
      memref.store %squeeze3A_1153, %arg5[%swap3A_1155] : memref<320xi32, #tpu.memory_space<smem>>
      %slice3A_1157 = vector.extract_strided_slice %get3A_1091 {offsets = [13], sizes = [1], strides = [1]} : vector<16xi32> to vector<1xi32>
      %squeeze3A_1158 = vector.extract %slice3A_1157[0] : i32 from vector<1xi32>
      %swap3A_1159 = arith.constant 221 : i32
      %swap3A_1160 = arith.index_cast %swap3A_1159 : i32 to index
      %swap3A_1161 = memref.load %arg5[%swap3A_1160] : memref<320xi32, #tpu.memory_space<smem>>
      memref.store %squeeze3A_1158, %arg5[%swap3A_1160] : memref<320xi32, #tpu.memory_space<smem>>
      %slice3A_1162 = vector.extract_strided_slice %get3A_1091 {offsets = [14], sizes = [1], strides = [1]} : vector<16xi32> to vector<1xi32>
      %squeeze3A_1163 = vector.extract %slice3A_1162[0] : i32 from vector<1xi32>
      %swap3A_1164 = arith.constant 222 : i32
      %swap3A_1165 = arith.index_cast %swap3A_1164 : i32 to index
      %swap3A_1166 = memref.load %arg5[%swap3A_1165] : memref<320xi32, #tpu.memory_space<smem>>
      memref.store %squeeze3A_1163, %arg5[%swap3A_1165] : memref<320xi32, #tpu.memory_space<smem>>
      %slice3A_1167 = vector.extract_strided_slice %get3A_1091 {offsets = [15], sizes = [1], strides = [1]} : vector<16xi32> to vector<1xi32>
      %squeeze3A_1168 = vector.extract %slice3A_1167[0] : i32 from vector<1xi32>
      %swap3A_1169 = arith.constant 223 : i32
      %swap3A_1170 = arith.index_cast %swap3A_1169 : i32 to index
      %swap3A_1171 = memref.load %arg5[%swap3A_1170] : memref<320xi32, #tpu.memory_space<smem>>
      memref.store %squeeze3A_1168, %arg5[%swap3A_1170] : memref<320xi32, #tpu.memory_space<smem>>
      %get3A_1172 = arith.constant 224 : index
      %get3A_1173 = tpu.vector_load %arg6[%get3A_1172] {strides = array<i32>} : memref<320xi32, #tpu.memory_space<vmem>>, vector<16xi32>,
      %get3A_1174 = vector.shape_cast %get3A_1173 : vector<16xi32> to vector<16xi32>
      %slice3A_1175 = vector.extract_strided_slice %get3A_1174 {offsets = [0], sizes = [1], strides = [1]} : vector<16xi32> to vector<1xi32>
      %squeeze3A_1176 = vector.extract %slice3A_1175[0] : i32 from vector<1xi32>
      %swap3A_1177 = arith.constant 224 : i32
      %swap3A_1178 = arith.index_cast %swap3A_1177 : i32 to index
      %swap3A_1179 = memref.load %arg5[%swap3A_1178] : memref<320xi32, #tpu.memory_space<smem>>
      memref.store %squeeze3A_1176, %arg5[%swap3A_1178] : memref<320xi32, #tpu.memory_space<smem>>
      %slice3A_1180 = vector.extract_strided_slice %get3A_1174 {offsets = [1], sizes = [1], strides = [1]} : vector<16xi32> to vector<1xi32>
      %squeeze3A_1181 = vector.extract %slice3A_1180[0] : i32 from vector<1xi32>
      %swap3A_1182 = arith.constant 225 : i32
      %swap3A_1183 = arith.index_cast %swap3A_1182 : i32 to index
      %swap3A_1184 = memref.load %arg5[%swap3A_1183] : memref<320xi32, #tpu.memory_space<smem>>
      memref.store %squeeze3A_1181, %arg5[%swap3A_1183] : memref<320xi32, #tpu.memory_space<smem>>
      %slice3A_1185 = vector.extract_strided_slice %get3A_1174 {offsets = [2], sizes = [1], strides = [1]} : vector<16xi32> to vector<1xi32>
      %squeeze3A_1186 = vector.extract %slice3A_1185[0] : i32 from vector<1xi32>
      %swap3A_1187 = arith.constant 226 : i32
      %swap3A_1188 = arith.index_cast %swap3A_1187 : i32 to index
      %swap3A_1189 = memref.load %arg5[%swap3A_1188] : memref<320xi32, #tpu.memory_space<smem>>
      memref.store %squeeze3A_1186, %arg5[%swap3A_1188] : memref<320xi32, #tpu.memory_space<smem>>
      %slice3A_1190 = vector.extract_strided_slice %get3A_1174 {offsets = [3], sizes = [1], strides = [1]} : vector<16xi32> to vector<1xi32>
      %squeeze3A_1191 = vector.extract %slice3A_1190[0] : i32 from vector<1xi32>
      %swap3A_1192 = arith.constant 227 : i32
      %swap3A_1193 = arith.index_cast %swap3A_1192 : i32 to index
      %swap3A_1194 = memref.load %arg5[%swap3A_1193] : memref<320xi32, #tpu.memory_space<smem>>
      memref.store %squeeze3A_1191, %arg5[%swap3A_1193] : memref<320xi32, #tpu.memory_space<smem>>
      %slice3A_1195 = vector.extract_strided_slice %get3A_1174 {offsets = [4], sizes = [1], strides = [1]} : vector<16xi32> to vector<1xi32>
      %squeeze3A_1196 = vector.extract %slice3A_1195[0] : i32 from vector<1xi32>
      %swap3A_1197 = arith.constant 228 : i32
      %swap3A_1198 = arith.index_cast %swap3A_1197 : i32 to index
      %swap3A_1199 = memref.load %arg5[%swap3A_1198] : memref<320xi32, #tpu.memory_space<smem>>
      memref.store %squeeze3A_1196, %arg5[%swap3A_1198] : memref<320xi32, #tpu.memory_space<smem>>
      %slice3A_1200 = vector.extract_strided_slice %get3A_1174 {offsets = [5], sizes = [1], strides = [1]} : vector<16xi32> to vector<1xi32>
      %squeeze3A_1201 = vector.extract %slice3A_1200[0] : i32 from vector<1xi32>
      %swap3A_1202 = arith.constant 229 : i32
      %swap3A_1203 = arith.index_cast %swap3A_1202 : i32 to index
      %swap3A_1204 = memref.load %arg5[%swap3A_1203] : memref<320xi32, #tpu.memory_space<smem>>
      memref.store %squeeze3A_1201, %arg5[%swap3A_1203] : memref<320xi32, #tpu.memory_space<smem>>
      %slice3A_1205 = vector.extract_strided_slice %get3A_1174 {offsets = [6], sizes = [1], strides = [1]} : vector<16xi32> to vector<1xi32>
      %squeeze3A_1206 = vector.extract %slice3A_1205[0] : i32 from vector<1xi32>
      %swap3A_1207 = arith.constant 230 : i32
      %swap3A_1208 = arith.index_cast %swap3A_1207 : i32 to index
      %swap3A_1209 = memref.load %arg5[%swap3A_1208] : memref<320xi32, #tpu.memory_space<smem>>
      memref.store %squeeze3A_1206, %arg5[%swap3A_1208] : memref<320xi32, #tpu.memory_space<smem>>
      %slice3A_1210 = vector.extract_strided_slice %get3A_1174 {offsets = [7], sizes = [1], strides = [1]} : vector<16xi32> to vector<1xi32>
      %squeeze3A_1211 = vector.extract %slice3A_1210[0] : i32 from vector<1xi32>
      %swap3A_1212 = arith.constant 231 : i32
      %swap3A_1213 = arith.index_cast %swap3A_1212 : i32 to index
      %swap3A_1214 = memref.load %arg5[%swap3A_1213] : memref<320xi32, #tpu.memory_space<smem>>
      memref.store %squeeze3A_1211, %arg5[%swap3A_1213] : memref<320xi32, #tpu.memory_space<smem>>
      %slice3A_1215 = vector.extract_strided_slice %get3A_1174 {offsets = [8], sizes = [1], strides = [1]} : vector<16xi32> to vector<1xi32>
      %squeeze3A_1216 = vector.extract %slice3A_1215[0] : i32 from vector<1xi32>
      %swap3A_1217 = arith.constant 232 : i32
      %swap3A_1218 = arith.index_cast %swap3A_1217 : i32 to index
      %swap3A_1219 = memref.load %arg5[%swap3A_1218] : memref<320xi32, #tpu.memory_space<smem>>
      memref.store %squeeze3A_1216, %arg5[%swap3A_1218] : memref<320xi32, #tpu.memory_space<smem>>
      %slice3A_1220 = vector.extract_strided_slice %get3A_1174 {offsets = [9], sizes = [1], strides = [1]} : vector<16xi32> to vector<1xi32>
      %squeeze3A_1221 = vector.extract %slice3A_1220[0] : i32 from vector<1xi32>
      %swap3A_1222 = arith.constant 233 : i32
      %swap3A_1223 = arith.index_cast %swap3A_1222 : i32 to index
      %swap3A_1224 = memref.load %arg5[%swap3A_1223] : memref<320xi32, #tpu.memory_space<smem>>
      memref.store %squeeze3A_1221, %arg5[%swap3A_1223] : memref<320xi32, #tpu.memory_space<smem>>
      %slice3A_1225 = vector.extract_strided_slice %get3A_1174 {offsets = [10], sizes = [1], strides = [1]} : vector<16xi32> to vector<1xi32>
      %squeeze3A_1226 = vector.extract %slice3A_1225[0] : i32 from vector<1xi32>
      %swap3A_1227 = arith.constant 234 : i32
      %swap3A_1228 = arith.index_cast %swap3A_1227 : i32 to index
      %swap3A_1229 = memref.load %arg5[%swap3A_1228] : memref<320xi32, #tpu.memory_space<smem>>
      memref.store %squeeze3A_1226, %arg5[%swap3A_1228] : memref<320xi32, #tpu.memory_space<smem>>
      %slice3A_1230 = vector.extract_strided_slice %get3A_1174 {offsets = [11], sizes = [1], strides = [1]} : vector<16xi32> to vector<1xi32>
      %squeeze3A_1231 = vector.extract %slice3A_1230[0] : i32 from vector<1xi32>
      %swap3A_1232 = arith.constant 235 : i32
      %swap3A_1233 = arith.index_cast %swap3A_1232 : i32 to index
      %swap3A_1234 = memref.load %arg5[%swap3A_1233] : memref<320xi32, #tpu.memory_space<smem>>
      memref.store %squeeze3A_1231, %arg5[%swap3A_1233] : memref<320xi32, #tpu.memory_space<smem>>
      %slice3A_1235 = vector.extract_strided_slice %get3A_1174 {offsets = [12], sizes = [1], strides = [1]} : vector<16xi32> to vector<1xi32>
      %squeeze3A_1236 = vector.extract %slice3A_1235[0] : i32 from vector<1xi32>
      %swap3A_1237 = arith.constant 236 : i32
      %swap3A_1238 = arith.index_cast %swap3A_1237 : i32 to index
      %swap3A_1239 = memref.load %arg5[%swap3A_1238] : memref<320xi32, #tpu.memory_space<smem>>
      memref.store %squeeze3A_1236, %arg5[%swap3A_1238] : memref<320xi32, #tpu.memory_space<smem>>
      %slice3A_1240 = vector.extract_strided_slice %get3A_1174 {offsets = [13], sizes = [1], strides = [1]} : vector<16xi32> to vector<1xi32>
      %squeeze3A_1241 = vector.extract %slice3A_1240[0] : i32 from vector<1xi32>
      %swap3A_1242 = arith.constant 237 : i32
      %swap3A_1243 = arith.index_cast %swap3A_1242 : i32 to index
      %swap3A_1244 = memref.load %arg5[%swap3A_1243] : memref<320xi32, #tpu.memory_space<smem>>
      memref.store %squeeze3A_1241, %arg5[%swap3A_1243] : memref<320xi32, #tpu.memory_space<smem>>
      %slice3A_1245 = vector.extract_strided_slice %get3A_1174 {offsets = [14], sizes = [1], strides = [1]} : vector<16xi32> to vector<1xi32>
      %squeeze3A_1246 = vector.extract %slice3A_1245[0] : i32 from vector<1xi32>
      %swap3A_1247 = arith.constant 238 : i32
      %swap3A_1248 = arith.index_cast %swap3A_1247 : i32 to index
      %swap3A_1249 = memref.load %arg5[%swap3A_1248] : memref<320xi32, #tpu.memory_space<smem>>
      memref.store %squeeze3A_1246, %arg5[%swap3A_1248] : memref<320xi32, #tpu.memory_space<smem>>
      %slice3A_1250 = vector.extract_strided_slice %get3A_1174 {offsets = [15], sizes = [1], strides = [1]} : vector<16xi32> to vector<1xi32>
      %squeeze3A_1251 = vector.extract %slice3A_1250[0] : i32 from vector<1xi32>
      %swap3A_1252 = arith.constant 239 : i32
      %swap3A_1253 = arith.index_cast %swap3A_1252 : i32 to index
      %swap3A_1254 = memref.load %arg5[%swap3A_1253] : memref<320xi32, #tpu.memory_space<smem>>
      memref.store %squeeze3A_1251, %arg5[%swap3A_1253] : memref<320xi32, #tpu.memory_space<smem>>
      %get3A_1255 = arith.constant 240 : index
      %get3A_1256 = tpu.vector_load %arg6[%get3A_1255] {strides = array<i32>} : memref<320xi32, #tpu.memory_space<vmem>>, vector<16xi32>,
      %get3A_1257 = vector.shape_cast %get3A_1256 : vector<16xi32> to vector<16xi32>
      %slice3A_1258 = vector.extract_strided_slice %get3A_1257 {offsets = [0], sizes = [1], strides = [1]} : vector<16xi32> to vector<1xi32>
      %squeeze3A_1259 = vector.extract %slice3A_1258[0] : i32 from vector<1xi32>
      %swap3A_1260 = arith.constant 240 : i32
      %swap3A_1261 = arith.index_cast %swap3A_1260 : i32 to index
      %swap3A_1262 = memref.load %arg5[%swap3A_1261] : memref<320xi32, #tpu.memory_space<smem>>
      memref.store %squeeze3A_1259, %arg5[%swap3A_1261] : memref<320xi32, #tpu.memory_space<smem>>
      %slice3A_1263 = vector.extract_strided_slice %get3A_1257 {offsets = [1], sizes = [1], strides = [1]} : vector<16xi32> to vector<1xi32>
      %squeeze3A_1264 = vector.extract %slice3A_1263[0] : i32 from vector<1xi32>
      %swap3A_1265 = arith.constant 241 : i32
      %swap3A_1266 = arith.index_cast %swap3A_1265 : i32 to index
      %swap3A_1267 = memref.load %arg5[%swap3A_1266] : memref<320xi32, #tpu.memory_space<smem>>
      memref.store %squeeze3A_1264, %arg5[%swap3A_1266] : memref<320xi32, #tpu.memory_space<smem>>
      %slice3A_1268 = vector.extract_strided_slice %get3A_1257 {offsets = [2], sizes = [1], strides = [1]} : vector<16xi32> to vector<1xi32>
      %squeeze3A_1269 = vector.extract %slice3A_1268[0] : i32 from vector<1xi32>
      %swap3A_1270 = arith.constant 242 : i32
      %swap3A_1271 = arith.index_cast %swap3A_1270 : i32 to index
      %swap3A_1272 = memref.load %arg5[%swap3A_1271] : memref<320xi32, #tpu.memory_space<smem>>
      memref.store %squeeze3A_1269, %arg5[%swap3A_1271] : memref<320xi32, #tpu.memory_space<smem>>
      %slice3A_1273 = vector.extract_strided_slice %get3A_1257 {offsets = [3], sizes = [1], strides = [1]} : vector<16xi32> to vector<1xi32>
      %squeeze3A_1274 = vector.extract %slice3A_1273[0] : i32 from vector<1xi32>
      %swap3A_1275 = arith.constant 243 : i32
      %swap3A_1276 = arith.index_cast %swap3A_1275 : i32 to index
      %swap3A_1277 = memref.load %arg5[%swap3A_1276] : memref<320xi32, #tpu.memory_space<smem>>
      memref.store %squeeze3A_1274, %arg5[%swap3A_1276] : memref<320xi32, #tpu.memory_space<smem>>
      %slice3A_1278 = vector.extract_strided_slice %get3A_1257 {offsets = [4], sizes = [1], strides = [1]} : vector<16xi32> to vector<1xi32>
      %squeeze3A_1279 = vector.extract %slice3A_1278[0] : i32 from vector<1xi32>
      %swap3A_1280 = arith.constant 244 : i32
      %swap3A_1281 = arith.index_cast %swap3A_1280 : i32 to index
      %swap3A_1282 = memref.load %arg5[%swap3A_1281] : memref<320xi32, #tpu.memory_space<smem>>
      memref.store %squeeze3A_1279, %arg5[%swap3A_1281] : memref<320xi32, #tpu.memory_space<smem>>
      %slice3A_1283 = vector.extract_strided_slice %get3A_1257 {offsets = [5], sizes = [1], strides = [1]} : vector<16xi32> to vector<1xi32>
      %squeeze3A_1284 = vector.extract %slice3A_1283[0] : i32 from vector<1xi32>
      %swap3A_1285 = arith.constant 245 : i32
      %swap3A_1286 = arith.index_cast %swap3A_1285 : i32 to index
      %swap3A_1287 = memref.load %arg5[%swap3A_1286] : memref<320xi32, #tpu.memory_space<smem>>
      memref.store %squeeze3A_1284, %arg5[%swap3A_1286] : memref<320xi32, #tpu.memory_space<smem>>
      %slice3A_1288 = vector.extract_strided_slice %get3A_1257 {offsets = [6], sizes = [1], strides = [1]} : vector<16xi32> to vector<1xi32>
      %squeeze3A_1289 = vector.extract %slice3A_1288[0] : i32 from vector<1xi32>
      %swap3A_1290 = arith.constant 246 : i32
      %swap3A_1291 = arith.index_cast %swap3A_1290 : i32 to index
      %swap3A_1292 = memref.load %arg5[%swap3A_1291] : memref<320xi32, #tpu.memory_space<smem>>
      memref.store %squeeze3A_1289, %arg5[%swap3A_1291] : memref<320xi32, #tpu.memory_space<smem>>
      %slice3A_1293 = vector.extract_strided_slice %get3A_1257 {offsets = [7], sizes = [1], strides = [1]} : vector<16xi32> to vector<1xi32>
      %squeeze3A_1294 = vector.extract %slice3A_1293[0] : i32 from vector<1xi32>
      %swap3A_1295 = arith.constant 247 : i32
      %swap3A_1296 = arith.index_cast %swap3A_1295 : i32 to index
      %swap3A_1297 = memref.load %arg5[%swap3A_1296] : memref<320xi32, #tpu.memory_space<smem>>
      memref.store %squeeze3A_1294, %arg5[%swap3A_1296] : memref<320xi32, #tpu.memory_space<smem>>
      %slice3A_1298 = vector.extract_strided_slice %get3A_1257 {offsets = [8], sizes = [1], strides = [1]} : vector<16xi32> to vector<1xi32>
      %squeeze3A_1299 = vector.extract %slice3A_1298[0] : i32 from vector<1xi32>
      %swap3A_1300 = arith.constant 248 : i32
      %swap3A_1301 = arith.index_cast %swap3A_1300 : i32 to index
      %swap3A_1302 = memref.load %arg5[%swap3A_1301] : memref<320xi32, #tpu.memory_space<smem>>
      memref.store %squeeze3A_1299, %arg5[%swap3A_1301] : memref<320xi32, #tpu.memory_space<smem>>
      %slice3A_1303 = vector.extract_strided_slice %get3A_1257 {offsets = [9], sizes = [1], strides = [1]} : vector<16xi32> to vector<1xi32>
      %squeeze3A_1304 = vector.extract %slice3A_1303[0] : i32 from vector<1xi32>
      %swap3A_1305 = arith.constant 249 : i32
      %swap3A_1306 = arith.index_cast %swap3A_1305 : i32 to index
      %swap3A_1307 = memref.load %arg5[%swap3A_1306] : memref<320xi32, #tpu.memory_space<smem>>
      memref.store %squeeze3A_1304, %arg5[%swap3A_1306] : memref<320xi32, #tpu.memory_space<smem>>
      %slice3A_1308 = vector.extract_strided_slice %get3A_1257 {offsets = [10], sizes = [1], strides = [1]} : vector<16xi32> to vector<1xi32>
      %squeeze3A_1309 = vector.extract %slice3A_1308[0] : i32 from vector<1xi32>
      %swap3A_1310 = arith.constant 250 : i32
      %swap3A_1311 = arith.index_cast %swap3A_1310 : i32 to index
      %swap3A_1312 = memref.load %arg5[%swap3A_1311] : memref<320xi32, #tpu.memory_space<smem>>
      memref.store %squeeze3A_1309, %arg5[%swap3A_1311] : memref<320xi32, #tpu.memory_space<smem>>
      %slice3A_1313 = vector.extract_strided_slice %get3A_1257 {offsets = [11], sizes = [1], strides = [1]} : vector<16xi32> to vector<1xi32>
      %squeeze3A_1314 = vector.extract %slice3A_1313[0] : i32 from vector<1xi32>
      %swap3A_1315 = arith.constant 251 : i32
      %swap3A_1316 = arith.index_cast %swap3A_1315 : i32 to index
      %swap3A_1317 = memref.load %arg5[%swap3A_1316] : memref<320xi32, #tpu.memory_space<smem>>
      memref.store %squeeze3A_1314, %arg5[%swap3A_1316] : memref<320xi32, #tpu.memory_space<smem>>
      %slice3A_1318 = vector.extract_strided_slice %get3A_1257 {offsets = [12], sizes = [1], strides = [1]} : vector<16xi32> to vector<1xi32>
      %squeeze3A_1319 = vector.extract %slice3A_1318[0] : i32 from vector<1xi32>
      %swap3A_1320 = arith.constant 252 : i32
      %swap3A_1321 = arith.index_cast %swap3A_1320 : i32 to index
      %swap3A_1322 = memref.load %arg5[%swap3A_1321] : memref<320xi32, #tpu.memory_space<smem>>
      memref.store %squeeze3A_1319, %arg5[%swap3A_1321] : memref<320xi32, #tpu.memory_space<smem>>
      %slice3A_1323 = vector.extract_strided_slice %get3A_1257 {offsets = [13], sizes = [1], strides = [1]} : vector<16xi32> to vector<1xi32>
      %squeeze3A_1324 = vector.extract %slice3A_1323[0] : i32 from vector<1xi32>
      %swap3A_1325 = arith.constant 253 : i32
      %swap3A_1326 = arith.index_cast %swap3A_1325 : i32 to index
      %swap3A_1327 = memref.load %arg5[%swap3A_1326] : memref<320xi32, #tpu.memory_space<smem>>
      memref.store %squeeze3A_1324, %arg5[%swap3A_1326] : memref<320xi32, #tpu.memory_space<smem>>
      %slice3A_1328 = vector.extract_strided_slice %get3A_1257 {offsets = [14], sizes = [1], strides = [1]} : vector<16xi32> to vector<1xi32>
      %squeeze3A_1329 = vector.extract %slice3A_1328[0] : i32 from vector<1xi32>
      %swap3A_1330 = arith.constant 254 : i32
      %swap3A_1331 = arith.index_cast %swap3A_1330 : i32 to index
      %swap3A_1332 = memref.load %arg5[%swap3A_1331] : memref<320xi32, #tpu.memory_space<smem>>
      memref.store %squeeze3A_1329, %arg5[%swap3A_1331] : memref<320xi32, #tpu.memory_space<smem>>
      %slice3A_1333 = vector.extract_strided_slice %get3A_1257 {offsets = [15], sizes = [1], strides = [1]} : vector<16xi32> to vector<1xi32>
      %squeeze3A_1334 = vector.extract %slice3A_1333[0] : i32 from vector<1xi32>
      %swap3A_1335 = arith.constant 255 : i32
      %swap3A_1336 = arith.index_cast %swap3A_1335 : i32 to index
      %swap3A_1337 = memref.load %arg5[%swap3A_1336] : memref<320xi32, #tpu.memory_space<smem>>
      memref.store %squeeze3A_1334, %arg5[%swap3A_1336] : memref<320xi32, #tpu.memory_space<smem>>
      %get3A_1338 = arith.constant 256 : index
      %get3A_1339 = tpu.vector_load %arg6[%get3A_1338] {strides = array<i32>} : memref<320xi32, #tpu.memory_space<vmem>>, vector<16xi32>,
      %get3A_1340 = vector.shape_cast %get3A_1339 : vector<16xi32> to vector<16xi32>
      %slice3A_1341 = vector.extract_strided_slice %get3A_1340 {offsets = [0], sizes = [1], strides = [1]} : vector<16xi32> to vector<1xi32>
      %squeeze3A_1342 = vector.extract %slice3A_1341[0] : i32 from vector<1xi32>
      %swap3A_1343 = arith.constant 256 : i32
      %swap3A_1344 = arith.index_cast %swap3A_1343 : i32 to index
      %swap3A_1345 = memref.load %arg5[%swap3A_1344] : memref<320xi32, #tpu.memory_space<smem>>
      memref.store %squeeze3A_1342, %arg5[%swap3A_1344] : memref<320xi32, #tpu.memory_space<smem>>
      %slice3A_1346 = vector.extract_strided_slice %get3A_1340 {offsets = [1], sizes = [1], strides = [1]} : vector<16xi32> to vector<1xi32>
      %squeeze3A_1347 = vector.extract %slice3A_1346[0] : i32 from vector<1xi32>
      %swap3A_1348 = arith.constant 257 : i32
      %swap3A_1349 = arith.index_cast %swap3A_1348 : i32 to index
      %swap3A_1350 = memref.load %arg5[%swap3A_1349] : memref<320xi32, #tpu.memory_space<smem>>
      memref.store %squeeze3A_1347, %arg5[%swap3A_1349] : memref<320xi32, #tpu.memory_space<smem>>
      %slice3A_1351 = vector.extract_strided_slice %get3A_1340 {offsets = [2], sizes = [1], strides = [1]} : vector<16xi32> to vector<1xi32>
      %squeeze3A_1352 = vector.extract %slice3A_1351[0] : i32 from vector<1xi32>
      %swap3A_1353 = arith.constant 258 : i32
      %swap3A_1354 = arith.index_cast %swap3A_1353 : i32 to index
      %swap3A_1355 = memref.load %arg5[%swap3A_1354] : memref<320xi32, #tpu.memory_space<smem>>
      memref.store %squeeze3A_1352, %arg5[%swap3A_1354] : memref<320xi32, #tpu.memory_space<smem>>
      %slice3A_1356 = vector.extract_strided_slice %get3A_1340 {offsets = [3], sizes = [1], strides = [1]} : vector<16xi32> to vector<1xi32>
      %squeeze3A_1357 = vector.extract %slice3A_1356[0] : i32 from vector<1xi32>
      %swap3A_1358 = arith.constant 259 : i32
      %swap3A_1359 = arith.index_cast %swap3A_1358 : i32 to index
      %swap3A_1360 = memref.load %arg5[%swap3A_1359] : memref<320xi32, #tpu.memory_space<smem>>
      memref.store %squeeze3A_1357, %arg5[%swap3A_1359] : memref<320xi32, #tpu.memory_space<smem>>
      %slice3A_1361 = vector.extract_strided_slice %get3A_1340 {offsets = [4], sizes = [1], strides = [1]} : vector<16xi32> to vector<1xi32>
      %squeeze3A_1362 = vector.extract %slice3A_1361[0] : i32 from vector<1xi32>
      %swap3A_1363 = arith.constant 260 : i32
      %swap3A_1364 = arith.index_cast %swap3A_1363 : i32 to index
      %swap3A_1365 = memref.load %arg5[%swap3A_1364] : memref<320xi32, #tpu.memory_space<smem>>
      memref.store %squeeze3A_1362, %arg5[%swap3A_1364] : memref<320xi32, #tpu.memory_space<smem>>
      %slice3A_1366 = vector.extract_strided_slice %get3A_1340 {offsets = [5], sizes = [1], strides = [1]} : vector<16xi32> to vector<1xi32>
      %squeeze3A_1367 = vector.extract %slice3A_1366[0] : i32 from vector<1xi32>
      %swap3A_1368 = arith.constant 261 : i32
      %swap3A_1369 = arith.index_cast %swap3A_1368 : i32 to index
      %swap3A_1370 = memref.load %arg5[%swap3A_1369] : memref<320xi32, #tpu.memory_space<smem>>
      memref.store %squeeze3A_1367, %arg5[%swap3A_1369] : memref<320xi32, #tpu.memory_space<smem>>
      %slice3A_1371 = vector.extract_strided_slice %get3A_1340 {offsets = [6], sizes = [1], strides = [1]} : vector<16xi32> to vector<1xi32>
      %squeeze3A_1372 = vector.extract %slice3A_1371[0] : i32 from vector<1xi32>
      %swap3A_1373 = arith.constant 262 : i32
      %swap3A_1374 = arith.index_cast %swap3A_1373 : i32 to index
      %swap3A_1375 = memref.load %arg5[%swap3A_1374] : memref<320xi32, #tpu.memory_space<smem>>
      memref.store %squeeze3A_1372, %arg5[%swap3A_1374] : memref<320xi32, #tpu.memory_space<smem>>
      %slice3A_1376 = vector.extract_strided_slice %get3A_1340 {offsets = [7], sizes = [1], strides = [1]} : vector<16xi32> to vector<1xi32>
      %squeeze3A_1377 = vector.extract %slice3A_1376[0] : i32 from vector<1xi32>
      %swap3A_1378 = arith.constant 263 : i32
      %swap3A_1379 = arith.index_cast %swap3A_1378 : i32 to index
      %swap3A_1380 = memref.load %arg5[%swap3A_1379] : memref<320xi32, #tpu.memory_space<smem>>
      memref.store %squeeze3A_1377, %arg5[%swap3A_1379] : memref<320xi32, #tpu.memory_space<smem>>
      %slice3A_1381 = vector.extract_strided_slice %get3A_1340 {offsets = [8], sizes = [1], strides = [1]} : vector<16xi32> to vector<1xi32>
      %squeeze3A_1382 = vector.extract %slice3A_1381[0] : i32 from vector<1xi32>
      %swap3A_1383 = arith.constant 264 : i32
      %swap3A_1384 = arith.index_cast %swap3A_1383 : i32 to index
      %swap3A_1385 = memref.load %arg5[%swap3A_1384] : memref<320xi32, #tpu.memory_space<smem>>
      memref.store %squeeze3A_1382, %arg5[%swap3A_1384] : memref<320xi32, #tpu.memory_space<smem>>
      %slice3A_1386 = vector.extract_strided_slice %get3A_1340 {offsets = [9], sizes = [1], strides = [1]} : vector<16xi32> to vector<1xi32>
      %squeeze3A_1387 = vector.extract %slice3A_1386[0] : i32 from vector<1xi32>
      %swap3A_1388 = arith.constant 265 : i32
      %swap3A_1389 = arith.index_cast %swap3A_1388 : i32 to index
      %swap3A_1390 = memref.load %arg5[%swap3A_1389] : memref<320xi32, #tpu.memory_space<smem>>
      memref.store %squeeze3A_1387, %arg5[%swap3A_1389] : memref<320xi32, #tpu.memory_space<smem>>
      %slice3A_1391 = vector.extract_strided_slice %get3A_1340 {offsets = [10], sizes = [1], strides = [1]} : vector<16xi32> to vector<1xi32>
      %squeeze3A_1392 = vector.extract %slice3A_1391[0] : i32 from vector<1xi32>
      %swap3A_1393 = arith.constant 266 : i32
      %swap3A_1394 = arith.index_cast %swap3A_1393 : i32 to index
      %swap3A_1395 = memref.load %arg5[%swap3A_1394] : memref<320xi32, #tpu.memory_space<smem>>
      memref.store %squeeze3A_1392, %arg5[%swap3A_1394] : memref<320xi32, #tpu.memory_space<smem>>
      %slice3A_1396 = vector.extract_strided_slice %get3A_1340 {offsets = [11], sizes = [1], strides = [1]} : vector<16xi32> to vector<1xi32>
      %squeeze3A_1397 = vector.extract %slice3A_1396[0] : i32 from vector<1xi32>
      %swap3A_1398 = arith.constant 267 : i32
      %swap3A_1399 = arith.index_cast %swap3A_1398 : i32 to index
      %swap3A_1400 = memref.load %arg5[%swap3A_1399] : memref<320xi32, #tpu.memory_space<smem>>
      memref.store %squeeze3A_1397, %arg5[%swap3A_1399] : memref<320xi32, #tpu.memory_space<smem>>
      %slice3A_1401 = vector.extract_strided_slice %get3A_1340 {offsets = [12], sizes = [1], strides = [1]} : vector<16xi32> to vector<1xi32>
      %squeeze3A_1402 = vector.extract %slice3A_1401[0] : i32 from vector<1xi32>
      %swap3A_1403 = arith.constant 268 : i32
      %swap3A_1404 = arith.index_cast %swap3A_1403 : i32 to index
      %swap3A_1405 = memref.load %arg5[%swap3A_1404] : memref<320xi32, #tpu.memory_space<smem>>
      memref.store %squeeze3A_1402, %arg5[%swap3A_1404] : memref<320xi32, #tpu.memory_space<smem>>
      %slice3A_1406 = vector.extract_strided_slice %get3A_1340 {offsets = [13], sizes = [1], strides = [1]} : vector<16xi32> to vector<1xi32>
      %squeeze3A_1407 = vector.extract %slice3A_1406[0] : i32 from vector<1xi32>
      %swap3A_1408 = arith.constant 269 : i32
      %swap3A_1409 = arith.index_cast %swap3A_1408 : i32 to index
      %swap3A_1410 = memref.load %arg5[%swap3A_1409] : memref<320xi32, #tpu.memory_space<smem>>
      memref.store %squeeze3A_1407, %arg5[%swap3A_1409] : memref<320xi32, #tpu.memory_space<smem>>
      %slice3A_1411 = vector.extract_strided_slice %get3A_1340 {offsets = [14], sizes = [1], strides = [1]} : vector<16xi32> to vector<1xi32>
      %squeeze3A_1412 = vector.extract %slice3A_1411[0] : i32 from vector<1xi32>
      %swap3A_1413 = arith.constant 270 : i32
      %swap3A_1414 = arith.index_cast %swap3A_1413 : i32 to index
      %swap3A_1415 = memref.load %arg5[%swap3A_1414] : memref<320xi32, #tpu.memory_space<smem>>
      memref.store %squeeze3A_1412, %arg5[%swap3A_1414] : memref<320xi32, #tpu.memory_space<smem>>
      %slice3A_1416 = vector.extract_strided_slice %get3A_1340 {offsets = [15], sizes = [1], strides = [1]} : vector<16xi32> to vector<1xi32>
      %squeeze3A_1417 = vector.extract %slice3A_1416[0] : i32 from vector<1xi32>
      %swap3A_1418 = arith.constant 271 : i32
      %swap3A_1419 = arith.index_cast %swap3A_1418 : i32 to index
      %swap3A_1420 = memref.load %arg5[%swap3A_1419] : memref<320xi32, #tpu.memory_space<smem>>
      memref.store %squeeze3A_1417, %arg5[%swap3A_1419] : memref<320xi32, #tpu.memory_space<smem>>
      %get3A_1421 = arith.constant 272 : index
      %get3A_1422 = tpu.vector_load %arg6[%get3A_1421] {strides = array<i32>} : memref<320xi32, #tpu.memory_space<vmem>>, vector<16xi32>,
      %get3A_1423 = vector.shape_cast %get3A_1422 : vector<16xi32> to vector<16xi32>
      %slice3A_1424 = vector.extract_strided_slice %get3A_1423 {offsets = [0], sizes = [1], strides = [1]} : vector<16xi32> to vector<1xi32>
      %squeeze3A_1425 = vector.extract %slice3A_1424[0] : i32 from vector<1xi32>
      %swap3A_1426 = arith.constant 272 : i32
      %swap3A_1427 = arith.index_cast %swap3A_1426 : i32 to index
      %swap3A_1428 = memref.load %arg5[%swap3A_1427] : memref<320xi32, #tpu.memory_space<smem>>
      memref.store %squeeze3A_1425, %arg5[%swap3A_1427] : memref<320xi32, #tpu.memory_space<smem>>
      %slice3A_1429 = vector.extract_strided_slice %get3A_1423 {offsets = [1], sizes = [1], strides = [1]} : vector<16xi32> to vector<1xi32>
      %squeeze3A_1430 = vector.extract %slice3A_1429[0] : i32 from vector<1xi32>
      %swap3A_1431 = arith.constant 273 : i32
      %swap3A_1432 = arith.index_cast %swap3A_1431 : i32 to index
      %swap3A_1433 = memref.load %arg5[%swap3A_1432] : memref<320xi32, #tpu.memory_space<smem>>
      memref.store %squeeze3A_1430, %arg5[%swap3A_1432] : memref<320xi32, #tpu.memory_space<smem>>
      %slice3A_1434 = vector.extract_strided_slice %get3A_1423 {offsets = [2], sizes = [1], strides = [1]} : vector<16xi32> to vector<1xi32>
      %squeeze3A_1435 = vector.extract %slice3A_1434[0] : i32 from vector<1xi32>
      %swap3A_1436 = arith.constant 274 : i32
      %swap3A_1437 = arith.index_cast %swap3A_1436 : i32 to index
      %swap3A_1438 = memref.load %arg5[%swap3A_1437] : memref<320xi32, #tpu.memory_space<smem>>
      memref.store %squeeze3A_1435, %arg5[%swap3A_1437] : memref<320xi32, #tpu.memory_space<smem>>
      %slice3A_1439 = vector.extract_strided_slice %get3A_1423 {offsets = [3], sizes = [1], strides = [1]} : vector<16xi32> to vector<1xi32>
      %squeeze3A_1440 = vector.extract %slice3A_1439[0] : i32 from vector<1xi32>
      %swap3A_1441 = arith.constant 275 : i32
      %swap3A_1442 = arith.index_cast %swap3A_1441 : i32 to index
      %swap3A_1443 = memref.load %arg5[%swap3A_1442] : memref<320xi32, #tpu.memory_space<smem>>
      memref.store %squeeze3A_1440, %arg5[%swap3A_1442] : memref<320xi32, #tpu.memory_space<smem>>
      %slice3A_1444 = vector.extract_strided_slice %get3A_1423 {offsets = [4], sizes = [1], strides = [1]} : vector<16xi32> to vector<1xi32>
      %squeeze3A_1445 = vector.extract %slice3A_1444[0] : i32 from vector<1xi32>
      %swap3A_1446 = arith.constant 276 : i32
      %swap3A_1447 = arith.index_cast %swap3A_1446 : i32 to index
      %swap3A_1448 = memref.load %arg5[%swap3A_1447] : memref<320xi32, #tpu.memory_space<smem>>
      memref.store %squeeze3A_1445, %arg5[%swap3A_1447] : memref<320xi32, #tpu.memory_space<smem>>
      %slice3A_1449 = vector.extract_strided_slice %get3A_1423 {offsets = [5], sizes = [1], strides = [1]} : vector<16xi32> to vector<1xi32>
      %squeeze3A_1450 = vector.extract %slice3A_1449[0] : i32 from vector<1xi32>
      %swap3A_1451 = arith.constant 277 : i32
      %swap3A_1452 = arith.index_cast %swap3A_1451 : i32 to index
      %swap3A_1453 = memref.load %arg5[%swap3A_1452] : memref<320xi32, #tpu.memory_space<smem>>
      memref.store %squeeze3A_1450, %arg5[%swap3A_1452] : memref<320xi32, #tpu.memory_space<smem>>
      %slice3A_1454 = vector.extract_strided_slice %get3A_1423 {offsets = [6], sizes = [1], strides = [1]} : vector<16xi32> to vector<1xi32>
      %squeeze3A_1455 = vector.extract %slice3A_1454[0] : i32 from vector<1xi32>
      %swap3A_1456 = arith.constant 278 : i32
      %swap3A_1457 = arith.index_cast %swap3A_1456 : i32 to index
      %swap3A_1458 = memref.load %arg5[%swap3A_1457] : memref<320xi32, #tpu.memory_space<smem>>
      memref.store %squeeze3A_1455, %arg5[%swap3A_1457] : memref<320xi32, #tpu.memory_space<smem>>
      %slice3A_1459 = vector.extract_strided_slice %get3A_1423 {offsets = [7], sizes = [1], strides = [1]} : vector<16xi32> to vector<1xi32>
      %squeeze3A_1460 = vector.extract %slice3A_1459[0] : i32 from vector<1xi32>
      %swap3A_1461 = arith.constant 279 : i32
      %swap3A_1462 = arith.index_cast %swap3A_1461 : i32 to index
      %swap3A_1463 = memref.load %arg5[%swap3A_1462] : memref<320xi32, #tpu.memory_space<smem>>
      memref.store %squeeze3A_1460, %arg5[%swap3A_1462] : memref<320xi32, #tpu.memory_space<smem>>
      %slice3A_1464 = vector.extract_strided_slice %get3A_1423 {offsets = [8], sizes = [1], strides = [1]} : vector<16xi32> to vector<1xi32>
      %squeeze3A_1465 = vector.extract %slice3A_1464[0] : i32 from vector<1xi32>
      %swap3A_1466 = arith.constant 280 : i32
      %swap3A_1467 = arith.index_cast %swap3A_1466 : i32 to index
      %swap3A_1468 = memref.load %arg5[%swap3A_1467] : memref<320xi32, #tpu.memory_space<smem>>
      memref.store %squeeze3A_1465, %arg5[%swap3A_1467] : memref<320xi32, #tpu.memory_space<smem>>
      %slice3A_1469 = vector.extract_strided_slice %get3A_1423 {offsets = [9], sizes = [1], strides = [1]} : vector<16xi32> to vector<1xi32>
      %squeeze3A_1470 = vector.extract %slice3A_1469[0] : i32 from vector<1xi32>
      %swap3A_1471 = arith.constant 281 : i32
      %swap3A_1472 = arith.index_cast %swap3A_1471 : i32 to index
      %swap3A_1473 = memref.load %arg5[%swap3A_1472] : memref<320xi32, #tpu.memory_space<smem>>
      memref.store %squeeze3A_1470, %arg5[%swap3A_1472] : memref<320xi32, #tpu.memory_space<smem>>
      %slice3A_1474 = vector.extract_strided_slice %get3A_1423 {offsets = [10], sizes = [1], strides = [1]} : vector<16xi32> to vector<1xi32>
      %squeeze3A_1475 = vector.extract %slice3A_1474[0] : i32 from vector<1xi32>
      %swap3A_1476 = arith.constant 282 : i32
      %swap3A_1477 = arith.index_cast %swap3A_1476 : i32 to index
      %swap3A_1478 = memref.load %arg5[%swap3A_1477] : memref<320xi32, #tpu.memory_space<smem>>
      memref.store %squeeze3A_1475, %arg5[%swap3A_1477] : memref<320xi32, #tpu.memory_space<smem>>
      %slice3A_1479 = vector.extract_strided_slice %get3A_1423 {offsets = [11], sizes = [1], strides = [1]} : vector<16xi32> to vector<1xi32>
      %squeeze3A_1480 = vector.extract %slice3A_1479[0] : i32 from vector<1xi32>
      %swap3A_1481 = arith.constant 283 : i32
      %swap3A_1482 = arith.index_cast %swap3A_1481 : i32 to index
      %swap3A_1483 = memref.load %arg5[%swap3A_1482] : memref<320xi32, #tpu.memory_space<smem>>
      memref.store %squeeze3A_1480, %arg5[%swap3A_1482] : memref<320xi32, #tpu.memory_space<smem>>
      %slice3A_1484 = vector.extract_strided_slice %get3A_1423 {offsets = [12], sizes = [1], strides = [1]} : vector<16xi32> to vector<1xi32>
      %squeeze3A_1485 = vector.extract %slice3A_1484[0] : i32 from vector<1xi32>
      %swap3A_1486 = arith.constant 284 : i32
      %swap3A_1487 = arith.index_cast %swap3A_1486 : i32 to index
      %swap3A_1488 = memref.load %arg5[%swap3A_1487] : memref<320xi32, #tpu.memory_space<smem>>
      memref.store %squeeze3A_1485, %arg5[%swap3A_1487] : memref<320xi32, #tpu.memory_space<smem>>
      %slice3A_1489 = vector.extract_strided_slice %get3A_1423 {offsets = [13], sizes = [1], strides = [1]} : vector<16xi32> to vector<1xi32>
      %squeeze3A_1490 = vector.extract %slice3A_1489[0] : i32 from vector<1xi32>
      %swap3A_1491 = arith.constant 285 : i32
      %swap3A_1492 = arith.index_cast %swap3A_1491 : i32 to index
      %swap3A_1493 = memref.load %arg5[%swap3A_1492] : memref<320xi32, #tpu.memory_space<smem>>
      memref.store %squeeze3A_1490, %arg5[%swap3A_1492] : memref<320xi32, #tpu.memory_space<smem>>
      %slice3A_1494 = vector.extract_strided_slice %get3A_1423 {offsets = [14], sizes = [1], strides = [1]} : vector<16xi32> to vector<1xi32>
      %squeeze3A_1495 = vector.extract %slice3A_1494[0] : i32 from vector<1xi32>
      %swap3A_1496 = arith.constant 286 : i32
      %swap3A_1497 = arith.index_cast %swap3A_1496 : i32 to index
      %swap3A_1498 = memref.load %arg5[%swap3A_1497] : memref<320xi32, #tpu.memory_space<smem>>
      memref.store %squeeze3A_1495, %arg5[%swap3A_1497] : memref<320xi32, #tpu.memory_space<smem>>
      %slice3A_1499 = vector.extract_strided_slice %get3A_1423 {offsets = [15], sizes = [1], strides = [1]} : vector<16xi32> to vector<1xi32>
      %squeeze3A_1500 = vector.extract %slice3A_1499[0] : i32 from vector<1xi32>
      %swap3A_1501 = arith.constant 287 : i32
      %swap3A_1502 = arith.index_cast %swap3A_1501 : i32 to index
      %swap3A_1503 = memref.load %arg5[%swap3A_1502] : memref<320xi32, #tpu.memory_space<smem>>
      memref.store %squeeze3A_1500, %arg5[%swap3A_1502] : memref<320xi32, #tpu.memory_space<smem>>
      %get3A_1504 = arith.constant 288 : index
      %get3A_1505 = tpu.vector_load %arg6[%get3A_1504] {strides = array<i32>} : memref<320xi32, #tpu.memory_space<vmem>>, vector<16xi32>,
      %get3A_1506 = vector.shape_cast %get3A_1505 : vector<16xi32> to vector<16xi32>
      %slice3A_1507 = vector.extract_strided_slice %get3A_1506 {offsets = [0], sizes = [1], strides = [1]} : vector<16xi32> to vector<1xi32>
      %squeeze3A_1508 = vector.extract %slice3A_1507[0] : i32 from vector<1xi32>
      %swap3A_1509 = arith.constant 288 : i32
      %swap3A_1510 = arith.index_cast %swap3A_1509 : i32 to index
      %swap3A_1511 = memref.load %arg5[%swap3A_1510] : memref<320xi32, #tpu.memory_space<smem>>
      memref.store %squeeze3A_1508, %arg5[%swap3A_1510] : memref<320xi32, #tpu.memory_space<smem>>
      %slice3A_1512 = vector.extract_strided_slice %get3A_1506 {offsets = [1], sizes = [1], strides = [1]} : vector<16xi32> to vector<1xi32>
      %squeeze3A_1513 = vector.extract %slice3A_1512[0] : i32 from vector<1xi32>
      %swap3A_1514 = arith.constant 289 : i32
      %swap3A_1515 = arith.index_cast %swap3A_1514 : i32 to index
      %swap3A_1516 = memref.load %arg5[%swap3A_1515] : memref<320xi32, #tpu.memory_space<smem>>
      memref.store %squeeze3A_1513, %arg5[%swap3A_1515] : memref<320xi32, #tpu.memory_space<smem>>
      %slice3A_1517 = vector.extract_strided_slice %get3A_1506 {offsets = [2], sizes = [1], strides = [1]} : vector<16xi32> to vector<1xi32>
      %squeeze3A_1518 = vector.extract %slice3A_1517[0] : i32 from vector<1xi32>
      %swap3A_1519 = arith.constant 290 : i32
      %swap3A_1520 = arith.index_cast %swap3A_1519 : i32 to index
      %swap3A_1521 = memref.load %arg5[%swap3A_1520] : memref<320xi32, #tpu.memory_space<smem>>
      memref.store %squeeze3A_1518, %arg5[%swap3A_1520] : memref<320xi32, #tpu.memory_space<smem>>
      %slice3A_1522 = vector.extract_strided_slice %get3A_1506 {offsets = [3], sizes = [1], strides = [1]} : vector<16xi32> to vector<1xi32>
      %squeeze3A_1523 = vector.extract %slice3A_1522[0] : i32 from vector<1xi32>
      %swap3A_1524 = arith.constant 291 : i32
      %swap3A_1525 = arith.index_cast %swap3A_1524 : i32 to index
      %swap3A_1526 = memref.load %arg5[%swap3A_1525] : memref<320xi32, #tpu.memory_space<smem>>
      memref.store %squeeze3A_1523, %arg5[%swap3A_1525] : memref<320xi32, #tpu.memory_space<smem>>
      %slice3A_1527 = vector.extract_strided_slice %get3A_1506 {offsets = [4], sizes = [1], strides = [1]} : vector<16xi32> to vector<1xi32>
      %squeeze3A_1528 = vector.extract %slice3A_1527[0] : i32 from vector<1xi32>
      %swap3A_1529 = arith.constant 292 : i32
      %swap3A_1530 = arith.index_cast %swap3A_1529 : i32 to index
      %swap3A_1531 = memref.load %arg5[%swap3A_1530] : memref<320xi32, #tpu.memory_space<smem>>
      memref.store %squeeze3A_1528, %arg5[%swap3A_1530] : memref<320xi32, #tpu.memory_space<smem>>
      %slice3A_1532 = vector.extract_strided_slice %get3A_1506 {offsets = [5], sizes = [1], strides = [1]} : vector<16xi32> to vector<1xi32>
      %squeeze3A_1533 = vector.extract %slice3A_1532[0] : i32 from vector<1xi32>
      %swap3A_1534 = arith.constant 293 : i32
      %swap3A_1535 = arith.index_cast %swap3A_1534 : i32 to index
      %swap3A_1536 = memref.load %arg5[%swap3A_1535] : memref<320xi32, #tpu.memory_space<smem>>
      memref.store %squeeze3A_1533, %arg5[%swap3A_1535] : memref<320xi32, #tpu.memory_space<smem>>
      %slice3A_1537 = vector.extract_strided_slice %get3A_1506 {offsets = [6], sizes = [1], strides = [1]} : vector<16xi32> to vector<1xi32>
      %squeeze3A_1538 = vector.extract %slice3A_1537[0] : i32 from vector<1xi32>
      %swap3A_1539 = arith.constant 294 : i32
      %swap3A_1540 = arith.index_cast %swap3A_1539 : i32 to index
      %swap3A_1541 = memref.load %arg5[%swap3A_1540] : memref<320xi32, #tpu.memory_space<smem>>
      memref.store %squeeze3A_1538, %arg5[%swap3A_1540] : memref<320xi32, #tpu.memory_space<smem>>
      %slice3A_1542 = vector.extract_strided_slice %get3A_1506 {offsets = [7], sizes = [1], strides = [1]} : vector<16xi32> to vector<1xi32>
      %squeeze3A_1543 = vector.extract %slice3A_1542[0] : i32 from vector<1xi32>
      %swap3A_1544 = arith.constant 295 : i32
      %swap3A_1545 = arith.index_cast %swap3A_1544 : i32 to index
      %swap3A_1546 = memref.load %arg5[%swap3A_1545] : memref<320xi32, #tpu.memory_space<smem>>
      memref.store %squeeze3A_1543, %arg5[%swap3A_1545] : memref<320xi32, #tpu.memory_space<smem>>
      %slice3A_1547 = vector.extract_strided_slice %get3A_1506 {offsets = [8], sizes = [1], strides = [1]} : vector<16xi32> to vector<1xi32>
      %squeeze3A_1548 = vector.extract %slice3A_1547[0] : i32 from vector<1xi32>
      %swap3A_1549 = arith.constant 296 : i32
      %swap3A_1550 = arith.index_cast %swap3A_1549 : i32 to index
      %swap3A_1551 = memref.load %arg5[%swap3A_1550] : memref<320xi32, #tpu.memory_space<smem>>
      memref.store %squeeze3A_1548, %arg5[%swap3A_1550] : memref<320xi32, #tpu.memory_space<smem>>
      %slice3A_1552 = vector.extract_strided_slice %get3A_1506 {offsets = [9], sizes = [1], strides = [1]} : vector<16xi32> to vector<1xi32>
      %squeeze3A_1553 = vector.extract %slice3A_1552[0] : i32 from vector<1xi32>
      %swap3A_1554 = arith.constant 297 : i32
      %swap3A_1555 = arith.index_cast %swap3A_1554 : i32 to index
      %swap3A_1556 = memref.load %arg5[%swap3A_1555] : memref<320xi32, #tpu.memory_space<smem>>
      memref.store %squeeze3A_1553, %arg5[%swap3A_1555] : memref<320xi32, #tpu.memory_space<smem>>
      %slice3A_1557 = vector.extract_strided_slice %get3A_1506 {offsets = [10], sizes = [1], strides = [1]} : vector<16xi32> to vector<1xi32>
      %squeeze3A_1558 = vector.extract %slice3A_1557[0] : i32 from vector<1xi32>
      %swap3A_1559 = arith.constant 298 : i32
      %swap3A_1560 = arith.index_cast %swap3A_1559 : i32 to index
      %swap3A_1561 = memref.load %arg5[%swap3A_1560] : memref<320xi32, #tpu.memory_space<smem>>
      memref.store %squeeze3A_1558, %arg5[%swap3A_1560] : memref<320xi32, #tpu.memory_space<smem>>
      %slice3A_1562 = vector.extract_strided_slice %get3A_1506 {offsets = [11], sizes = [1], strides = [1]} : vector<16xi32> to vector<1xi32>
      %squeeze3A_1563 = vector.extract %slice3A_1562[0] : i32 from vector<1xi32>
      %swap3A_1564 = arith.constant 299 : i32
      %swap3A_1565 = arith.index_cast %swap3A_1564 : i32 to index
      %swap3A_1566 = memref.load %arg5[%swap3A_1565] : memref<320xi32, #tpu.memory_space<smem>>
      memref.store %squeeze3A_1563, %arg5[%swap3A_1565] : memref<320xi32, #tpu.memory_space<smem>>
      %slice3A_1567 = vector.extract_strided_slice %get3A_1506 {offsets = [12], sizes = [1], strides = [1]} : vector<16xi32> to vector<1xi32>
      %squeeze3A_1568 = vector.extract %slice3A_1567[0] : i32 from vector<1xi32>
      %swap3A_1569 = arith.constant 300 : i32
      %swap3A_1570 = arith.index_cast %swap3A_1569 : i32 to index
      %swap3A_1571 = memref.load %arg5[%swap3A_1570] : memref<320xi32, #tpu.memory_space<smem>>
      memref.store %squeeze3A_1568, %arg5[%swap3A_1570] : memref<320xi32, #tpu.memory_space<smem>>
      %slice3A_1572 = vector.extract_strided_slice %get3A_1506 {offsets = [13], sizes = [1], strides = [1]} : vector<16xi32> to vector<1xi32>
      %squeeze3A_1573 = vector.extract %slice3A_1572[0] : i32 from vector<1xi32>
      %swap3A_1574 = arith.constant 301 : i32
      %swap3A_1575 = arith.index_cast %swap3A_1574 : i32 to index
      %swap3A_1576 = memref.load %arg5[%swap3A_1575] : memref<320xi32, #tpu.memory_space<smem>>
      memref.store %squeeze3A_1573, %arg5[%swap3A_1575] : memref<320xi32, #tpu.memory_space<smem>>
      %slice3A_1577 = vector.extract_strided_slice %get3A_1506 {offsets = [14], sizes = [1], strides = [1]} : vector<16xi32> to vector<1xi32>
      %squeeze3A_1578 = vector.extract %slice3A_1577[0] : i32 from vector<1xi32>
      %swap3A_1579 = arith.constant 302 : i32
      %swap3A_1580 = arith.index_cast %swap3A_1579 : i32 to index
      %swap3A_1581 = memref.load %arg5[%swap3A_1580] : memref<320xi32, #tpu.memory_space<smem>>
      memref.store %squeeze3A_1578, %arg5[%swap3A_1580] : memref<320xi32, #tpu.memory_space<smem>>
      %slice3A_1582 = vector.extract_strided_slice %get3A_1506 {offsets = [15], sizes = [1], strides = [1]} : vector<16xi32> to vector<1xi32>
      %squeeze3A_1583 = vector.extract %slice3A_1582[0] : i32 from vector<1xi32>
      %swap3A_1584 = arith.constant 303 : i32
      %swap3A_1585 = arith.index_cast %swap3A_1584 : i32 to index
      %swap3A_1586 = memref.load %arg5[%swap3A_1585] : memref<320xi32, #tpu.memory_space<smem>>
      memref.store %squeeze3A_1583, %arg5[%swap3A_1585] : memref<320xi32, #tpu.memory_space<smem>>
      %get3A_1587 = arith.constant 304 : index
      %get3A_1588 = tpu.vector_load %arg6[%get3A_1587] {strides = array<i32>} : memref<320xi32, #tpu.memory_space<vmem>>, vector<16xi32>,
      %get3A_1589 = vector.shape_cast %get3A_1588 : vector<16xi32> to vector<16xi32>
      %slice3A_1590 = vector.extract_strided_slice %get3A_1589 {offsets = [0], sizes = [1], strides = [1]} : vector<16xi32> to vector<1xi32>
      %squeeze3A_1591 = vector.extract %slice3A_1590[0] : i32 from vector<1xi32>
      %swap3A_1592 = arith.constant 304 : i32
      %swap3A_1593 = arith.index_cast %swap3A_1592 : i32 to index
      %swap3A_1594 = memref.load %arg5[%swap3A_1593] : memref<320xi32, #tpu.memory_space<smem>>
      memref.store %squeeze3A_1591, %arg5[%swap3A_1593] : memref<320xi32, #tpu.memory_space<smem>>
      %slice3A_1595 = vector.extract_strided_slice %get3A_1589 {offsets = [1], sizes = [1], strides = [1]} : vector<16xi32> to vector<1xi32>
      %squeeze3A_1596 = vector.extract %slice3A_1595[0] : i32 from vector<1xi32>
      %swap3A_1597 = arith.constant 305 : i32
      %swap3A_1598 = arith.index_cast %swap3A_1597 : i32 to index
      %swap3A_1599 = memref.load %arg5[%swap3A_1598] : memref<320xi32, #tpu.memory_space<smem>>
      memref.store %squeeze3A_1596, %arg5[%swap3A_1598] : memref<320xi32, #tpu.memory_space<smem>>
      %slice3A_1600 = vector.extract_strided_slice %get3A_1589 {offsets = [2], sizes = [1], strides = [1]} : vector<16xi32> to vector<1xi32>
      %squeeze3A_1601 = vector.extract %slice3A_1600[0] : i32 from vector<1xi32>
      %swap3A_1602 = arith.constant 306 : i32
      %swap3A_1603 = arith.index_cast %swap3A_1602 : i32 to index
      %swap3A_1604 = memref.load %arg5[%swap3A_1603] : memref<320xi32, #tpu.memory_space<smem>>
      memref.store %squeeze3A_1601, %arg5[%swap3A_1603] : memref<320xi32, #tpu.memory_space<smem>>
      %slice3A_1605 = vector.extract_strided_slice %get3A_1589 {offsets = [3], sizes = [1], strides = [1]} : vector<16xi32> to vector<1xi32>
      %squeeze3A_1606 = vector.extract %slice3A_1605[0] : i32 from vector<1xi32>
      %swap3A_1607 = arith.constant 307 : i32
      %swap3A_1608 = arith.index_cast %swap3A_1607 : i32 to index
      %swap3A_1609 = memref.load %arg5[%swap3A_1608] : memref<320xi32, #tpu.memory_space<smem>>
      memref.store %squeeze3A_1606, %arg5[%swap3A_1608] : memref<320xi32, #tpu.memory_space<smem>>
      %slice3A_1610 = vector.extract_strided_slice %get3A_1589 {offsets = [4], sizes = [1], strides = [1]} : vector<16xi32> to vector<1xi32>
      %squeeze3A_1611 = vector.extract %slice3A_1610[0] : i32 from vector<1xi32>
      %swap3A_1612 = arith.constant 308 : i32
      %swap3A_1613 = arith.index_cast %swap3A_1612 : i32 to index
      %swap3A_1614 = memref.load %arg5[%swap3A_1613] : memref<320xi32, #tpu.memory_space<smem>>
      memref.store %squeeze3A_1611, %arg5[%swap3A_1613] : memref<320xi32, #tpu.memory_space<smem>>
      %slice3A_1615 = vector.extract_strided_slice %get3A_1589 {offsets = [5], sizes = [1], strides = [1]} : vector<16xi32> to vector<1xi32>
      %squeeze3A_1616 = vector.extract %slice3A_1615[0] : i32 from vector<1xi32>
      %swap3A_1617 = arith.constant 309 : i32
      %swap3A_1618 = arith.index_cast %swap3A_1617 : i32 to index
      %swap3A_1619 = memref.load %arg5[%swap3A_1618] : memref<320xi32, #tpu.memory_space<smem>>
      memref.store %squeeze3A_1616, %arg5[%swap3A_1618] : memref<320xi32, #tpu.memory_space<smem>>
      %slice3A_1620 = vector.extract_strided_slice %get3A_1589 {offsets = [6], sizes = [1], strides = [1]} : vector<16xi32> to vector<1xi32>
      %squeeze3A_1621 = vector.extract %slice3A_1620[0] : i32 from vector<1xi32>
      %swap3A_1622 = arith.constant 310 : i32
      %swap3A_1623 = arith.index_cast %swap3A_1622 : i32 to index
      %swap3A_1624 = memref.load %arg5[%swap3A_1623] : memref<320xi32, #tpu.memory_space<smem>>
      memref.store %squeeze3A_1621, %arg5[%swap3A_1623] : memref<320xi32, #tpu.memory_space<smem>>
      %slice3A_1625 = vector.extract_strided_slice %get3A_1589 {offsets = [7], sizes = [1], strides = [1]} : vector<16xi32> to vector<1xi32>
      %squeeze3A_1626 = vector.extract %slice3A_1625[0] : i32 from vector<1xi32>
      %swap3A_1627 = arith.constant 311 : i32
      %swap3A_1628 = arith.index_cast %swap3A_1627 : i32 to index
      %swap3A_1629 = memref.load %arg5[%swap3A_1628] : memref<320xi32, #tpu.memory_space<smem>>
      memref.store %squeeze3A_1626, %arg5[%swap3A_1628] : memref<320xi32, #tpu.memory_space<smem>>
      %slice3A_1630 = vector.extract_strided_slice %get3A_1589 {offsets = [8], sizes = [1], strides = [1]} : vector<16xi32> to vector<1xi32>
      %squeeze3A_1631 = vector.extract %slice3A_1630[0] : i32 from vector<1xi32>
      %swap3A_1632 = arith.constant 312 : i32
      %swap3A_1633 = arith.index_cast %swap3A_1632 : i32 to index
      %swap3A_1634 = memref.load %arg5[%swap3A_1633] : memref<320xi32, #tpu.memory_space<smem>>
      memref.store %squeeze3A_1631, %arg5[%swap3A_1633] : memref<320xi32, #tpu.memory_space<smem>>
      %slice3A_1635 = vector.extract_strided_slice %get3A_1589 {offsets = [9], sizes = [1], strides = [1]} : vector<16xi32> to vector<1xi32>
      %squeeze3A_1636 = vector.extract %slice3A_1635[0] : i32 from vector<1xi32>
      %swap3A_1637 = arith.constant 313 : i32
      %swap3A_1638 = arith.index_cast %swap3A_1637 : i32 to index
      %swap3A_1639 = memref.load %arg5[%swap3A_1638] : memref<320xi32, #tpu.memory_space<smem>>
      memref.store %squeeze3A_1636, %arg5[%swap3A_1638] : memref<320xi32, #tpu.memory_space<smem>>
      %slice3A_1640 = vector.extract_strided_slice %get3A_1589 {offsets = [10], sizes = [1], strides = [1]} : vector<16xi32> to vector<1xi32>
      %squeeze3A_1641 = vector.extract %slice3A_1640[0] : i32 from vector<1xi32>
      %swap3A_1642 = arith.constant 314 : i32
      %swap3A_1643 = arith.index_cast %swap3A_1642 : i32 to index
      %swap3A_1644 = memref.load %arg5[%swap3A_1643] : memref<320xi32, #tpu.memory_space<smem>>
      memref.store %squeeze3A_1641, %arg5[%swap3A_1643] : memref<320xi32, #tpu.memory_space<smem>>
      %slice3A_1645 = vector.extract_strided_slice %get3A_1589 {offsets = [11], sizes = [1], strides = [1]} : vector<16xi32> to vector<1xi32>
      %squeeze3A_1646 = vector.extract %slice3A_1645[0] : i32 from vector<1xi32>
      %swap3A_1647 = arith.constant 315 : i32
      %swap3A_1648 = arith.index_cast %swap3A_1647 : i32 to index
      %swap3A_1649 = memref.load %arg5[%swap3A_1648] : memref<320xi32, #tpu.memory_space<smem>>
      memref.store %squeeze3A_1646, %arg5[%swap3A_1648] : memref<320xi32, #tpu.memory_space<smem>>
      %slice3A_1650 = vector.extract_strided_slice %get3A_1589 {offsets = [12], sizes = [1], strides = [1]} : vector<16xi32> to vector<1xi32>
      %squeeze3A_1651 = vector.extract %slice3A_1650[0] : i32 from vector<1xi32>
      %swap3A_1652 = arith.constant 316 : i32
      %swap3A_1653 = arith.index_cast %swap3A_1652 : i32 to index
      %swap3A_1654 = memref.load %arg5[%swap3A_1653] : memref<320xi32, #tpu.memory_space<smem>>
      memref.store %squeeze3A_1651, %arg5[%swap3A_1653] : memref<320xi32, #tpu.memory_space<smem>>
      %slice3A_1655 = vector.extract_strided_slice %get3A_1589 {offsets = [13], sizes = [1], strides = [1]} : vector<16xi32> to vector<1xi32>
      %squeeze3A_1656 = vector.extract %slice3A_1655[0] : i32 from vector<1xi32>
      %swap3A_1657 = arith.constant 317 : i32
      %swap3A_1658 = arith.index_cast %swap3A_1657 : i32 to index
      %swap3A_1659 = memref.load %arg5[%swap3A_1658] : memref<320xi32, #tpu.memory_space<smem>>
      memref.store %squeeze3A_1656, %arg5[%swap3A_1658] : memref<320xi32, #tpu.memory_space<smem>>
      %slice3A_1660 = vector.extract_strided_slice %get3A_1589 {offsets = [14], sizes = [1], strides = [1]} : vector<16xi32> to vector<1xi32>
      %squeeze3A_1661 = vector.extract %slice3A_1660[0] : i32 from vector<1xi32>
      %swap3A_1662 = arith.constant 318 : i32
      %swap3A_1663 = arith.index_cast %swap3A_1662 : i32 to index
      %swap3A_1664 = memref.load %arg5[%swap3A_1663] : memref<320xi32, #tpu.memory_space<smem>>
      memref.store %squeeze3A_1661, %arg5[%swap3A_1663] : memref<320xi32, #tpu.memory_space<smem>>
      %slice3A_1665 = vector.extract_strided_slice %get3A_1589 {offsets = [15], sizes = [1], strides = [1]} : vector<16xi32> to vector<1xi32>
      %squeeze3A_1666 = vector.extract %slice3A_1665[0] : i32 from vector<1xi32>
      %swap3A_1667 = arith.constant 319 : i32
      %swap3A_1668 = arith.index_cast %swap3A_1667 : i32 to index
      %swap3A_1669 = memref.load %arg5[%swap3A_1668] : memref<320xi32, #tpu.memory_space<smem>>
      memref.store %squeeze3A_1666, %arg5[%swap3A_1668] : memref<320xi32, #tpu.memory_space<smem>>
      %scan3A_1670 = arith.constant 0 : i32
      %scan3A_1671 = arith.constant 0 : i32
      %scan3A_1672 = arith.constant 64 : i32
      %scan3A_1673 = arith.addi %scan3A_1671, %scan3A_1672 : i32
      %scan3A_1674 = arith.constant 1 : i32
      scf.for %scan3A_1682 = %scan3A_1671 to %scan3A_1673 step %scan3A_1674  : i32 {
        %mul3A_1683 = arith.constant 5 : i32
        %mul3A_1684 = arith.muli %scan3A_1682, %mul3A_1683 : i32
        %add3A_1685 = arith.constant 0 : i32
        %add3A_1686 = arith.addi %mul3A_1684, %add3A_1685 : i32
        %get3A_1687 = arith.index_cast %add3A_1686 : i32 to index
        %get3A_1688 = memref.load %arg5[%get3A_1687] : memref<320xi32, #tpu.memory_space<smem>>
        %shift_right_logical3A = arith.constant 3 : i32
        %shift_right_logical3A_1689 = arith.shrui %get3A_1688, %shift_right_logical3A : i32
        %and3A = arith.constant 7 : i32
        %and3A_1690 = arith.andi %get3A_1688, %and3A : i32
        %dma_start3A = arith.constant 0 : i32
        %dma_start3A_1691 = tpu.memref_slice %arg7[%scan3A_1682, %dma_start3A] : memref<64x320xf32, #tpu.memory_space<vmem>> -> memref<1x64xf32, #tpu.memory_space<vmem>>
        %dma_start3A_1692 = tpu.memref_squeeze %dma_start3A_1691 : memref<1x64xf32, #tpu.memory_space<vmem>> -> memref<64xf32, #tpu.memory_space<vmem>>
        %dma_start3A_1693 = arith.constant 0 : i32
        %dma_start3A_1694 = tpu.memref_slice %arg2[%shift_right_logical3A_1689, %and3A_1690, %dma_start3A_1693] : memref<125000x8x64xf32, #tpu.memory_space<hbm>> -> memref<1x1x64xf32, #tpu.memory_space<hbm>>
        %dma_start3A_1695 = tpu.memref_squeeze %dma_start3A_1694 : memref<1x1x64xf32, #tpu.memory_space<hbm>> -> memref<64xf32, #tpu.memory_space<hbm>>
        %dma_start3A_1696 = arith.constant 0 : i32
        %dma_start3A_1697 = tpu.memref_slice %arg7[%scan3A_1682, %dma_start3A_1696] : memref<64x320xf32, #tpu.memory_space<vmem>> -> memref<1x64xf32, #tpu.memory_space<vmem>>
        %dma_start3A_1698 = tpu.memref_squeeze %dma_start3A_1697 : memref<1x64xf32, #tpu.memory_space<vmem>> -> memref<64xf32, #tpu.memory_space<vmem>>
        %dma_start3A_1699 = arith.constant 0 : i32
        %dma_start3A_1700 = tpu.memref_slice %arg2[%shift_right_logical3A_1689, %and3A_1690, %dma_start3A_1699] : memref<125000x8x64xf32, #tpu.memory_space<hbm>> -> memref<1x1x64xf32, #tpu.memory_space<hbm>>
        %dma_start3A_1701 = tpu.memref_squeeze %dma_start3A_1700 : memref<1x1x64xf32, #tpu.memory_space<hbm>> -> memref<64xf32, #tpu.memory_space<hbm>>
        tpu.enqueue_dma source(%dma_start3A_1701 : memref<64xf32, #tpu.memory_space<hbm>>) target(%dma_start3A_1698 : memref<64xf32, #tpu.memory_space<vmem>>) target_semaphore(%arg8 : memref<!tpu.dma_semaphore, #tpu.memory_space<semaphore_mem>>)
        %mul3A_1702 = arith.constant 5 : i32
        %mul3A_1703 = arith.muli %scan3A_1682, %mul3A_1702 : i32
        %add3A_1704 = arith.constant 1 : i32
        %add3A_1705 = arith.addi %mul3A_1703, %add3A_1704 : i32
        %get3A_1706 = arith.index_cast %add3A_1705 : i32 to index
        %get3A_1707 = memref.load %arg5[%get3A_1706] : memref<320xi32, #tpu.memory_space<smem>>
        %shift_right_logical3A_1708 = arith.constant 3 : i32
        %shift_right_logical3A_1709 = arith.shrui %get3A_1707, %shift_right_logical3A_1708 : i32
        %and3A_1710 = arith.constant 7 : i32
        %and3A_1711 = arith.andi %get3A_1707, %and3A_1710 : i32
        %dma_start3A_1712 = arith.constant 64 : i32
        %dma_start3A_1713 = tpu.memref_slice %arg7[%scan3A_1682, %dma_start3A_1712] : memref<64x320xf32, #tpu.memory_space<vmem>> -> memref<1x64xf32, #tpu.memory_space<vmem>>
        %dma_start3A_1714 = tpu.memref_squeeze %dma_start3A_1713 : memref<1x64xf32, #tpu.memory_space<vmem>> -> memref<64xf32, #tpu.memory_space<vmem>>
        %dma_start3A_1715 = arith.constant 0 : i32
        %dma_start3A_1716 = tpu.memref_slice %arg2[%shift_right_logical3A_1709, %and3A_1711, %dma_start3A_1715] : memref<125000x8x64xf32, #tpu.memory_space<hbm>> -> memref<1x1x64xf32, #tpu.memory_space<hbm>>
        %dma_start3A_1717 = tpu.memref_squeeze %dma_start3A_1716 : memref<1x1x64xf32, #tpu.memory_space<hbm>> -> memref<64xf32, #tpu.memory_space<hbm>>
        %dma_start3A_1718 = arith.constant 64 : i32
        %dma_start3A_1719 = tpu.memref_slice %arg7[%scan3A_1682, %dma_start3A_1718] : memref<64x320xf32, #tpu.memory_space<vmem>> -> memref<1x64xf32, #tpu.memory_space<vmem>>
        %dma_start3A_1720 = tpu.memref_squeeze %dma_start3A_1719 : memref<1x64xf32, #tpu.memory_space<vmem>> -> memref<64xf32, #tpu.memory_space<vmem>>
        %dma_start3A_1721 = arith.constant 0 : i32
        %dma_start3A_1722 = tpu.memref_slice %arg2[%shift_right_logical3A_1709, %and3A_1711, %dma_start3A_1721] : memref<125000x8x64xf32, #tpu.memory_space<hbm>> -> memref<1x1x64xf32, #tpu.memory_space<hbm>>
        %dma_start3A_1723 = tpu.memref_squeeze %dma_start3A_1722 : memref<1x1x64xf32, #tpu.memory_space<hbm>> -> memref<64xf32, #tpu.memory_space<hbm>>
        tpu.enqueue_dma source(%dma_start3A_1723 : memref<64xf32, #tpu.memory_space<hbm>>) target(%dma_start3A_1720 : memref<64xf32, #tpu.memory_space<vmem>>) target_semaphore(%arg8 : memref<!tpu.dma_semaphore, #tpu.memory_space<semaphore_mem>>)
        %mul3A_1724 = arith.constant 5 : i32
        %mul3A_1725 = arith.muli %scan3A_1682, %mul3A_1724 : i32
        %add3A_1726 = arith.constant 2 : i32
        %add3A_1727 = arith.addi %mul3A_1725, %add3A_1726 : i32
        %get3A_1728 = arith.index_cast %add3A_1727 : i32 to index
        %get3A_1729 = memref.load %arg5[%get3A_1728] : memref<320xi32, #tpu.memory_space<smem>>
        %shift_right_logical3A_1730 = arith.constant 3 : i32
        %shift_right_logical3A_1731 = arith.shrui %get3A_1729, %shift_right_logical3A_1730 : i32
        %and3A_1732 = arith.constant 7 : i32
        %and3A_1733 = arith.andi %get3A_1729, %and3A_1732 : i32
        %dma_start3A_1734 = arith.constant 128 : i32
        %dma_start3A_1735 = tpu.memref_slice %arg7[%scan3A_1682, %dma_start3A_1734] : memref<64x320xf32, #tpu.memory_space<vmem>> -> memref<1x64xf32, #tpu.memory_space<vmem>>
        %dma_start3A_1736 = tpu.memref_squeeze %dma_start3A_1735 : memref<1x64xf32, #tpu.memory_space<vmem>> -> memref<64xf32, #tpu.memory_space<vmem>>
        %dma_start3A_1737 = arith.constant 0 : i32
        %dma_start3A_1738 = tpu.memref_slice %arg2[%shift_right_logical3A_1731, %and3A_1733, %dma_start3A_1737] : memref<125000x8x64xf32, #tpu.memory_space<hbm>> -> memref<1x1x64xf32, #tpu.memory_space<hbm>>
        %dma_start3A_1739 = tpu.memref_squeeze %dma_start3A_1738 : memref<1x1x64xf32, #tpu.memory_space<hbm>> -> memref<64xf32, #tpu.memory_space<hbm>>
        %dma_start3A_1740 = arith.constant 128 : i32
        %dma_start3A_1741 = tpu.memref_slice %arg7[%scan3A_1682, %dma_start3A_1740] : memref<64x320xf32, #tpu.memory_space<vmem>> -> memref<1x64xf32, #tpu.memory_space<vmem>>
        %dma_start3A_1742 = tpu.memref_squeeze %dma_start3A_1741 : memref<1x64xf32, #tpu.memory_space<vmem>> -> memref<64xf32, #tpu.memory_space<vmem>>
        %dma_start3A_1743 = arith.constant 0 : i32
        %dma_start3A_1744 = tpu.memref_slice %arg2[%shift_right_logical3A_1731, %and3A_1733, %dma_start3A_1743] : memref<125000x8x64xf32, #tpu.memory_space<hbm>> -> memref<1x1x64xf32, #tpu.memory_space<hbm>>
        %dma_start3A_1745 = tpu.memref_squeeze %dma_start3A_1744 : memref<1x1x64xf32, #tpu.memory_space<hbm>> -> memref<64xf32, #tpu.memory_space<hbm>>
        tpu.enqueue_dma source(%dma_start3A_1745 : memref<64xf32, #tpu.memory_space<hbm>>) target(%dma_start3A_1742 : memref<64xf32, #tpu.memory_space<vmem>>) target_semaphore(%arg8 : memref<!tpu.dma_semaphore, #tpu.memory_space<semaphore_mem>>)
        %mul3A_1746 = arith.constant 5 : i32
        %mul3A_1747 = arith.muli %scan3A_1682, %mul3A_1746 : i32
        %add3A_1748 = arith.constant 3 : i32
        %add3A_1749 = arith.addi %mul3A_1747, %add3A_1748 : i32
        %get3A_1750 = arith.index_cast %add3A_1749 : i32 to index
        %get3A_1751 = memref.load %arg5[%get3A_1750] : memref<320xi32, #tpu.memory_space<smem>>
        %shift_right_logical3A_1752 = arith.constant 3 : i32
        %shift_right_logical3A_1753 = arith.shrui %get3A_1751, %shift_right_logical3A_1752 : i32
        %and3A_1754 = arith.constant 7 : i32
        %and3A_1755 = arith.andi %get3A_1751, %and3A_1754 : i32
        %dma_start3A_1756 = arith.constant 192 : i32
        %dma_start3A_1757 = tpu.memref_slice %arg7[%scan3A_1682, %dma_start3A_1756] : memref<64x320xf32, #tpu.memory_space<vmem>> -> memref<1x64xf32, #tpu.memory_space<vmem>>
        %dma_start3A_1758 = tpu.memref_squeeze %dma_start3A_1757 : memref<1x64xf32, #tpu.memory_space<vmem>> -> memref<64xf32, #tpu.memory_space<vmem>>
        %dma_start3A_1759 = arith.constant 0 : i32
        %dma_start3A_1760 = tpu.memref_slice %arg2[%shift_right_logical3A_1753, %and3A_1755, %dma_start3A_1759] : memref<125000x8x64xf32, #tpu.memory_space<hbm>> -> memref<1x1x64xf32, #tpu.memory_space<hbm>>
        %dma_start3A_1761 = tpu.memref_squeeze %dma_start3A_1760 : memref<1x1x64xf32, #tpu.memory_space<hbm>> -> memref<64xf32, #tpu.memory_space<hbm>>
        %dma_start3A_1762 = arith.constant 192 : i32
        %dma_start3A_1763 = tpu.memref_slice %arg7[%scan3A_1682, %dma_start3A_1762] : memref<64x320xf32, #tpu.memory_space<vmem>> -> memref<1x64xf32, #tpu.memory_space<vmem>>
        %dma_start3A_1764 = tpu.memref_squeeze %dma_start3A_1763 : memref<1x64xf32, #tpu.memory_space<vmem>> -> memref<64xf32, #tpu.memory_space<vmem>>
        %dma_start3A_1765 = arith.constant 0 : i32
        %dma_start3A_1766 = tpu.memref_slice %arg2[%shift_right_logical3A_1753, %and3A_1755, %dma_start3A_1765] : memref<125000x8x64xf32, #tpu.memory_space<hbm>> -> memref<1x1x64xf32, #tpu.memory_space<hbm>>
        %dma_start3A_1767 = tpu.memref_squeeze %dma_start3A_1766 : memref<1x1x64xf32, #tpu.memory_space<hbm>> -> memref<64xf32, #tpu.memory_space<hbm>>
        tpu.enqueue_dma source(%dma_start3A_1767 : memref<64xf32, #tpu.memory_space<hbm>>) target(%dma_start3A_1764 : memref<64xf32, #tpu.memory_space<vmem>>) target_semaphore(%arg8 : memref<!tpu.dma_semaphore, #tpu.memory_space<semaphore_mem>>)
        %mul3A_1768 = arith.constant 5 : i32
        %mul3A_1769 = arith.muli %scan3A_1682, %mul3A_1768 : i32
        %add3A_1770 = arith.constant 4 : i32
        %add3A_1771 = arith.addi %mul3A_1769, %add3A_1770 : i32
        %get3A_1772 = arith.index_cast %add3A_1771 : i32 to index
        %get3A_1773 = memref.load %arg5[%get3A_1772] : memref<320xi32, #tpu.memory_space<smem>>
        %shift_right_logical3A_1774 = arith.constant 3 : i32
        %shift_right_logical3A_1775 = arith.shrui %get3A_1773, %shift_right_logical3A_1774 : i32
        %and3A_1776 = arith.constant 7 : i32
        %and3A_1777 = arith.andi %get3A_1773, %and3A_1776 : i32
        %dma_start3A_1778 = arith.constant 256 : i32
        %dma_start3A_1779 = tpu.memref_slice %arg7[%scan3A_1682, %dma_start3A_1778] : memref<64x320xf32, #tpu.memory_space<vmem>> -> memref<1x64xf32, #tpu.memory_space<vmem>>
        %dma_start3A_1780 = tpu.memref_squeeze %dma_start3A_1779 : memref<1x64xf32, #tpu.memory_space<vmem>> -> memref<64xf32, #tpu.memory_space<vmem>>
        %dma_start3A_1781 = arith.constant 0 : i32
        %dma_start3A_1782 = tpu.memref_slice %arg2[%shift_right_logical3A_1775, %and3A_1777, %dma_start3A_1781] : memref<125000x8x64xf32, #tpu.memory_space<hbm>> -> memref<1x1x64xf32, #tpu.memory_space<hbm>>
        %dma_start3A_1783 = tpu.memref_squeeze %dma_start3A_1782 : memref<1x1x64xf32, #tpu.memory_space<hbm>> -> memref<64xf32, #tpu.memory_space<hbm>>
        %dma_start3A_1784 = arith.constant 256 : i32
        %dma_start3A_1785 = tpu.memref_slice %arg7[%scan3A_1682, %dma_start3A_1784] : memref<64x320xf32, #tpu.memory_space<vmem>> -> memref<1x64xf32, #tpu.memory_space<vmem>>
        %dma_start3A_1786 = tpu.memref_squeeze %dma_start3A_1785 : memref<1x64xf32, #tpu.memory_space<vmem>> -> memref<64xf32, #tpu.memory_space<vmem>>
        %dma_start3A_1787 = arith.constant 0 : i32
        %dma_start3A_1788 = tpu.memref_slice %arg2[%shift_right_logical3A_1775, %and3A_1777, %dma_start3A_1787] : memref<125000x8x64xf32, #tpu.memory_space<hbm>> -> memref<1x1x64xf32, #tpu.memory_space<hbm>>
        %dma_start3A_1789 = tpu.memref_squeeze %dma_start3A_1788 : memref<1x1x64xf32, #tpu.memory_space<hbm>> -> memref<64xf32, #tpu.memory_space<hbm>>
        tpu.enqueue_dma source(%dma_start3A_1789 : memref<64xf32, #tpu.memory_space<hbm>>) target(%dma_start3A_1786 : memref<64xf32, #tpu.memory_space<vmem>>) target_semaphore(%arg8 : memref<!tpu.dma_semaphore, #tpu.memory_space<semaphore_mem>>)
      }
      %scan3A_1675 = arith.constant 64 : i32
      %scan3A_1676 = arith.constant 0 : i32
      %scan3A_1677 = arith.constant 0 : i32
      %scan3A_1678 = arith.constant 64 : i32
      %scan3A_1679 = arith.addi %scan3A_1677, %scan3A_1678 : i32
      %scan3A_1680 = arith.constant 1 : i32
      scf.for %scan3A_1682 = %scan3A_1677 to %scan3A_1679 step %scan3A_1680  : i32 {
        %dma_wait3A = arith.constant 0 : i32
        %dma_wait3A_1683 = arith.constant 0 : i32
        %dma_wait3A_1684 = arith.constant 0 : i32
        %dma_wait3A_1685 = tpu.memref_slice %arg7[%scan3A_1682, %dma_wait3A_1684] : memref<64x320xf32, #tpu.memory_space<vmem>> -> memref<1x64xf32, #tpu.memory_space<vmem>>
        %dma_wait3A_1686 = tpu.memref_squeeze %dma_wait3A_1685 : memref<1x64xf32, #tpu.memory_space<vmem>> -> memref<64xf32, #tpu.memory_space<vmem>>
        %dma_wait3A_1687 = arith.constant 0 : i32
        %dma_wait3A_1688 = tpu.memref_slice %arg2[%dma_wait3A, %dma_wait3A_1683, %dma_wait3A_1687] : memref<125000x8x64xf32, #tpu.memory_space<hbm>> -> memref<1x1x64xf32, #tpu.memory_space<hbm>>
        %dma_wait3A_1689 = tpu.memref_squeeze %dma_wait3A_1688 : memref<1x1x64xf32, #tpu.memory_space<hbm>> -> memref<64xf32, #tpu.memory_space<hbm>>
        %dma_wait3A_1690 = arith.constant 0 : i32
        %dma_wait3A_1691 = tpu.memref_slice %arg7[%scan3A_1682, %dma_wait3A_1690] : memref<64x320xf32, #tpu.memory_space<vmem>> -> memref<1x64xf32, #tpu.memory_space<vmem>>
        %dma_wait3A_1692 = tpu.memref_squeeze %dma_wait3A_1691 : memref<1x64xf32, #tpu.memory_space<vmem>> -> memref<64xf32, #tpu.memory_space<vmem>>
        %dma_wait3A_1693 = arith.constant 0 : i32
        %dma_wait3A_1694 = tpu.memref_slice %arg2[%dma_wait3A, %dma_wait3A_1683, %dma_wait3A_1693] : memref<125000x8x64xf32, #tpu.memory_space<hbm>> -> memref<1x1x64xf32, #tpu.memory_space<hbm>>
        %dma_wait3A_1695 = tpu.memref_squeeze %dma_wait3A_1694 : memref<1x1x64xf32, #tpu.memory_space<hbm>> -> memref<64xf32, #tpu.memory_space<hbm>>
        tpu.wait_dma2 semaphore(%arg8 : memref<!tpu.dma_semaphore, #tpu.memory_space<semaphore_mem>>) src(%dma_wait3A_1695 : memref<64xf32, #tpu.memory_space<hbm>>) dst(%dma_wait3A_1692 : memref<64xf32, #tpu.memory_space<vmem>>)
        %dma_wait3A_1696 = arith.constant 0 : i32
        %dma_wait3A_1697 = arith.constant 0 : i32
        %dma_wait3A_1698 = arith.constant 64 : i32
        %dma_wait3A_1699 = tpu.memref_slice %arg7[%scan3A_1682, %dma_wait3A_1698] : memref<64x320xf32, #tpu.memory_space<vmem>> -> memref<1x64xf32, #tpu.memory_space<vmem>>
        %dma_wait3A_1700 = tpu.memref_squeeze %dma_wait3A_1699 : memref<1x64xf32, #tpu.memory_space<vmem>> -> memref<64xf32, #tpu.memory_space<vmem>>
        %dma_wait3A_1701 = arith.constant 0 : i32
        %dma_wait3A_1702 = tpu.memref_slice %arg2[%dma_wait3A_1696, %dma_wait3A_1697, %dma_wait3A_1701] : memref<125000x8x64xf32, #tpu.memory_space<hbm>> -> memref<1x1x64xf32, #tpu.memory_space<hbm>>
        %dma_wait3A_1703 = tpu.memref_squeeze %dma_wait3A_1702 : memref<1x1x64xf32, #tpu.memory_space<hbm>> -> memref<64xf32, #tpu.memory_space<hbm>>
        %dma_wait3A_1704 = arith.constant 64 : i32
        %dma_wait3A_1705 = tpu.memref_slice %arg7[%scan3A_1682, %dma_wait3A_1704] : memref<64x320xf32, #tpu.memory_space<vmem>> -> memref<1x64xf32, #tpu.memory_space<vmem>>
        %dma_wait3A_1706 = tpu.memref_squeeze %dma_wait3A_1705 : memref<1x64xf32, #tpu.memory_space<vmem>> -> memref<64xf32, #tpu.memory_space<vmem>>
        %dma_wait3A_1707 = arith.constant 0 : i32
        %dma_wait3A_1708 = tpu.memref_slice %arg2[%dma_wait3A_1696, %dma_wait3A_1697, %dma_wait3A_1707] : memref<125000x8x64xf32, #tpu.memory_space<hbm>> -> memref<1x1x64xf32, #tpu.memory_space<hbm>>
        %dma_wait3A_1709 = tpu.memref_squeeze %dma_wait3A_1708 : memref<1x1x64xf32, #tpu.memory_space<hbm>> -> memref<64xf32, #tpu.memory_space<hbm>>
        tpu.wait_dma2 semaphore(%arg8 : memref<!tpu.dma_semaphore, #tpu.memory_space<semaphore_mem>>) src(%dma_wait3A_1709 : memref<64xf32, #tpu.memory_space<hbm>>) dst(%dma_wait3A_1706 : memref<64xf32, #tpu.memory_space<vmem>>)
        %dma_wait3A_1710 = arith.constant 0 : i32
        %dma_wait3A_1711 = arith.constant 0 : i32
        %dma_wait3A_1712 = arith.constant 128 : i32
        %dma_wait3A_1713 = tpu.memref_slice %arg7[%scan3A_1682, %dma_wait3A_1712] : memref<64x320xf32, #tpu.memory_space<vmem>> -> memref<1x64xf32, #tpu.memory_space<vmem>>
        %dma_wait3A_1714 = tpu.memref_squeeze %dma_wait3A_1713 : memref<1x64xf32, #tpu.memory_space<vmem>> -> memref<64xf32, #tpu.memory_space<vmem>>
        %dma_wait3A_1715 = arith.constant 0 : i32
        %dma_wait3A_1716 = tpu.memref_slice %arg2[%dma_wait3A_1710, %dma_wait3A_1711, %dma_wait3A_1715] : memref<125000x8x64xf32, #tpu.memory_space<hbm>> -> memref<1x1x64xf32, #tpu.memory_space<hbm>>
        %dma_wait3A_1717 = tpu.memref_squeeze %dma_wait3A_1716 : memref<1x1x64xf32, #tpu.memory_space<hbm>> -> memref<64xf32, #tpu.memory_space<hbm>>
        %dma_wait3A_1718 = arith.constant 128 : i32
        %dma_wait3A_1719 = tpu.memref_slice %arg7[%scan3A_1682, %dma_wait3A_1718] : memref<64x320xf32, #tpu.memory_space<vmem>> -> memref<1x64xf32, #tpu.memory_space<vmem>>
        %dma_wait3A_1720 = tpu.memref_squeeze %dma_wait3A_1719 : memref<1x64xf32, #tpu.memory_space<vmem>> -> memref<64xf32, #tpu.memory_space<vmem>>
        %dma_wait3A_1721 = arith.constant 0 : i32
        %dma_wait3A_1722 = tpu.memref_slice %arg2[%dma_wait3A_1710, %dma_wait3A_1711, %dma_wait3A_1721] : memref<125000x8x64xf32, #tpu.memory_space<hbm>> -> memref<1x1x64xf32, #tpu.memory_space<hbm>>
        %dma_wait3A_1723 = tpu.memref_squeeze %dma_wait3A_1722 : memref<1x1x64xf32, #tpu.memory_space<hbm>> -> memref<64xf32, #tpu.memory_space<hbm>>
        tpu.wait_dma2 semaphore(%arg8 : memref<!tpu.dma_semaphore, #tpu.memory_space<semaphore_mem>>) src(%dma_wait3A_1723 : memref<64xf32, #tpu.memory_space<hbm>>) dst(%dma_wait3A_1720 : memref<64xf32, #tpu.memory_space<vmem>>)
        %dma_wait3A_1724 = arith.constant 0 : i32
        %dma_wait3A_1725 = arith.constant 0 : i32
        %dma_wait3A_1726 = arith.constant 192 : i32
        %dma_wait3A_1727 = tpu.memref_slice %arg7[%scan3A_1682, %dma_wait3A_1726] : memref<64x320xf32, #tpu.memory_space<vmem>> -> memref<1x64xf32, #tpu.memory_space<vmem>>
        %dma_wait3A_1728 = tpu.memref_squeeze %dma_wait3A_1727 : memref<1x64xf32, #tpu.memory_space<vmem>> -> memref<64xf32, #tpu.memory_space<vmem>>
        %dma_wait3A_1729 = arith.constant 0 : i32
        %dma_wait3A_1730 = tpu.memref_slice %arg2[%dma_wait3A_1724, %dma_wait3A_1725, %dma_wait3A_1729] : memref<125000x8x64xf32, #tpu.memory_space<hbm>> -> memref<1x1x64xf32, #tpu.memory_space<hbm>>
        %dma_wait3A_1731 = tpu.memref_squeeze %dma_wait3A_1730 : memref<1x1x64xf32, #tpu.memory_space<hbm>> -> memref<64xf32, #tpu.memory_space<hbm>>
        %dma_wait3A_1732 = arith.constant 192 : i32
        %dma_wait3A_1733 = tpu.memref_slice %arg7[%scan3A_1682, %dma_wait3A_1732] : memref<64x320xf32, #tpu.memory_space<vmem>> -> memref<1x64xf32, #tpu.memory_space<vmem>>
        %dma_wait3A_1734 = tpu.memref_squeeze %dma_wait3A_1733 : memref<1x64xf32, #tpu.memory_space<vmem>> -> memref<64xf32, #tpu.memory_space<vmem>>
        %dma_wait3A_1735 = arith.constant 0 : i32
        %dma_wait3A_1736 = tpu.memref_slice %arg2[%dma_wait3A_1724, %dma_wait3A_1725, %dma_wait3A_1735] : memref<125000x8x64xf32, #tpu.memory_space<hbm>> -> memref<1x1x64xf32, #tpu.memory_space<hbm>>
        %dma_wait3A_1737 = tpu.memref_squeeze %dma_wait3A_1736 : memref<1x1x64xf32, #tpu.memory_space<hbm>> -> memref<64xf32, #tpu.memory_space<hbm>>
        tpu.wait_dma2 semaphore(%arg8 : memref<!tpu.dma_semaphore, #tpu.memory_space<semaphore_mem>>) src(%dma_wait3A_1737 : memref<64xf32, #tpu.memory_space<hbm>>) dst(%dma_wait3A_1734 : memref<64xf32, #tpu.memory_space<vmem>>)
        %dma_wait3A_1738 = arith.constant 0 : i32
        %dma_wait3A_1739 = arith.constant 0 : i32
        %dma_wait3A_1740 = arith.constant 256 : i32
        %dma_wait3A_1741 = tpu.memref_slice %arg7[%scan3A_1682, %dma_wait3A_1740] : memref<64x320xf32, #tpu.memory_space<vmem>> -> memref<1x64xf32, #tpu.memory_space<vmem>>
        %dma_wait3A_1742 = tpu.memref_squeeze %dma_wait3A_1741 : memref<1x64xf32, #tpu.memory_space<vmem>> -> memref<64xf32, #tpu.memory_space<vmem>>
        %dma_wait3A_1743 = arith.constant 0 : i32
        %dma_wait3A_1744 = tpu.memref_slice %arg2[%dma_wait3A_1738, %dma_wait3A_1739, %dma_wait3A_1743] : memref<125000x8x64xf32, #tpu.memory_space<hbm>> -> memref<1x1x64xf32, #tpu.memory_space<hbm>>
        %dma_wait3A_1745 = tpu.memref_squeeze %dma_wait3A_1744 : memref<1x1x64xf32, #tpu.memory_space<hbm>> -> memref<64xf32, #tpu.memory_space<hbm>>
        %dma_wait3A_1746 = arith.constant 256 : i32
        %dma_wait3A_1747 = tpu.memref_slice %arg7[%scan3A_1682, %dma_wait3A_1746] : memref<64x320xf32, #tpu.memory_space<vmem>> -> memref<1x64xf32, #tpu.memory_space<vmem>>
        %dma_wait3A_1748 = tpu.memref_squeeze %dma_wait3A_1747 : memref<1x64xf32, #tpu.memory_space<vmem>> -> memref<64xf32, #tpu.memory_space<vmem>>
        %dma_wait3A_1749 = arith.constant 0 : i32
        %dma_wait3A_1750 = tpu.memref_slice %arg2[%dma_wait3A_1738, %dma_wait3A_1739, %dma_wait3A_1749] : memref<125000x8x64xf32, #tpu.memory_space<hbm>> -> memref<1x1x64xf32, #tpu.memory_space<hbm>>
        %dma_wait3A_1751 = tpu.memref_squeeze %dma_wait3A_1750 : memref<1x1x64xf32, #tpu.memory_space<hbm>> -> memref<64xf32, #tpu.memory_space<hbm>>
        tpu.wait_dma2 semaphore(%arg8 : memref<!tpu.dma_semaphore, #tpu.memory_space<semaphore_mem>>) src(%dma_wait3A_1751 : memref<64xf32, #tpu.memory_space<hbm>>) dst(%dma_wait3A_1748 : memref<64xf32, #tpu.memory_space<vmem>>)
      }
      %scan3A_1681 = arith.constant 64 : i32
      "tpu.region"() ({
        %run_scoped3A = tpu.sem_alloc : memref<!tpu.dma_semaphore, #tpu.memory_space<semaphore_mem>>
        %dma_start3A = arith.constant 0 : i32
        %dma_start3A_1682 = tpu.memref_slice %arg4[%add3A_11, %dma_start3A] : memref<16384x320xf32, #tpu.memory_space<hbm>> -> memref<64x320xf32, #tpu.memory_space<hbm>>
        %dma_start3A_1683 = arith.constant 0 : i32
        %dma_start3A_1684 = tpu.memref_slice %arg4[%add3A_11, %dma_start3A_1683] : memref<16384x320xf32, #tpu.memory_space<hbm>> -> memref<64x320xf32, #tpu.memory_space<hbm>>
        tpu.enqueue_dma source(%arg7 : memref<64x320xf32, #tpu.memory_space<vmem>>) target(%dma_start3A_1684 : memref<64x320xf32, #tpu.memory_space<hbm>>) target_semaphore(%run_scoped3A : memref<!tpu.dma_semaphore, #tpu.memory_space<semaphore_mem>>)
        %dma_wait3A = arith.constant 0 : i32
        %dma_wait3A_1685 = tpu.memref_slice %arg4[%add3A_11, %dma_wait3A] : memref<16384x320xf32, #tpu.memory_space<hbm>> -> memref<64x320xf32, #tpu.memory_space<hbm>>
        %dma_wait3A_1686 = arith.constant 0 : i32
        %dma_wait3A_1687 = tpu.memref_slice %arg4[%add3A_11, %dma_wait3A_1686] : memref<16384x320xf32, #tpu.memory_space<hbm>> -> memref<64x320xf32, #tpu.memory_space<hbm>>
        tpu.wait_dma2 semaphore(%run_scoped3A : memref<!tpu.dma_semaphore, #tpu.memory_space<semaphore_mem>>) src(%arg7 : memref<64x320xf32, #tpu.memory_space<vmem>>) dst(%dma_wait3A_1687 : memref<64x320xf32, #tpu.memory_space<hbm>>)
        tpu.yield
      }) : () -> ()
    }
    %scan3A_7 = arith.constant 8 : i32
    return
  }
}

module attributes {stable_mosaic.version = 14 : i64} {
  func.func @_mlp_body(%arg0: i32, %arg1: memref<1024x320xf32, #tpu.memory_space<vmem>>, %arg2: memref<320x512xf32, #tpu.memory_space<vmem>>, %arg3: memref<1x512xf32, #tpu.memory_space<vmem>>, %arg4: memref<512x50xf32, #tpu.memory_space<vmem>>, %arg5: memref<1x50xf32, #tpu.memory_space<vmem>>, %arg6: memref<1024x50xf32, #tpu.memory_space<vmem>>) attributes {dimension_semantics = [#tpu.dimension_semantics<arbitrary>], iteration_bounds = array<i64: 16>, scalar_prefetch = 0 : i64, scratch_operands = 0 : i64, tpu.core_type = #tpu.core_type<tc>, window_params = [{transform_indices = @transform_0, window_bounds = array<i64: 1024, 320>}, {pipeline_mode = #tpu.pipeline_mode<synchronous>, transform_indices = @transform_1, window_bounds = array<i64: 320, 512>}, {pipeline_mode = #tpu.pipeline_mode<synchronous>, transform_indices = @transform_2, window_bounds = array<i64: 1, 512>}, {pipeline_mode = #tpu.pipeline_mode<synchronous>, transform_indices = @transform_3, window_bounds = array<i64: 512, 50>}, {pipeline_mode = #tpu.pipeline_mode<synchronous>, transform_indices = @transform_4, window_bounds = array<i64: 1, 50>}, {transform_indices = @transform_5, window_bounds = array<i64: 1024, 50>}]} {
    %get3A = arith.constant 0 : index
    %get3A_0 = arith.constant 0 : index
    %get3A_1 = vector.load %arg1[%get3A, %get3A_0] : memref<1024x320xf32, #tpu.memory_space<vmem>>, vector<1024x320xf32>
    %get3A_2 = arith.constant 0 : index
    %get3A_3 = arith.constant 0 : index
    %get3A_4 = vector.load %arg2[%get3A_2, %get3A_3] : memref<320x512xf32, #tpu.memory_space<vmem>>, vector<320x512xf32>
    %dot_general3A = arith.constant dense<0.000000e+00> : vector<1024x512xf32>
    %dot_general3A_5 = tpu.matmul %get3A_1, %get3A_4, %dot_general3A {dimension_numbers = #tpu.dot_dimension_numbers<[1], [0], [0], [1], [0, 0, 1, 1], [], []>, transpose_lhs_hint = false} : vector<1024x320xf32>, vector<320x512xf32>, vector<1024x512xf32> -> vector<1024x512xf32>
    %get3A_6 = arith.constant 0 : index
    %get3A_7 = arith.constant 0 : index
    %get3A_8 = vector.load %arg3[%get3A_6, %get3A_7] : memref<1x512xf32, #tpu.memory_space<vmem>>, vector<1x512xf32>
    %add3A = vector.broadcast %get3A_8 : vector<1x512xf32> to vector<1024x512xf32>
    %add3A_9 = arith.addf %dot_general3A_5, %add3A : vector<1024x512xf32>
    %tanh3A = math.tanh %add3A_9 : vector<1024x512xf32>
    %get3A_10 = arith.constant 0 : index
    %get3A_11 = arith.constant 0 : index
    %get3A_12 = vector.load %arg4[%get3A_10, %get3A_11] : memref<512x50xf32, #tpu.memory_space<vmem>>, vector<512x50xf32>
    %dot_general3A_13 = arith.constant dense<0.000000e+00> : vector<1024x50xf32>
    %dot_general3A_14 = tpu.matmul %tanh3A, %get3A_12, %dot_general3A_13 {dimension_numbers = #tpu.dot_dimension_numbers<[1], [0], [0], [1], [0, 0, 1, 1], [], []>, transpose_lhs_hint = false} : vector<1024x512xf32>, vector<512x50xf32>, vector<1024x50xf32> -> vector<1024x50xf32>
    %get3A_15 = arith.constant 0 : index
    %get3A_16 = arith.constant 0 : index
    %get3A_17 = vector.load %arg5[%get3A_15, %get3A_16] : memref<1x50xf32, #tpu.memory_space<vmem>>, vector<1x50xf32>
    %add3A_18 = vector.broadcast %get3A_17 : vector<1x50xf32> to vector<1024x50xf32>
    %add3A_19 = arith.addf %dot_general3A_14, %add3A_18 : vector<1024x50xf32>
    %reduce_max3A = arith.constant dense<0xFF800000> : vector<1024xf32>
    %reduce_max3A_20 = vector.multi_reduction <maximumf>, %add3A_19, %reduce_max3A [1] : vector<1024x50xf32> to vector<1024xf32>
    %broadcast_in_dim3A = vector.shape_cast %reduce_max3A_20 : vector<1024xf32> to vector<1024x1xf32>
    %sub3A = vector.broadcast %broadcast_in_dim3A : vector<1024x1xf32> to vector<1024x50xf32>
    %sub3A_21 = arith.subf %add3A_19, %sub3A : vector<1024x50xf32>
    %exp3A = math.exp %sub3A_21 : vector<1024x50xf32>
    %reduce_sum3A = arith.constant dense<0.000000e+00> : vector<1024xf32>
    %reduce_sum3A_22 = vector.multi_reduction <add>, %exp3A, %reduce_sum3A [1] : vector<1024x50xf32> to vector<1024xf32>
    %broadcast_in_dim3A_23 = vector.shape_cast %reduce_sum3A_22 : vector<1024xf32> to vector<1024x1xf32>
    %log3A = math.log %broadcast_in_dim3A_23 : vector<1024x1xf32>
    %sub3A_24 = vector.broadcast %broadcast_in_dim3A : vector<1024x1xf32> to vector<1024x50xf32>
    %sub3A_25 = arith.subf %add3A_19, %sub3A_24 : vector<1024x50xf32>
    %sub3A_26 = vector.broadcast %log3A : vector<1024x1xf32> to vector<1024x50xf32>
    %sub3A_27 = arith.subf %sub3A_25, %sub3A_26 : vector<1024x50xf32>
    %swap3A = arith.constant 0 : index
    %swap3A_28 = arith.constant 0 : index
    %swap3A_29 = vector.load %arg6[%swap3A, %swap3A_28] : memref<1024x50xf32, #tpu.memory_space<vmem>>, vector<1024x50xf32>
    tpu.vector_store %arg6[%swap3A, %swap3A_28], %sub3A_27 {strides = array<i32>} : memref<1024x50xf32, #tpu.memory_space<vmem>>, vector<1024x50xf32>,
    return
  }
  func.func @transform_0(%arg0: i32) -> (i32, i32) {
    %c0_i32 = arith.constant 0 : i32
    %c0_i32_0 = arith.constant 0 : i32
    return %arg0, %c0_i32 : i32, i32
  }
  func.func @transform_1(%arg0: i32) -> (i32, i32) {
    %c0_i32 = arith.constant 0 : i32
    %c0_i32_0 = arith.constant 0 : i32
    %c0_i32_1 = arith.constant 0 : i32
    return %c0_i32, %c0_i32_0 : i32, i32
  }
  func.func @transform_2(%arg0: i32) -> (i32, i32) {
    %c0_i32 = arith.constant 0 : i32
    %c0_i32_0 = arith.constant 0 : i32
    %c0_i32_1 = arith.constant 0 : i32
    return %c0_i32, %c0_i32_0 : i32, i32
  }
  func.func @transform_3(%arg0: i32) -> (i32, i32) {
    %c0_i32 = arith.constant 0 : i32
    %c0_i32_0 = arith.constant 0 : i32
    %c0_i32_1 = arith.constant 0 : i32
    return %c0_i32, %c0_i32_0 : i32, i32
  }
  func.func @transform_4(%arg0: i32) -> (i32, i32) {
    %c0_i32 = arith.constant 0 : i32
    %c0_i32_0 = arith.constant 0 : i32
    %c0_i32_1 = arith.constant 0 : i32
    return %c0_i32, %c0_i32_0 : i32, i32
  }
  func.func @transform_5(%arg0: i32) -> (i32, i32) {
    %c0_i32 = arith.constant 0 : i32
    %c0_i32_0 = arith.constant 0 : i32
    return %arg0, %c0_i32 : i32, i32
  }
}

</mosaic_0001>

<sc_bundles>
// kernel: kernel.4.cloned.1.call-start
scs
__scs_entry_jumppad:
0x0: {  	(pc) =	sbr.rel $0x88, $3  }
0x1: {  	(tag) =	ssettag $0x0;
	lr =	simm.s32 $0x1  }
0x2: {  	[smem:$0x3F9B] =	sst lr;
	_ =	strace $0xD0000000  }
0x3: {  	_ = 	snop  }
0x4: {  	_ = 	snop  }
0x5: {  	_ = 	snop  }
0x6: {  	_ = 	snop  }
0x7: {  	_ = 	snop  }
__scs_overlays_trampoline_lowered:
0x8: {  	[smem:$0x3FAA] =	sst s0  }
0x9: {  	[smem:$0x3FAB] =	sst s1  }
0xa: {  	[smem:$0x3FAC] =	sst s2  }
0xb: {  	[smem:$0x3FAD] =	sst s3  }
0xc: {  	[smem:$0x3FAE] =	sst s4  }
0xd: {  	[smem:$0x3FAF] =	sst s5  }
0xe: {  	[smem:$0x3FB0] =	sst s6  }
0xf: {  	[smem:$0x3FB1] =	sst s7  }
0x10: {  	[smem:$0x3FB2] =	sst s8  }
0x11: {  	[smem:$0x3FB3] =	sst s9;
	s0 =	simm.s32 @!p0 $0x0  }
0x12: {  	s1 =	sld [smem:$0x3F99];
	s0 =	simm.s32 @p0 $0x1  }
0x13: {  	[smem:$0x3FB4] =	sst s0;
	s0 =	simm.s32 @!p1 $0x0  }
0x14: {  	s2 =	sld [smem:$0x3F98];
	s0 =	simm.s32 @p1 $0x1  }
0x15: {  	[smem:$0x3FB5] =	sst s0;
	s0 =	simm.s32 @!p2 $0x0  }
0x16: {  	s3 =	sld [smem:$0x3FDB];
	s0 =	simm.s32 @p2 $0x1  }
0x17: {  	s4 =	simm.s32 $0x1BF5;
	[smem:$0x3FB7] =	sst s0  }
0x18: {  	s0 =	sld [smem:$0x3F9A];
	_ =	swait.ge [sflag:s4], $0x0  }
0x19: {  	s7 =	sld [smem:$0x3F9B]  }
0x1a: {  	s8 =	sadd.s32 $0xFFFFE003, lr  }
0x1b: {  	s9 =	sadd.s32 $0xFFFFFEF7, lr;
	s5 =	simm.s32 $0xFFFFFFFF;
	p2 =	slt.u32 s8, $0xFFFFF086  }
0x1c: {  	p1 =	slt.u32 s9, $0xF7A;
	s5 =	simm.s32 @!p2 $0x0  }
0x1d: {  	s5 =	simm.s32 @p1 $0x1;
	p0 =	seq.s32 s7, s2  }
0x1e: {  	s7 =	smul.u32 @!p0 $0xF7A, s2;
	p2 =	seq.s32 @!p0 s5, $0x0  }
0x1f: {  	s9 =	smul.u32 $0xF7A, s1;
	s8 =	simm.s32 @!p0 $0x1BF5;
	p2 =	por !p2, p0  }
0x20: {  	[sflag:s8] =	ssyncset.s32 @!p0 $0xFFFFF086;
	s6 =	sadd.s32 @!p0 s3, s7;
	s7 =	simm.s32 @!p0 $0x108  }
0x21: {  	s3 =	sadd.s32 s3, s9;
	s6 =	sadd.s32 @!p0 $0x88, s6;
	s7 =	simm.s32 @p2 $0x1082  }
0x22: {  	[simem:s7], [sflag:s8] =	dma.local @!p0 [hbm:s6], $0xF7A  }
0x23: {  	s9 =	sor.u32 $0xD0000000, s2;
	s6 =	simm.s32 $0x108;
	_ =	swait.ge @!p0 [sflag:s8], $0x0  }
0x24: {  	s3 =	sadd.s32 $0x88, s3;
	s6 =	simm.s32 @!p1 $0x1082;
	[sflag:s4] =	ssyncset.s32 $0xFFFFF086  }
0x25: {  	[simem:s6], [sflag:s4] =	dma.local [hbm:s3], $0xF7A  }
0x26: {  	[smem:$0x3F9B] =	sst s1;
	(tag) =	ssettag s2;
	_ =	strace s9  }
0x27: {  	s1 =	sld [smem:$0x3FAB]  }
0x28: {  	s2 =	sld [smem:$0x3FAC]  }
0x29: {  	s4 =	sld [smem:$0x3FAE]  }
0x2a: {  	p0 =	seq.s32 s5, $0x0;
	s5 =	sld [smem:$0x3FAF]  }
0x2b: {  	s6 =	sld [smem:$0x3FB0]  }
0x2c: {  	s7 =	sld [smem:$0x3FB1]  }
0x2d: {  	s3 =	simm.s32 $0x108;
	s8 =	sld [smem:$0x3FB2]  }
0x2e: {  	s3 =	simm.s32 @!p0 $0x1082;
	s9 =	sld [smem:$0x3FB3]  }
0x2f: {  	lr =	sadd.s32 s0, s3;
	s0 =	sld [smem:$0x3FAA]  }
0x30: {  	s3 =	sld [smem:$0x3FAD]  }
0x31: {  	[smem:$0x3FB6] =	sst s10  }
0x32: {  	s10 =	sld [smem:$0x3FB4];
	_ =	sdelay $0x3  }
0x33: {  	p0 =	seq.s32 s10, $0x1;
	s10 =	sld [smem:$0x3FB6];
	_ =	sdelay $0x3  }
0x34: {  	[smem:$0x3FB6] =	sst s10  }
0x35: {  	s10 =	sld [smem:$0x3FB5];
	_ =	sdelay $0x3  }
0x36: {  	p1 =	seq.s32 s10, $0x1;
	s10 =	sld [smem:$0x3FB6];
	_ =	sdelay $0x3  }
0x37: {  	[smem:$0x3FB6] =	sst s10  }
0x38: {  	s10 =	sld [smem:$0x3FB7]  }
0x39: {  	_ = 	snop;
	(pc) =	sbr.ind lr, $3  }
0x3a: {  	_ = 	snop  }
0x3b: {  	_ = 	snop  }
0x3c: {  	p2 =	seq.s32 s10, $0x1;
	s10 =	sld [smem:$0x3FB6]  }
0x3d: {  	_ =	shalt  }
0x3e: {  	_ =	shalt  }
0x3f: {  	_ =	shalt  }
0x40: {  	_ =	shalt  }
0x41: {  	_ =	shalt  }
0x42: {  	_ =	shalt  }
0x43: {  	_ =	shalt  }
0x44: {  	_ =	shalt  }
0x45: {  	_ =	shalt  }
0x46: {  	_ =	shalt  }
0x47: {  	_ =	shalt  }
0x48: {  	_ =	shalt  }
0x49: {  	_ =	shalt  }
0x4a: {  	_ =	shalt  }
0x4b: {  	_ =	shalt  }
0x4c: {  	_ =	shalt  }
0x4d: {  	_ =	shalt  }
0x4e: {  	_ =	shalt  }
0x4f: {  	_ =	shalt  }
0x50: {  	_ =	shalt  }
0x51: {  	_ =	shalt  }
0x52: {  	_ =	shalt  }
0x53: {  	_ =	shalt  }
0x54: {  	_ =	shalt  }
0x55: {  	_ =	shalt  }
0x56: {  	_ =	shalt  }
0x57: {  	_ =	shalt  }
0x58: {  	_ =	shalt  }
0x59: {  	_ =	shalt  }
0x5a: {  	_ =	shalt  }
0x5b: {  	_ =	shalt  }
0x5c: {  	_ =	shalt  }
0x5d: {  	_ =	shalt  }
0x5e: {  	_ =	shalt  }
0x5f: {  	_ =	shalt  }
0x60: {  	_ =	shalt  }
0x61: {  	_ =	shalt  }
0x62: {  	_ =	shalt  }
0x63: {  	_ =	shalt  }
0x64: {  	_ =	shalt  }
0x65: {  	_ =	shalt  }
0x66: {  	_ =	shalt  }
0x67: {  	_ =	shalt  }
0x68: {  	_ =	shalt  }
0x69: {  	_ =	shalt  }
0x6a: {  	_ =	shalt  }
0x6b: {  	_ =	shalt  }
0x6c: {  	_ =	shalt  }
0x6d: {  	_ =	shalt  }
0x6e: {  	_ =	shalt  }
0x6f: {  	_ =	shalt  }
0x70: {  	_ =	shalt  }
0x71: {  	_ =	shalt  }
0x72: {  	_ =	shalt  }
0x73: {  	_ =	shalt  }
0x74: {  	_ =	shalt  }
0x75: {  	_ =	shalt  }
0x76: {  	_ =	shalt  }
0x77: {  	_ =	shalt  }
0x78: {  	_ =	shalt  }
0x79: {  	_ =	shalt  }
0x7a: {  	_ =	shalt  }
0x7b: {  	_ =	shalt  }
0x7c: {  	_ =	shalt  }
0x7d: {  	_ =	shalt  }
0x7e: {  	_ =	shalt  }
0x7f: {  	_ =	shalt  }
0x80: {  	_ =	shalt  }
0x81: {  	_ =	shalt  }
0x82: {  	_ =	shalt  }
0x83: {  	_ =	shalt  }
0x84: {  	_ =	shalt  }
0x85: {  	_ =	shalt  }
0x86: {  	_ =	shalt  }
0x87: {  	_ =	shalt  }
.Lfunc_end0:
.L_simem_size_0:
called_computation_lowered:
.L_overlay_start_0:
0x88: {  	s2 =	sld [smem:$0x3FD9]  }
0x89: {  	s3 =	sld [smem:$0x3FFE];
	_ =	sdelay $0x1  }
0x8a: {  	s1 =	srdreg.scid  }
0x8b: {  	s0 =	sand.u32 $0x1, s1  }
0x8c: {  	s17 =	sshll.u32 s0, $0xA;
	s2 =	sadd.s32 s3, s2  }
0x8d: {  	s2 =	sadd.s32 s2, s17  }
0x8e: {  	[smem:$0x3FC2] =	sst s2  }
0x8f: {  	_ = 	snop  }
0x90: {  	s2 =	sld [smem:$0x3FD0];
	(tm) =	ssettm $0x1  }
0x91: {  	s18 =	sld [smem:$0x3FFB];
	_ =	sdelay $0x3  }
0x92: {  	_ =	strace s18  }
0x93: {  	s3 =	sld [smem:$0x3FFC];
	_ =	sdelay $0x3  }
0x94: {  	_ =	strace s3  }
0x95: {  	s3 =	sld [smem:$0x3FFD];
	_ =	sdelay $0x3  }
0x96: {  	_ =	strace s3  }
0x97: {  	_ =	strace $0x8FFFFFFF  }
0x98: {  	s19 =	sld [smem:$0x3FDB];
	_ =	sdelay $0x1  }
0x99: {  	s4 =	simm.s32 $_scs_section_size  }
0x9a: {  	s5 =	simm.s32 $_size__tile_overlayer_lowered;
	s6 =	simm.s32 $_tile_overlayer_lowered  }
0x9b: {  	s22 =	simm.s32 $0x1BFF;
	s21 =	sshll.u32 s6, $0x1;
	s3 =	sadd.s32 s4, s19  }
0x9c: {  	s7 =	simm.s32 $0x0;
	s20 =	sshll.u32 s5, $0x1;
	s5 =	sadd.s32 s21, s3  }
0x9d: {  	[timem:s7], [sflag:s22] =	dma.local [hbm:s5], s20  }
0x9e: {  	_ =	swait.ge [sflag:s22], s20  }
0x9f: {  	s4 =	ssub.s32 $0x0, s20;
	[sflag:s22] =	ssyncset.done $0x0  }
0xa0: {  	[sflag:s22] =	ssyncadd.s32 s4;
	_ =	sdelay $0x1  }
0xa1: {  	s23 =	simm.s32 $0x1B8B  }
0xa2: {  	_ =	swait.ge [sflag:s23], $0x1  }
0xa3: {  	[sflag:s23] =	ssyncset.done $0x0  }
0xa4: {  	s25 =	simm.s32 $0x1B8E;
	s24 =	sld [smem:$0x3FFE];
	[sflag:s23] =	ssyncadd.s32 $0xFFFFFFFF  }
0xa5: {  	s26 =	simm.s32 $execute0_lowered;
	[smem:$0x3FD2] =	sst s25  }
0xa6: {  	s5 =	sshll.u32 s26, $0x1;
	_ =	strace $0x80000046;
	[dreg:$0x1] =	wrdreg $0xFFFFFFFF  }
0xa7: {  	s28 =	simm.s32 $_size_execute0_lowered;
	s3 =	sadd.s32 s3, s5;
	[dreg:$0x0] =	wrdreg $0x0  }
0xa8: {  	s5 =	sshll.u32 s28, $0x1;
	[dreg:$0x2] =	wrdreg s3  }
0xa9: {  	[dreg:$0x3] =	wrdreg s5  }
0xaa: {  	[dreg:$0x4] =	wrdreg $0xC0  }
0xab: {  	_ =	task [dreg:s7], $0x5FFFF  }
0xac: {  	[dreg:$0x1] =	wrdreg $0xFFFFFFFF  }
0xad: {  	[dreg:$0x0] =	wrdreg $0x60  }
0xae: {  	[dreg:$0x2] =	wrdreg s24  }
0xaf: {  	[dreg:$0x3] =	wrdreg s2  }
0xb0: {  	[dreg:$0x4] =	wrdreg $0x9  }
0xb1: {  	_ =	task.clear_ibuf [dreg:s7], $0x5FFFF;
	_ =	strace $0x90000046  }
0xb2: {  	s29 =	simm.s32 $0x9;
	_ =	strace $0x80000048  }
0xb3: {  	_ =	swait.ge [sflag:s29], $0x1  }
0xb4: {  	[sflag:s29] =	ssyncadd.s32 $0xFFFFFFFF  }
0xb5: {  	_ =	strace $0x90000048  }
0xb6: {  	_ =	sfence  }
0xb7: {  	s30 =	sld [smem:$0x0];
	_ =	sdelay $0x2  }
0xb8: {  	s31 =	sshll.u32 s1, $0xD;
	s1 =	sshrl.u32 s1, $0x2  }
0xb9: {  	s3 =	sand.u32 $0x4000, s31;
	s1 =	sadd.s32 s1, s30  }
0xba: {  	s0 =	sor.u32 s3, s0;
	s1 =	sshll.u32 s1, $0x11  }
0xbb: {  	s0 =	sor.u32 s1, s0  }
0xbc: {  	s0 =	sadd.s32 $0x8F2B, s0  }
0xbd: {  	[sflag:s0] =	ssyncadd.remote.s32 $0x1  }
0xbe: {  	_ =	sfence.sel $0xFFFF  }
0xbf: {  	[dreg:$0x0] =	wrdreg $0xFFFFFFFF;
	(pc) =	sbr.abs _section_cstart, $3  }
0xc0: {  	[dreg:$0x1] =	wrdreg $0xFFFFFFFF  }
0xc1: {  	_ =	task.clear_ibuf [dreg:s7], $0x2FFFF;
	_ =	strace $0x9FFFFFFF  }
0xc2: {  	(tm) =	ssettm $0x7FFFFFFF  }
0xc3: {  	_ =	shalt  }
tec
execute0_lowered:
.L_overlay_start_1:
0x0: {  	(tag) =	ssettag $0x1  }
0x1: {  	s5 =	rddreg [dreg:$0x0]  }
0x2: {  	s1 =	rddreg [dreg:$0x1]  }
0x3: {  	s2 =	simm.s32 $0x0;
	s3 =	srdreg.scid;
	s0 =	stileid.u32  }
0x4: {  	s9 =	simm.s32 $0x400;
	s10 =	simm.s32 $0x1;
	s11 =	simm.s32 $0x180  }
0x5: {  	s12 =	simm.s32 $0x2;
	s13 =	simm.s32 $0x0;
	s6 =	sand.u32 $0x1, s3  }
0x6: {  	[smem:$0x7FF] =	sst s2;
	s4 =	sadd.s32 $0xE00, s5;
	s7 =	ssub.s32 $0x2, s6  }
0x7: {  	s31 =	sshll.u32 s0, $0xA;
	s5 =	sadd.s32 $0xF43200, s5;
	s8 =	sshrl.u32 s7, $0x1  }
0x8: {  	_ =	strace $0x80000047;
	s6 =	sshll.u32 s6, $0x9;
	s7 =	ssub.s32 s7, s8  }
0x9: {  	s6 =	sor.u32 s6, s31;
	s8 =	simm.s32 $0x80;
	s7 =	smax.u32 s7, $0x1  }
.LBB2_1:
0xa: {  	s14 =	simm.s32 $0x0  }
.LBB2_2:
0xb: {  	s15 =	sshll.u32 s14, $0x6  }
0xc: {  	s15 =	sadd.s32 s6, s15  }
0xd: {  	s16 =	smul.u32 $0x5, s15;
	_ =	sdelay $0x1  }
0xe: {  	s16 =	sshrl.u32 s16, $0x3  }
0xf: {  	s24 =	simm.s32 $0x2;
	s17 =	sadd.s32 s1, s16;
	s16 =	simm.s32 $0x0  }
0x10: {  	[tilespmem:s16], [sflag:$0x2] =	stream.linear.gather [hbm4b:s17+s16], $0x140, $0x38;
	[tilespmem:$0x6180] =	vst v63  }
0x11: {  	_ =	swait.ge [sflag:s24], $0x140  }
0x12: {  	[sflag:s24] =	ssyncset.done $0x0  }
0x13: {  	[sflag:s24] =	ssyncadd.s32 $0xFFFFFEC0  }
0x14: {  	v0 =	vld [tilespmem:$0x0];
	_ =	sdelay $0x4  }
0x15: {  	(v2sf) =	vpush v0, $0x0  }
0x16: {  	(v2sf) =	vpush v0, $0x1  }
0x17: {  	(v2sf) =	vpush v0, $0x2  }
0x18: {  	(v2sf) =	vpush v0, $0x3  }
0x19: {  	(v2sf) =	vpush v0, $0x4  }
0x1a: {  	(v2sf) =	vpush v0, $0x5  }
0x1b: {  	(v2sf) =	vpush v0, $0x6  }
0x1c: {  	(v2sf) =	vpush v0, $0x7  }
0x1d: {  	(v2sf) =	vpush v0, $0x8  }
0x1e: {  	(v2sf) =	vpush v0, $0x9  }
0x1f: {  	(v2sf) =	vpush v0, $0xA  }
0x20: {  	v1 =	vld [tilespmem:$0x10];
	(v2sf) =	vpush v0, $0xB  }
0x21: {  	(v2sf) =	vpush v0, $0xC  }
0x22: {  	(v2sf) =	vpush v0, $0xD  }
0x23: {  	(v2sf) =	vpush v0, $0xE  }
0x24: {  	s25 =	spop (v2sf);
	(v2sf) =	vpush v0, $0xF  }
0x25: {  	[smem:$0x0] =	sst s25;
	s26 =	spop (v2sf);
	(v2sf) =	vpush v1, $0x0  }
0x26: {  	[smem:$0x1] =	sst s26;
	s30 =	spop (v2sf);
	(v2sf) =	vpush v1, $0x1  }
0x27: {  	[smem:$0x2] =	sst s30;
	s31 =	spop (v2sf);
	(v2sf) =	vpush v1, $0x2  }
0x28: {  	[smem:$0x3] =	sst s31;
	s0 =	spop (v2sf);
	(v2sf) =	vpush v1, $0x3  }
0x29: {  	[smem:$0x4] =	sst s0;
	s3 =	spop (v2sf);
	(v2sf) =	vpush v1, $0x4  }
0x2a: {  	[smem:$0x5] =	sst s3;
	s18 =	spop (v2sf);
	(v2sf) =	vpush v1, $0x5  }
0x2b: {  	[smem:$0x6] =	sst s18;
	s19 =	spop (v2sf);
	(v2sf) =	vpush v1, $0x6  }
0x2c: {  	[smem:$0x7] =	sst s19;
	s20 =	spop (v2sf);
	(v2sf) =	vpush v1, $0x7  }
0x2d: {  	[smem:$0x8] =	sst s20;
	s21 =	spop (v2sf);
	(v2sf) =	vpush v1, $0x8  }
0x2e: {  	[smem:$0x9] =	sst s21;
	s22 =	spop (v2sf);
	(v2sf) =	vpush v1, $0x9  }
0x2f: {  	[smem:$0xA] =	sst s22;
	s23 =	spop (v2sf);
	(v2sf) =	vpush v1, $0xA  }
0x30: {  	v46 =	vld [tilespmem:$0x20];
	[smem:$0xB] =	sst s23;
	s24 =	spop (v2sf);
	(v2sf) =	vpush v1, $0xB  }
0x31: {  	[smem:$0xC] =	sst s24;
	s25 =	spop (v2sf);
	(v2sf) =	vpush v1, $0xC  }
0x32: {  	[smem:$0xD] =	sst s25;
	s26 =	spop (v2sf);
	(v2sf) =	vpush v1, $0xD  }
0x33: {  	[smem:$0xE] =	sst s26;
	s30 =	spop (v2sf);
	(v2sf) =	vpush v1, $0xE  }
0x34: {  	[smem:$0xF] =	sst s30;
	s31 =	spop (v2sf);
	(v2sf) =	vpush v1, $0xF  }
0x35: {  	[smem:$0x10] =	sst s31;
	s0 =	spop (v2sf);
	(v2sf) =	vpush v46, $0x0  }
0x36: {  	[smem:$0x11] =	sst s0;
	s3 =	spop (v2sf);
	(v2sf) =	vpush v46, $0x1  }
0x37: {  	[smem:$0x12] =	sst s3;
	s18 =	spop (v2sf);
	(v2sf) =	vpush v46, $0x2  }
0x38: {  	[smem:$0x13] =	sst s18;
	s19 =	spop (v2sf);
	(v2sf) =	vpush v46, $0x3  }
0x39: {  	[smem:$0x14] =	sst s19;
	s20 =	spop (v2sf);
	(v2sf) =	vpush v46, $0x4  }
0x3a: {  	[smem:$0x15] =	sst s20;
	s21 =	spop (v2sf);
	(v2sf) =	vpush v46, $0x5  }
0x3b: {  	[smem:$0x16] =	sst s21;
	s22 =	spop (v2sf);
	(v2sf) =	vpush v46, $0x6  }
0x3c: {  	[smem:$0x17] =	sst s22;
	s23 =	spop (v2sf);
	(v2sf) =	vpush v46, $0x7  }
0x3d: {  	[smem:$0x18] =	sst s23;
	s24 =	spop (v2sf);
	(v2sf) =	vpush v46, $0x8  }
0x3e: {  	[smem:$0x19] =	sst s24;
	s25 =	spop (v2sf);
	(v2sf) =	vpush v46, $0x9  }
0x3f: {  	[smem:$0x1A] =	sst s25;
	s26 =	spop (v2sf);
	(v2sf) =	vpush v46, $0xA  }
0x40: {  	v47 =	vld [tilespmem:$0x30];
	[smem:$0x1B] =	sst s26;
	s30 =	spop (v2sf);
	(v2sf) =	vpush v46, $0xB  }
0x41: {  	[smem:$0x1C] =	sst s30;
	s31 =	spop (v2sf);
	(v2sf) =	vpush v46, $0xC  }
0x42: {  	[smem:$0x1D] =	sst s31;
	s0 =	spop (v2sf);
	(v2sf) =	vpush v46, $0xD  }
0x43: {  	[smem:$0x1E] =	sst s0;
	s3 =	spop (v2sf);
	(v2sf) =	vpush v46, $0xE  }
0x44: {  	[smem:$0x1F] =	sst s3;
	s18 =	spop (v2sf);
	(v2sf) =	vpush v46, $0xF  }
0x45: {  	[smem:$0x20] =	sst s18;
	s19 =	spop (v2sf);
	(v2sf) =	vpush v47, $0x0  }
0x46: {  	[smem:$0x21] =	sst s19;
	s20 =	spop (v2sf);
	(v2sf) =	vpush v47, $0x1  }
0x47: {  	[smem:$0x22] =	sst s20;
	s21 =	spop (v2sf);
	(v2sf) =	vpush v47, $0x2  }
0x48: {  	[smem:$0x23] =	sst s21;
	s22 =	spop (v2sf);
	(v2sf) =	vpush v47, $0x3  }
0x49: {  	[smem:$0x24] =	sst s22;
	s23 =	spop (v2sf);
	(v2sf) =	vpush v47, $0x4  }
0x4a: {  	[smem:$0x25] =	sst s23;
	s24 =	spop (v2sf);
	(v2sf) =	vpush v47, $0x5  }
0x4b: {  	[smem:$0x26] =	sst s24;
	s25 =	spop (v2sf);
	(v2sf) =	vpush v47, $0x6  }
0x4c: {  	[smem:$0x27] =	sst s25;
	s26 =	spop (v2sf);
	(v2sf) =	vpush v47, $0x7  }
0x4d: {  	[smem:$0x28] =	sst s26;
	s30 =	spop (v2sf);
	(v2sf) =	vpush v47, $0x8  }
0x4e: {  	[smem:$0x29] =	sst s30;
	s31 =	spop (v2sf);
	(v2sf) =	vpush v47, $0x9  }
0x4f: {  	[smem:$0x2A] =	sst s31;
	s0 =	spop (v2sf);
	(v2sf) =	vpush v47, $0xA  }
0x50: {  	v48 =	vld [tilespmem:$0x40];
	[smem:$0x2B] =	sst s0;
	s3 =	spop (v2sf);
	(v2sf) =	vpush v47, $0xB  }
0x51: {  	[smem:$0x2C] =	sst s3;
	s18 =	spop (v2sf);
	(v2sf) =	vpush v47, $0xC  }
0x52: {  	[smem:$0x2D] =	sst s18;
	s19 =	spop (v2sf);
	(v2sf) =	vpush v47, $0xD  }
0x53: {  	[smem:$0x2E] =	sst s19;
	s20 =	spop (v2sf);
	(v2sf) =	vpush v47, $0xE  }
0x54: {  	[smem:$0x2F] =	sst s20;
	s21 =	spop (v2sf);
	(v2sf) =	vpush v47, $0xF  }
0x55: {  	[smem:$0x30] =	sst s21;
	s22 =	spop (v2sf);
	(v2sf) =	vpush v48, $0x0  }
0x56: {  	[smem:$0x31] =	sst s22;
	s23 =	spop (v2sf);
	(v2sf) =	vpush v48, $0x1  }
0x57: {  	[smem:$0x32] =	sst s23;
	s24 =	spop (v2sf);
	(v2sf) =	vpush v48, $0x2  }
0x58: {  	[smem:$0x33] =	sst s24;
	s25 =	spop (v2sf);
	(v2sf) =	vpush v48, $0x3  }
0x59: {  	[smem:$0x34] =	sst s25;
	s26 =	spop (v2sf);
	(v2sf) =	vpush v48, $0x4  }
0x5a: {  	[smem:$0x35] =	sst s26;
	s30 =	spop (v2sf);
	(v2sf) =	vpush v48, $0x5  }
0x5b: {  	[smem:$0x36] =	sst s30;
	s31 =	spop (v2sf);
	(v2sf) =	vpush v48, $0x6  }
0x5c: {  	[smem:$0x37] =	sst s31;
	s0 =	spop (v2sf);
	(v2sf) =	vpush v48, $0x7  }
0x5d: {  	[smem:$0x38] =	sst s0;
	s3 =	spop (v2sf);
	(v2sf) =	vpush v48, $0x8  }
0x5e: {  	[smem:$0x39] =	sst s3;
	s18 =	spop (v2sf);
	(v2sf) =	vpush v48, $0x9  }
0x5f: {  	[smem:$0x3A] =	sst s18;
	s19 =	spop (v2sf);
	(v2sf) =	vpush v48, $0xA  }
0x60: {  	v49 =	vld [tilespmem:$0x50];
	[smem:$0x3B] =	sst s19;
	s20 =	spop (v2sf);
	(v2sf) =	vpush v48, $0xB  }
0x61: {  	[smem:$0x3C] =	sst s20;
	s21 =	spop (v2sf);
	(v2sf) =	vpush v48, $0xC  }
0x62: {  	[smem:$0x3D] =	sst s21;
	s22 =	spop (v2sf);
	(v2sf) =	vpush v48, $0xD  }
0x63: {  	[smem:$0x3E] =	sst s22;
	s23 =	spop (v2sf);
	(v2sf) =	vpush v48, $0xE  }
0x64: {  	[smem:$0x3F] =	sst s23;
	s24 =	spop (v2sf);
	(v2sf) =	vpush v48, $0xF  }
0x65: {  	[smem:$0x40] =	sst s24;
	s25 =	spop (v2sf);
	(v2sf) =	vpush v49, $0x0  }
0x66: {  	[smem:$0x41] =	sst s25;
	s26 =	spop (v2sf);
	(v2sf) =	vpush v49, $0x1  }
0x67: {  	[smem:$0x42] =	sst s26;
	s30 =	spop (v2sf);
	(v2sf) =	vpush v49, $0x2  }
0x68: {  	[smem:$0x43] =	sst s30;
	s31 =	spop (v2sf);
	(v2sf) =	vpush v49, $0x3  }
0x69: {  	[smem:$0x44] =	sst s31;
	s0 =	spop (v2sf);
	(v2sf) =	vpush v49, $0x4  }
0x6a: {  	[smem:$0x45] =	sst s0;
	s3 =	spop (v2sf);
	(v2sf) =	vpush v49, $0x5  }
0x6b: {  	[smem:$0x46] =	sst s3;
	s18 =	spop (v2sf);
	(v2sf) =	vpush v49, $0x6  }
0x6c: {  	[smem:$0x47] =	sst s18;
	s19 =	spop (v2sf);
	(v2sf) =	vpush v49, $0x7  }
0x6d: {  	[smem:$0x48] =	sst s19;
	s20 =	spop (v2sf);
	(v2sf) =	vpush v49, $0x8  }
0x6e: {  	[smem:$0x49] =	sst s20;
	s21 =	spop (v2sf);
	(v2sf) =	vpush v49, $0x9  }
0x6f: {  	[smem:$0x4A] =	sst s21;
	s22 =	spop (v2sf);
	(v2sf) =	vpush v49, $0xA  }
0x70: {  	v50 =	vld [tilespmem:$0x60];
	[smem:$0x4B] =	sst s22;
	s23 =	spop (v2sf);
	(v2sf) =	vpush v49, $0xB  }
0x71: {  	[smem:$0x4C] =	sst s23;
	s24 =	spop (v2sf);
	(v2sf) =	vpush v49, $0xC  }
0x72: {  	[smem:$0x4D] =	sst s24;
	s25 =	spop (v2sf);
	(v2sf) =	vpush v49, $0xD  }
0x73: {  	[smem:$0x4E] =	sst s25;
	s26 =	spop (v2sf);
	(v2sf) =	vpush v49, $0xE  }
0x74: {  	[smem:$0x4F] =	sst s26;
	s30 =	spop (v2sf);
	(v2sf) =	vpush v49, $0xF  }
0x75: {  	[smem:$0x50] =	sst s30;
	s31 =	spop (v2sf);
	(v2sf) =	vpush v50, $0x0  }
0x76: {  	[smem:$0x51] =	sst s31;
	s0 =	spop (v2sf);
	(v2sf) =	vpush v50, $0x1  }
0x77: {  	[smem:$0x52] =	sst s0;
	s3 =	spop (v2sf);
	(v2sf) =	vpush v50, $0x2  }
0x78: {  	[smem:$0x53] =	sst s3;
	s18 =	spop (v2sf);
	(v2sf) =	vpush v50, $0x3  }
0x79: {  	[smem:$0x54] =	sst s18;
	s19 =	spop (v2sf);
	(v2sf) =	vpush v50, $0x4  }
0x7a: {  	[smem:$0x55] =	sst s19;
	s20 =	spop (v2sf);
	(v2sf) =	vpush v50, $0x5  }
0x7b: {  	[smem:$0x56] =	sst s20;
	s21 =	spop (v2sf);
	(v2sf) =	vpush v50, $0x6  }
0x7c: {  	[smem:$0x57] =	sst s21;
	s22 =	spop (v2sf);
	(v2sf) =	vpush v50, $0x7  }
0x7d: {  	[smem:$0x58] =	sst s22;
	s23 =	spop (v2sf);
	(v2sf) =	vpush v50, $0x8  }
0x7e: {  	[smem:$0x59] =	sst s23;
	s24 =	spop (v2sf);
	(v2sf) =	vpush v50, $0x9  }
0x7f: {  	[smem:$0x5A] =	sst s24;
	s25 =	spop (v2sf);
	(v2sf) =	vpush v50, $0xA  }
0x80: {  	v51 =	vld [tilespmem:$0x70];
	[smem:$0x5B] =	sst s25;
	s26 =	spop (v2sf);
	(v2sf) =	vpush v50, $0xB  }
0x81: {  	[smem:$0x5C] =	sst s26;
	s30 =	spop (v2sf);
	(v2sf) =	vpush v50, $0xC  }
0x82: {  	[smem:$0x5D] =	sst s30;
	s31 =	spop (v2sf);
	(v2sf) =	vpush v50, $0xD  }
0x83: {  	[smem:$0x5E] =	sst s31;
	s0 =	spop (v2sf);
	(v2sf) =	vpush v50, $0xE  }
0x84: {  	[smem:$0x5F] =	sst s0;
	s3 =	spop (v2sf);
	(v2sf) =	vpush v50, $0xF  }
0x85: {  	[smem:$0x60] =	sst s3;
	s18 =	spop (v2sf);
	(v2sf) =	vpush v51, $0x0  }
0x86: {  	[smem:$0x61] =	sst s18;
	s19 =	spop (v2sf);
	(v2sf) =	vpush v51, $0x1  }
0x87: {  	[smem:$0x62] =	sst s19;
	s20 =	spop (v2sf);
	(v2sf) =	vpush v51, $0x2  }
0x88: {  	[smem:$0x63] =	sst s20;
	s21 =	spop (v2sf);
	(v2sf) =	vpush v51, $0x3  }
0x89: {  	[smem:$0x64] =	sst s21;
	s22 =	spop (v2sf);
	(v2sf) =	vpush v51, $0x4  }
0x8a: {  	[smem:$0x65] =	sst s22;
	s23 =	spop (v2sf);
	(v2sf) =	vpush v51, $0x5  }
0x8b: {  	[smem:$0x66] =	sst s23;
	s24 =	spop (v2sf);
	(v2sf) =	vpush v51, $0x6  }
0x8c: {  	[smem:$0x67] =	sst s24;
	s25 =	spop (v2sf);
	(v2sf) =	vpush v51, $0x7  }
0x8d: {  	[smem:$0x68] =	sst s25;
	s26 =	spop (v2sf);
	(v2sf) =	vpush v51, $0x8  }
0x8e: {  	[smem:$0x69] =	sst s26;
	s30 =	spop (v2sf);
	(v2sf) =	vpush v51, $0x9  }
0x8f: {  	[smem:$0x6A] =	sst s30;
	s31 =	spop (v2sf);
	(v2sf) =	vpush v51, $0xA  }
0x90: {  	v52 =	vld [tilespmem:$0x80];
	[smem:$0x6B] =	sst s31;
	s0 =	spop (v2sf);
	(v2sf) =	vpush v51, $0xB  }
0x91: {  	[smem:$0x6C] =	sst s0;
	s3 =	spop (v2sf);
	(v2sf) =	vpush v51, $0xC  }
0x92: {  	[smem:$0x6D] =	sst s3;
	s18 =	spop (v2sf);
	(v2sf) =	vpush v51, $0xD  }
0x93: {  	[smem:$0x6E] =	sst s18;
	s19 =	spop (v2sf);
	(v2sf) =	vpush v51, $0xE  }
0x94: {  	[smem:$0x6F] =	sst s19;
	s20 =	spop (v2sf);
	(v2sf) =	vpush v51, $0xF  }
0x95: {  	[smem:$0x70] =	sst s20;
	s21 =	spop (v2sf);
	(v2sf) =	vpush v52, $0x0  }
0x96: {  	[smem:$0x71] =	sst s21;
	s22 =	spop (v2sf);
	(v2sf) =	vpush v52, $0x1  }
0x97: {  	[smem:$0x72] =	sst s22;
	s23 =	spop (v2sf);
	(v2sf) =	vpush v52, $0x2  }
0x98: {  	[smem:$0x73] =	sst s23;
	s24 =	spop (v2sf);
	(v2sf) =	vpush v52, $0x3  }
0x99: {  	[smem:$0x74] =	sst s24;
	s25 =	spop (v2sf);
	(v2sf) =	vpush v52, $0x4  }
0x9a: {  	[smem:$0x75] =	sst s25;
	s26 =	spop (v2sf);
	(v2sf) =	vpush v52, $0x5  }
0x9b: {  	[smem:$0x76] =	sst s26;
	s30 =	spop (v2sf);
	(v2sf) =	vpush v52, $0x6  }
0x9c: {  	[smem:$0x77] =	sst s30;
	s31 =	spop (v2sf);
	(v2sf) =	vpush v52, $0x7  }
0x9d: {  	[smem:$0x78] =	sst s31;
	s0 =	spop (v2sf);
	(v2sf) =	vpush v52, $0x8  }
0x9e: {  	[smem:$0x79] =	sst s0;
	s3 =	spop (v2sf);
	(v2sf) =	vpush v52, $0x9  }
0x9f: {  	[smem:$0x7A] =	sst s3;
	s18 =	spop (v2sf);
	(v2sf) =	vpush v52, $0xA  }
0xa0: {  	v53 =	vld [tilespmem:$0x90];
	[smem:$0x7B] =	sst s18;
	s19 =	spop (v2sf);
	(v2sf) =	vpush v52, $0xB  }
0xa1: {  	[smem:$0x7C] =	sst s19;
	s20 =	spop (v2sf);
	(v2sf) =	vpush v52, $0xC  }
0xa2: {  	[smem:$0x7D] =	sst s20;
	s21 =	spop (v2sf);
	(v2sf) =	vpush v52, $0xD  }
0xa3: {  	[smem:$0x7E] =	sst s21;
	s22 =	spop (v2sf);
	(v2sf) =	vpush v52, $0xE  }
0xa4: {  	[smem:$0x7F] =	sst s22;
	s23 =	spop (v2sf);
	(v2sf) =	vpush v52, $0xF  }
0xa5: {  	[smem:$0x80] =	sst s23;
	s24 =	spop (v2sf);
	(v2sf) =	vpush v53, $0x0  }
0xa6: {  	[smem:$0x81] =	sst s24;
	s25 =	spop (v2sf);
	(v2sf) =	vpush v53, $0x1  }
0xa7: {  	[smem:$0x82] =	sst s25;
	s26 =	spop (v2sf);
	(v2sf) =	vpush v53, $0x2  }
0xa8: {  	[smem:$0x83] =	sst s26;
	s30 =	spop (v2sf);
	(v2sf) =	vpush v53, $0x3  }
0xa9: {  	[smem:$0x84] =	sst s30;
	s31 =	spop (v2sf);
	(v2sf) =	vpush v53, $0x4  }
0xaa: {  	[smem:$0x85] =	sst s31;
	s0 =	spop (v2sf);
	(v2sf) =	vpush v53, $0x5  }
0xab: {  	[smem:$0x86] =	sst s0;
	s3 =	spop (v2sf);
	(v2sf) =	vpush v53, $0x6  }
0xac: {  	[smem:$0x87] =	sst s3;
	s18 =	spop (v2sf);
	(v2sf) =	vpush v53, $0x7  }
0xad: {  	[smem:$0x88] =	sst s18;
	s19 =	spop (v2sf);
	(v2sf) =	vpush v53, $0x8  }
0xae: {  	[smem:$0x89] =	sst s19;
	s20 =	spop (v2sf);
	(v2sf) =	vpush v53, $0x9  }
0xaf: {  	[smem:$0x8A] =	sst s20;
	s21 =	spop (v2sf);
	(v2sf) =	vpush v53, $0xA  }
0xb0: {  	[smem:$0x8B] =	sst s21;
	s22 =	spop (v2sf);
	(v2sf) =	vpush v53, $0xB  }
0xb1: {  	[smem:$0x8C] =	sst s22;
	s23 =	spop (v2sf);
	(v2sf) =	vpush v53, $0xC  }
0xb2: {  	[smem:$0x8D] =	sst s23;
	s24 =	spop (v2sf);
	(v2sf) =	vpush v53, $0xD  }
0xb3: {  	[smem:$0x8E] =	sst s24;
	s25 =	spop (v2sf);
	(v2sf) =	vpush v53, $0xE  }
0xb4: {  	[smem:$0x8F] =	sst s25;
	s26 =	spop (v2sf)  }
0xb5: {  	[smem:$0x90] =	sst s26;
	s30 =	spop (v2sf)  }
0xb6: {  	[smem:$0x91] =	sst s30;
	s31 =	spop (v2sf)  }
0xb7: {  	[smem:$0x92] =	sst s31;
	s0 =	spop (v2sf)  }
0xb8: {  	[smem:$0x93] =	sst s0;
	s3 =	spop (v2sf)  }
0xb9: {  	[smem:$0x94] =	sst s3;
	s18 =	spop (v2sf)  }
0xba: {  	[smem:$0x95] =	sst s18;
	s19 =	spop (v2sf)  }
0xbb: {  	[smem:$0x96] =	sst s19;
	s20 =	spop (v2sf)  }
0xbc: {  	[smem:$0x97] =	sst s20;
	s21 =	spop (v2sf)  }
0xbd: {  	[smem:$0x98] =	sst s21;
	s22 =	spop (v2sf)  }
0xbe: {  	[smem:$0x99] =	sst s22;
	s23 =	spop (v2sf)  }
0xbf: {  	[smem:$0x9A] =	sst s23;
	s24 =	spop (v2sf)  }
0xc0: {  	[smem:$0x9B] =	sst s24;
	s25 =	spop (v2sf)  }
0xc1: {  	[smem:$0x9C] =	sst s25;
	s26 =	spop (v2sf)  }
0xc2: {  	[smem:$0x9D] =	sst s26;
	s30 =	spop (v2sf)  }
0xc3: {  	[smem:$0x9E] =	sst s30  }
0xc4: {  	v54 =	vld [tilespmem:$0xA0];
	_ =	sdelay $0x3  }
0xc5: {  	(v2sf) =	vpush v53, $0xF  }
0xc6: {  	(v2sf) =	vpush v54, $0x0  }
0xc7: {  	(v2sf) =	vpush v54, $0x1  }
0xc8: {  	(v2sf) =	vpush v54, $0x2  }
0xc9: {  	(v2sf) =	vpush v54, $0x3  }
0xca: {  	(v2sf) =	vpush v54, $0x4  }
0xcb: {  	(v2sf) =	vpush v54, $0x5  }
0xcc: {  	(v2sf) =	vpush v54, $0x6  }
0xcd: {  	(v2sf) =	vpush v54, $0x7  }
0xce: {  	(v2sf) =	vpush v54, $0x8  }
0xcf: {  	(v2sf) =	vpush v54, $0x9  }
0xd0: {  	(v2sf) =	vpush v54, $0xA  }
0xd1: {  	v55 =	vld [tilespmem:$0xB0];
	(v2sf) =	vpush v54, $0xB  }
0xd2: {  	(v2sf) =	vpush v54, $0xC  }
0xd3: {  	(v2sf) =	vpush v54, $0xD  }
0xd4: {  	s17 =	spop (v2sf);
	(v2sf) =	vpush v54, $0xE  }
0xd5: {  	[smem:$0x9F] =	sst s17;
	s31 =	spop (v2sf);
	(v2sf) =	vpush v54, $0xF  }
0xd6: {  	[smem:$0xA0] =	sst s31;
	s0 =	spop (v2sf);
	(v2sf) =	vpush v55, $0x0  }
0xd7: {  	[smem:$0xA1] =	sst s0;
	s3 =	spop (v2sf);
	(v2sf) =	vpush v55, $0x1  }
0xd8: {  	[smem:$0xA2] =	sst s3;
	s18 =	spop (v2sf);
	(v2sf) =	vpush v55, $0x2  }
0xd9: {  	[smem:$0xA3] =	sst s18;
	s19 =	spop (v2sf);
	(v2sf) =	vpush v55, $0x3  }
0xda: {  	[smem:$0xA4] =	sst s19;
	s20 =	spop (v2sf);
	(v2sf) =	vpush v55, $0x4  }
0xdb: {  	[smem:$0xA5] =	sst s20;
	s21 =	spop (v2sf);
	(v2sf) =	vpush v55, $0x5  }
0xdc: {  	[smem:$0xA6] =	sst s21;
	s22 =	spop (v2sf);
	(v2sf) =	vpush v55, $0x6  }
0xdd: {  	[smem:$0xA7] =	sst s22;
	s23 =	spop (v2sf);
	(v2sf) =	vpush v55, $0x7  }
0xde: {  	[smem:$0xA8] =	sst s23;
	s24 =	spop (v2sf);
	(v2sf) =	vpush v55, $0x8  }
0xdf: {  	[smem:$0xA9] =	sst s24;
	s25 =	spop (v2sf);
	(v2sf) =	vpush v55, $0x9  }
0xe0: {  	[smem:$0xAA] =	sst s25;
	s26 =	spop (v2sf);
	(v2sf) =	vpush v55, $0xA  }
0xe1: {  	v56 =	vld [tilespmem:$0xC0];
	[smem:$0xAB] =	sst s26;
	s30 =	spop (v2sf);
	(v2sf) =	vpush v55, $0xB  }
0xe2: {  	[smem:$0xAC] =	sst s30;
	s31 =	spop (v2sf);
	(v2sf) =	vpush v55, $0xC  }
0xe3: {  	[smem:$0xAD] =	sst s31;
	s0 =	spop (v2sf);
	(v2sf) =	vpush v55, $0xD  }
0xe4: {  	[smem:$0xAE] =	sst s0;
	s3 =	spop (v2sf);
	(v2sf) =	vpush v55, $0xE  }
0xe5: {  	[smem:$0xAF] =	sst s3;
	s18 =	spop (v2sf);
	(v2sf) =	vpush v55, $0xF  }
0xe6: {  	[smem:$0xB0] =	sst s18;
	s19 =	spop (v2sf);
	(v2sf) =	vpush v56, $0x0  }
0xe7: {  	[smem:$0xB1] =	sst s19;
	s20 =	spop (v2sf);
	(v2sf) =	vpush v56, $0x1  }
0xe8: {  	[smem:$0xB2] =	sst s20;
	s21 =	spop (v2sf);
	(v2sf) =	vpush v56, $0x2  }
0xe9: {  	[smem:$0xB3] =	sst s21;
	s22 =	spop (v2sf);
	(v2sf) =	vpush v56, $0x3  }
0xea: {  	[smem:$0xB4] =	sst s22;
	s23 =	spop (v2sf);
	(v2sf) =	vpush v56, $0x4  }
0xeb: {  	[smem:$0xB5] =	sst s23;
	s24 =	spop (v2sf);
	(v2sf) =	vpush v56, $0x5  }
0xec: {  	[smem:$0xB6] =	sst s24;
	s25 =	spop (v2sf);
	(v2sf) =	vpush v56, $0x6  }
0xed: {  	[smem:$0xB7] =	sst s25;
	s26 =	spop (v2sf);
	(v2sf) =	vpush v56, $0x7  }
0xee: {  	[smem:$0xB8] =	sst s26;
	s30 =	spop (v2sf);
	(v2sf) =	vpush v56, $0x8  }
0xef: {  	[smem:$0xB9] =	sst s30;
	s31 =	spop (v2sf);
	(v2sf) =	vpush v56, $0x9  }
0xf0: {  	[smem:$0xBA] =	sst s31;
	s0 =	spop (v2sf);
	(v2sf) =	vpush v56, $0xA  }
0xf1: {  	v57 =	vld [tilespmem:$0xD0];
	[smem:$0xBB] =	sst s0;
	s3 =	spop (v2sf);
	(v2sf) =	vpush v56, $0xB  }
0xf2: {  	[smem:$0xBC] =	sst s3;
	s18 =	spop (v2sf);
	(v2sf) =	vpush v56, $0xC  }
0xf3: {  	[smem:$0xBD] =	sst s18;
	s19 =	spop (v2sf);
	(v2sf) =	vpush v56, $0xD  }
0xf4: {  	[smem:$0xBE] =	sst s19;
	s20 =	spop (v2sf);
	(v2sf) =	vpush v56, $0xE  }
0xf5: {  	[smem:$0xBF] =	sst s20;
	s21 =	spop (v2sf);
	(v2sf) =	vpush v56, $0xF  }
0xf6: {  	[smem:$0xC0] =	sst s21;
	s22 =	spop (v2sf);
	(v2sf) =	vpush v57, $0x0  }
0xf7: {  	[smem:$0xC1] =	sst s22;
	s23 =	spop (v2sf);
	(v2sf) =	vpush v57, $0x1  }
0xf8: {  	[smem:$0xC2] =	sst s23;
	s24 =	spop (v2sf);
	(v2sf) =	vpush v57, $0x2  }
0xf9: {  	[smem:$0xC3] =	sst s24;
	s25 =	spop (v2sf);
	(v2sf) =	vpush v57, $0x3  }
0xfa: {  	[smem:$0xC4] =	sst s25;
	s26 =	spop (v2sf);
	(v2sf) =	vpush v57, $0x4  }
0xfb: {  	[smem:$0xC5] =	sst s26;
	s30 =	spop (v2sf);
	(v2sf) =	vpush v57, $0x5  }
0xfc: {  	[smem:$0xC6] =	sst s30;
	s31 =	spop (v2sf);
	(v2sf) =	vpush v57, $0x6  }
0xfd: {  	[smem:$0xC7] =	sst s31;
	s0 =	spop (v2sf);
	(v2sf) =	vpush v57, $0x7  }
0xfe: {  	[smem:$0xC8] =	sst s0;
	s3 =	spop (v2sf);
	(v2sf) =	vpush v57, $0x8  }
0xff: {  	[smem:$0xC9] =	sst s3;
	s18 =	spop (v2sf);
	(v2sf) =	vpush v57, $0x9  }
0x100: {  	[smem:$0xCA] =	sst s18;
	s19 =	spop (v2sf);
	(v2sf) =	vpush v57, $0xA  }
0x101: {  	v58 =	vld [tilespmem:$0xE0];
	[smem:$0xCB] =	sst s19;
	s20 =	spop (v2sf);
	(v2sf) =	vpush v57, $0xB  }
0x102: {  	[smem:$0xCC] =	sst s20;
	s21 =	spop (v2sf);
	(v2sf) =	vpush v57, $0xC  }
0x103: {  	[smem:$0xCD] =	sst s21;
	s22 =	spop (v2sf);
	(v2sf) =	vpush v57, $0xD  }
0x104: {  	[smem:$0xCE] =	sst s22;
	s23 =	spop (v2sf);
	(v2sf) =	vpush v57, $0xE  }
0x105: {  	[smem:$0xCF] =	sst s23;
	s24 =	spop (v2sf);
	(v2sf) =	vpush v57, $0xF  }
0x106: {  	[smem:$0xD0] =	sst s24;
	s25 =	spop (v2sf);
	(v2sf) =	vpush v58, $0x0  }
0x107: {  	[smem:$0xD1] =	sst s25;
	s26 =	spop (v2sf);
	(v2sf) =	vpush v58, $0x1  }
0x108: {  	[smem:$0xD2] =	sst s26;
	s30 =	spop (v2sf);
	(v2sf) =	vpush v58, $0x2  }
0x109: {  	[smem:$0xD3] =	sst s30;
	s31 =	spop (v2sf);
	(v2sf) =	vpush v58, $0x3  }
0x10a: {  	[smem:$0xD4] =	sst s31;
	s0 =	spop (v2sf);
	(v2sf) =	vpush v58, $0x4  }
0x10b: {  	[smem:$0xD5] =	sst s0;
	s3 =	spop (v2sf);
	(v2sf) =	vpush v58, $0x5  }
0x10c: {  	[smem:$0xD6] =	sst s3;
	s18 =	spop (v2sf);
	(v2sf) =	vpush v58, $0x6  }
0x10d: {  	[smem:$0xD7] =	sst s18;
	s19 =	spop (v2sf);
	(v2sf) =	vpush v58, $0x7  }
0x10e: {  	[smem:$0xD8] =	sst s19;
	s20 =	spop (v2sf);
	(v2sf) =	vpush v58, $0x8  }
0x10f: {  	[smem:$0xD9] =	sst s20;
	s21 =	spop (v2sf);
	(v2sf) =	vpush v58, $0x9  }
0x110: {  	[smem:$0xDA] =	sst s21;
	s22 =	spop (v2sf);
	(v2sf) =	vpush v58, $0xA  }
0x111: {  	v59 =	vld [tilespmem:$0xF0];
	[smem:$0xDB] =	sst s22;
	s23 =	spop (v2sf);
	(v2sf) =	vpush v58, $0xB  }
0x112: {  	[smem:$0xDC] =	sst s23;
	s24 =	spop (v2sf);
	(v2sf) =	vpush v58, $0xC  }
0x113: {  	[smem:$0xDD] =	sst s24;
	s25 =	spop (v2sf);
	(v2sf) =	vpush v58, $0xD  }
0x114: {  	[smem:$0xDE] =	sst s25;
	s26 =	spop (v2sf);
	(v2sf) =	vpush v58, $0xE  }
0x115: {  	[smem:$0xDF] =	sst s26;
	s30 =	spop (v2sf);
	(v2sf) =	vpush v58, $0xF  }
0x116: {  	[smem:$0xE0] =	sst s30;
	s31 =	spop (v2sf);
	(v2sf) =	vpush v59, $0x0  }
0x117: {  	[smem:$0xE1] =	sst s31;
	s0 =	spop (v2sf);
	(v2sf) =	vpush v59, $0x1  }
0x118: {  	[smem:$0xE2] =	sst s0;
	s3 =	spop (v2sf);
	(v2sf) =	vpush v59, $0x2  }
0x119: {  	[smem:$0xE3] =	sst s3;
	s18 =	spop (v2sf);
	(v2sf) =	vpush v59, $0x3  }
0x11a: {  	[smem:$0xE4] =	sst s18;
	s19 =	spop (v2sf);
	(v2sf) =	vpush v59, $0x4  }
0x11b: {  	[smem:$0xE5] =	sst s19;
	s20 =	spop (v2sf);
	(v2sf) =	vpush v59, $0x5  }
0x11c: {  	[smem:$0xE6] =	sst s20;
	s21 =	spop (v2sf);
	(v2sf) =	vpush v59, $0x6  }
0x11d: {  	[smem:$0xE7] =	sst s21;
	s22 =	spop (v2sf);
	(v2sf) =	vpush v59, $0x7  }
0x11e: {  	[smem:$0xE8] =	sst s22;
	s23 =	spop (v2sf);
	(v2sf) =	vpush v59, $0x8  }
0x11f: {  	[smem:$0xE9] =	sst s23;
	s24 =	spop (v2sf);
	(v2sf) =	vpush v59, $0x9  }
0x120: {  	[smem:$0xEA] =	sst s24;
	s25 =	spop (v2sf);
	(v2sf) =	vpush v59, $0xA  }
0x121: {  	v60 =	vld [tilespmem:$0x100];
	[smem:$0xEB] =	sst s25;
	s26 =	spop (v2sf);
	(v2sf) =	vpush v59, $0xB  }
0x122: {  	[smem:$0xEC] =	sst s26;
	s30 =	spop (v2sf);
	(v2sf) =	vpush v59, $0xC  }
0x123: {  	[smem:$0xED] =	sst s30;
	s31 =	spop (v2sf);
	(v2sf) =	vpush v59, $0xD  }
0x124: {  	[smem:$0xEE] =	sst s31;
	s0 =	spop (v2sf);
	(v2sf) =	vpush v59, $0xE  }
0x125: {  	[smem:$0xEF] =	sst s0;
	s3 =	spop (v2sf);
	(v2sf) =	vpush v59, $0xF  }
0x126: {  	[smem:$0xF0] =	sst s3;
	s18 =	spop (v2sf);
	(v2sf) =	vpush v60, $0x0  }
0x127: {  	[smem:$0xF1] =	sst s18;
	s19 =	spop (v2sf);
	(v2sf) =	vpush v60, $0x1  }
0x128: {  	[smem:$0xF2] =	sst s19;
	s20 =	spop (v2sf);
	(v2sf) =	vpush v60, $0x2  }
0x129: {  	[smem:$0xF3] =	sst s20;
	s21 =	spop (v2sf);
	(v2sf) =	vpush v60, $0x3  }
0x12a: {  	[smem:$0xF4] =	sst s21;
	s22 =	spop (v2sf);
	(v2sf) =	vpush v60, $0x4  }
0x12b: {  	[smem:$0xF5] =	sst s22;
	s23 =	spop (v2sf);
	(v2sf) =	vpush v60, $0x5  }
0x12c: {  	[smem:$0xF6] =	sst s23;
	s24 =	spop (v2sf);
	(v2sf) =	vpush v60, $0x6  }
0x12d: {  	[smem:$0xF7] =	sst s24;
	s25 =	spop (v2sf);
	(v2sf) =	vpush v60, $0x7  }
0x12e: {  	[smem:$0xF8] =	sst s25;
	s26 =	spop (v2sf);
	(v2sf) =	vpush v60, $0x8  }
0x12f: {  	[smem:$0xF9] =	sst s26;
	s30 =	spop (v2sf);
	(v2sf) =	vpush v60, $0x9  }
0x130: {  	[smem:$0xFA] =	sst s30;
	s31 =	spop (v2sf);
	(v2sf) =	vpush v60, $0xA  }
0x131: {  	v61 =	vld [tilespmem:$0x110];
	[smem:$0xFB] =	sst s31;
	s0 =	spop (v2sf);
	(v2sf) =	vpush v60, $0xB  }
0x132: {  	[smem:$0xFC] =	sst s0;
	s3 =	spop (v2sf);
	(v2sf) =	vpush v60, $0xC  }
0x133: {  	[smem:$0xFD] =	sst s3;
	s18 =	spop (v2sf);
	(v2sf) =	vpush v60, $0xD  }
0x134: {  	[smem:$0xFE] =	sst s18;
	s19 =	spop (v2sf);
	(v2sf) =	vpush v60, $0xE  }
0x135: {  	[smem:$0xFF] =	sst s19;
	s20 =	spop (v2sf);
	(v2sf) =	vpush v60, $0xF  }
0x136: {  	[smem:$0x100] =	sst s20;
	s21 =	spop (v2sf);
	(v2sf) =	vpush v61, $0x0  }
0x137: {  	[smem:$0x101] =	sst s21;
	s22 =	spop (v2sf);
	(v2sf) =	vpush v61, $0x1  }
0x138: {  	[smem:$0x102] =	sst s22;
	s23 =	spop (v2sf);
	(v2sf) =	vpush v61, $0x2  }
0x139: {  	[smem:$0x103] =	sst s23;
	s24 =	spop (v2sf);
	(v2sf) =	vpush v61, $0x3  }
0x13a: {  	[smem:$0x104] =	sst s24;
	s25 =	spop (v2sf);
	(v2sf) =	vpush v61, $0x4  }
0x13b: {  	[smem:$0x105] =	sst s25;
	s26 =	spop (v2sf);
	(v2sf) =	vpush v61, $0x5  }
0x13c: {  	[smem:$0x106] =	sst s26;
	s30 =	spop (v2sf);
	(v2sf) =	vpush v61, $0x6  }
0x13d: {  	[smem:$0x107] =	sst s30;
	s31 =	spop (v2sf);
	(v2sf) =	vpush v61, $0x7  }
0x13e: {  	[smem:$0x108] =	sst s31;
	s0 =	spop (v2sf);
	(v2sf) =	vpush v61, $0x8  }
0x13f: {  	[smem:$0x109] =	sst s0;
	s3 =	spop (v2sf);
	(v2sf) =	vpush v61, $0x9  }
0x140: {  	[smem:$0x10A] =	sst s3;
	s18 =	spop (v2sf);
	(v2sf) =	vpush v61, $0xA  }
0x141: {  	v62 =	vld [tilespmem:$0x120];
	[smem:$0x10B] =	sst s18;
	s19 =	spop (v2sf);
	(v2sf) =	vpush v61, $0xB  }
0x142: {  	[smem:$0x10C] =	sst s19;
	s20 =	spop (v2sf);
	(v2sf) =	vpush v61, $0xC  }
0x143: {  	[smem:$0x10D] =	sst s20;
	s21 =	spop (v2sf);
	(v2sf) =	vpush v61, $0xD  }
0x144: {  	[smem:$0x10E] =	sst s21;
	s22 =	spop (v2sf);
	(v2sf) =	vpush v61, $0xE  }
0x145: {  	[smem:$0x10F] =	sst s22;
	s23 =	spop (v2sf);
	(v2sf) =	vpush v61, $0xF  }
0x146: {  	[smem:$0x110] =	sst s23;
	s24 =	spop (v2sf);
	(v2sf) =	vpush v62, $0x0  }
0x147: {  	[smem:$0x111] =	sst s24;
	s25 =	spop (v2sf);
	(v2sf) =	vpush v62, $0x1  }
0x148: {  	[smem:$0x112] =	sst s25;
	s26 =	spop (v2sf);
	(v2sf) =	vpush v62, $0x2  }
0x149: {  	[smem:$0x113] =	sst s26;
	s30 =	spop (v2sf);
	(v2sf) =	vpush v62, $0x3  }
0x14a: {  	[smem:$0x114] =	sst s30;
	s31 =	spop (v2sf);
	(v2sf) =	vpush v62, $0x4  }
0x14b: {  	[smem:$0x115] =	sst s31;
	s0 =	spop (v2sf);
	(v2sf) =	vpush v62, $0x5  }
0x14c: {  	[smem:$0x116] =	sst s0;
	s3 =	spop (v2sf);
	(v2sf) =	vpush v62, $0x6  }
0x14d: {  	[smem:$0x117] =	sst s3;
	s18 =	spop (v2sf);
	(v2sf) =	vpush v62, $0x7  }
0x14e: {  	[smem:$0x118] =	sst s18;
	s19 =	spop (v2sf);
	(v2sf) =	vpush v62, $0x8  }
0x14f: {  	[smem:$0x119] =	sst s19;
	s20 =	spop (v2sf);
	(v2sf) =	vpush v62, $0x9  }
0x150: {  	[smem:$0x11A] =	sst s20;
	s21 =	spop (v2sf);
	(v2sf) =	vpush v62, $0xA  }
0x151: {  	v63 =	vld [tilespmem:$0x130];
	[smem:$0x11B] =	sst s21;
	s22 =	spop (v2sf);
	(v2sf) =	vpush v62, $0xB  }
0x152: {  	[smem:$0x11C] =	sst s22;
	s23 =	spop (v2sf);
	(v2sf) =	vpush v62, $0xC  }
0x153: {  	[smem:$0x11D] =	sst s23;
	s24 =	spop (v2sf);
	(v2sf) =	vpush v62, $0xD  }
0x154: {  	[smem:$0x11E] =	sst s24;
	s25 =	spop (v2sf);
	(v2sf) =	vpush v62, $0xE  }
0x155: {  	(v2sf) =	vpush v62, $0xF;
	s18 =	spop (v2sf);
	[smem:$0x11F] =	sst s25  }
0x156: {  	[smem:$0x120] =	sst s18;
	s26 =	spop (v2sf);
	(v2sf) =	vpush v63, $0x0  }
0x157: {  	[smem:$0x121] =	sst s26;
	s30 =	spop (v2sf);
	(v2sf) =	vpush v63, $0x1  }
0x158: {  	[smem:$0x122] =	sst s30;
	s31 =	spop (v2sf);
	(v2sf) =	vpush v63, $0x2  }
0x159: {  	[smem:$0x123] =	sst s31;
	s0 =	spop (v2sf);
	(v2sf) =	vpush v63, $0x3  }
0x15a: {  	[smem:$0x124] =	sst s0;
	s3 =	spop (v2sf);
	(v2sf) =	vpush v63, $0x4  }
0x15b: {  	[smem:$0x125] =	sst s3;
	s18 =	spop (v2sf);
	(v2sf) =	vpush v63, $0x5  }
0x15c: {  	[smem:$0x126] =	sst s18;
	s19 =	spop (v2sf);
	(v2sf) =	vpush v63, $0x6  }
0x15d: {  	[smem:$0x127] =	sst s19;
	s20 =	spop (v2sf);
	(v2sf) =	vpush v63, $0x7  }
0x15e: {  	[smem:$0x128] =	sst s20;
	s21 =	spop (v2sf);
	(v2sf) =	vpush v63, $0x8  }
0x15f: {  	[smem:$0x129] =	sst s21;
	s22 =	spop (v2sf);
	(v2sf) =	vpush v63, $0x9  }
0x160: {  	[smem:$0x12A] =	sst s22;
	s23 =	spop (v2sf);
	(v2sf) =	vpush v63, $0xA  }
0x161: {  	[smem:$0x12B] =	sst s23;
	s24 =	spop (v2sf);
	(v2sf) =	vpush v63, $0xB  }
0x162: {  	[smem:$0x12C] =	sst s24;
	s25 =	spop (v2sf);
	(v2sf) =	vpush v63, $0xC  }
0x163: {  	[smem:$0x12D] =	sst s25;
	s26 =	spop (v2sf);
	(v2sf) =	vpush v63, $0xD  }
0x164: {  	[smem:$0x12E] =	sst s26;
	s30 =	spop (v2sf);
	(v2sf) =	vpush v63, $0xE  }
0x165: {  	[smem:$0x12F] =	sst s30;
	s31 =	spop (v2sf);
	(v2sf) =	vpush v63, $0xF  }
0x166: {  	s0 =	spop (v2sf);
	[smem:$0x130] =	sst s31  }
0x167: {  	s3 =	spop (v2sf);
	[smem:$0x131] =	sst s0  }
0x168: {  	s19 =	spop (v2sf);
	[smem:$0x132] =	sst s3  }
0x169: {  	s20 =	spop (v2sf);
	[smem:$0x133] =	sst s19  }
0x16a: {  	s21 =	spop (v2sf);
	[smem:$0x134] =	sst s20  }
0x16b: {  	s22 =	spop (v2sf);
	[smem:$0x135] =	sst s21  }
0x16c: {  	s23 =	spop (v2sf);
	[smem:$0x136] =	sst s22  }
0x16d: {  	s24 =	spop (v2sf);
	[smem:$0x137] =	sst s23  }
0x16e: {  	s25 =	spop (v2sf);
	[smem:$0x138] =	sst s24  }
0x16f: {  	s26 =	spop (v2sf);
	[smem:$0x139] =	sst s25  }
0x170: {  	s30 =	spop (v2sf);
	[smem:$0x13A] =	sst s26  }
0x171: {  	s31 =	spop (v2sf);
	[smem:$0x13B] =	sst s30  }
0x172: {  	s0 =	spop (v2sf);
	[smem:$0x13C] =	sst s31  }
0x173: {  	s3 =	spop (v2sf);
	[smem:$0x13D] =	sst s0  }
0x174: {  	[smem:$0x13E] =	sst s3;
	s19 =	spop (v2sf)  }
0x175: {  	s20 =	simm.s32 $0x0;
	[smem:$0x13F] =	sst s19  }
0x176: {  	s17 =	smul.u32 $0x3000, s20;
	s18 =	sld [smem:$0x0]  }
0x177: {  	s19 =	sld [smem:$0x2]  }
0x178: {  	s16 =	sand.u32 $0x380, s16;
	s21 =	sshra.s32 s17, $0x2;
	s20 =	sld [smem:$0x1]  }
0x179: {  	s24 =	sor.u32 s16, s21;
	s18 =	sshll.u32 s18, $0x4  }
0x17a: {  	s22 =	sadd.s32 $0x180, s24;
	s21 =	sand.u32 $0x1FFFFFF0, s18  }
0x17b: {  	s17 =	sld [smem:$0x5];
	s23 =	sadd.s32 s4, s21;
	s20 =	sshll.u32 s20, $0x4  }
0x17c: {  	[tilespmem:s22], [sflag:$0x1] =	stream.strided.gather [hbm4b:s23+s8], $0x0, s9, s8, $0x38;
	[tilespmem:$0x6180] =	vst v63  }
0x17d: {  	s16 =	simm.s32 $0x7;
	s25 =	simm.s32 $0x0;
	s20 =	sand.u32 $0x1FFFFFF0, s20  }
0x17e: {  	[tilespmem:s22], [sflag:$0x1] =	stream.linear.gather [hbm4b:s23+s2], $0x40, $0x38;
	[tilespmem:$0x6180] =	vst v63  }
0x17f: {  	s26 =	sadd.s32 $0x1C0, s24;
	s19 =	sshll.u32 s19, $0x4;
	s20 =	sadd.s32 s4, s20  }
0x180: {  	[tilespmem:s26], [sflag:$0x1] =	stream.strided.gather [hbm4b:s20+s8], $0x0, s9, s8, $0x38;
	[tilespmem:$0x6180] =	vst v63  }
0x181: {  	s25 =	smul.u32 $0x3000, s25;
	s19 =	sand.u32 $0x1FFFFFF0, s19;
	s22 =	sld [smem:$0x3]  }
0x182: {  	[tilespmem:s26], [sflag:$0x1] =	stream.linear.gather [hbm4b:s20+s2], $0x40, $0x38;
	[tilespmem:$0x6180] =	vst v63  }
0x183: {  	s18 =	simm.s32 $0x80;
	s30 =	sadd.s32 s4, s19;
	s26 =	sadd.s32 $0x580, s24  }
0x184: {  	[tilespmem:s26], [sflag:$0x1] =	stream.strided.gather [hbm4b:s30+s8], $0x0, s9, s8, $0x38;
	[tilespmem:$0x6180] =	vst v63  }
0x185: {  	s21 =	sand.u32 $0x380, s18;
	s23 =	simm.s32 $0x2;
	s29 =	sld [smem:$0x4]  }
0x186: {  	s20 =	simm.s32 $0xC;
	s31 =	sshll.u32 s22, $0x4;
	s19 =	sld [smem:$0x7]  }
0x187: {  	[tilespmem:s26], [sflag:$0x1] =	stream.linear.gather [hbm4b:s30+s2], $0x40, $0x38;
	[tilespmem:$0x6180] =	vst v63  }
0x188: {  	s22 =	sadd.s32 $0x980, s24;
	s28 =	sand.u32 $0x1FFFFFF0, s31;
	s26 =	sadd.s32 $0x5C0, s24  }
0x189: {  	s28 =	sadd.s32 s4, s28;
	s24 =	sld [smem:$0x6];
	s29 =	sshll.u32 s29, $0x4  }
.LBB2_3:
0x18a: {  	[tilespmem:s26], [sflag:$0x1] =	stream.strided.gather [hbm4b:s28+s8], $0x0, s9, s8, $0x38;
	[tilespmem:$0x6180] =	vst v63  }
0x18b: {  	s30 =	smov.u32 s23  }
0x18c: {  	s30 =	smov.u32 s16;
	s16 =	smov.u32 s20  }
0x18d: {  	s31 =	sshrl.u32 s23, $0x3;
	s29 =	sand.u32 $0x1FFFFFF0, s29;
	s0 =	sld [smem:s20+$0xFFFFFFFE]  }
0x18e: {  	[tilespmem:s26], [sflag:$0x1] =	stream.linear.gather [hbm4b:s28+s2], $0x40, $0x38;
	[tilespmem:$0x6180] =	vst v63  }
0x18f: {  	s25 =	sshra.s32 s25, $0x2;
	s17 =	sshll.u32 s17, $0x4;
	s26 =	sadd.s32 s4, s29  }
0x190: {  	s3 =	sadd.s32 $0x1, s23;
	s17 =	sand.u32 $0x1FFFFFF0, s17;
	s28 =	sor.u32 s21, s25  }
0x191: {  	[tilespmem:s22], [sflag:$0x1] =	stream.linear.gather [hbm4b:s26+s2], $0x80, $0x38;
	[tilespmem:$0x6180] =	vst v63  }
0x192: {  	s21 =	sadd.s32 $0x180, s28;
	s22 =	sadd.s32 s4, s17;
	s17 =	sshll.u32 s24, $0x4  }
0x193: {  	[tilespmem:s21], [sflag:$0x1] =	stream.strided.gather [hbm4b:s22+s8], $0x0, s9, s8, $0x38;
	[tilespmem:$0x6180] =	vst v63  }
0x194: {  	p0 =	sne.s32 s23, $0x3F;
	s23 =	sand.u32 $0x1FFFFFF0, s17;
	s17 =	smov.u32 s0  }
0x195: {  	[tilespmem:s21], [sflag:$0x1] =	stream.linear.gather [hbm4b:s22+s2], $0x40, $0x38;
	[tilespmem:$0x6180] =	vst v63  }
0x196: {  	s19 =	sshll.u32 s19, $0x4;
	s0 =	sadd.s32 $0x1C0, s28;
	s21 =	sadd.s32 s4, s23  }
0x197: {  	[tilespmem:s0], [sflag:$0x1] =	stream.strided.gather [hbm4b:s21+s8], $0x0, s9, s8, $0x38;
	[tilespmem:$0x6180] =	vst v63  }
0x198: {  	s19 =	sand.u32 $0x1FFFFFF0, s19  }
0x199: {  	s18 =	sadd.s32 $0x80, s18;
	s23 =	sadd.s32 s4, s19;
	s19 =	sld [smem:s30+$0x1]  }
0x19a: {  	[tilespmem:s0], [sflag:$0x1] =	stream.linear.gather [hbm4b:s21+s2], $0x40, $0x38;
	[tilespmem:$0x6180] =	vst v63  }
0x19b: {  	s25 =	smul.u32 $0x3000, s31;
	s22 =	sadd.s32 $0x980, s28;
	s0 =	sadd.s32 $0x580, s28  }
0x19c: {  	[tilespmem:s0], [sflag:$0x1] =	stream.strided.gather [hbm4b:s23+s8], $0x0, s9, s8, $0x38;
	[tilespmem:$0x6180] =	vst v63  }
.Ltmp0:
0x19d: {  	s21 =	sand.u32 $0x380, s18;
	s19 =	sshll.u32 s19, $0x4;
	(pc) =	sbr.rel @p0 .LBB2_3-.Ltmp0, $4  }
0x19e: {  	s26 =	sadd.s32 $0x5C0, s28;
	s24 =	sand.u32 $0x1FFFFFF0, s19;
	s29 =	sld [smem:s30+$0x2]  }
0x19f: {  	s28 =	sadd.s32 s4, s24;
	s19 =	sld [smem:s20+$0x0];
	s20 =	sadd.s32 $0x5, s20  }
0x1a0: {  	[tilespmem:s0], [sflag:$0x1] =	stream.linear.gather [hbm4b:s23+s2], $0x40, $0x38;
	[tilespmem:$0x6180] =	vst v63  }
0x1a1: {  	s23 =	smov.u32 s3;
	s24 =	sld [smem:s16+$0xFFFFFFFF];
	s29 =	sshll.u32 s29, $0x4  }
0x1a2: {  	[tilespmem:s26], [sflag:$0x1] =	stream.strided.gather [hbm4b:s28+s8], $0x0, s9, s8, $0x38;
	[tilespmem:$0x6180] =	vst v63  }
0x1a3: {  	s0 =	sand.u32 $0x1FFFFFF0, s29;
	s3 =	sshra.s32 s25, $0x2;
	s17 =	sshll.u32 s17, $0x4  }
0x1a4: {  	[tilespmem:s26], [sflag:$0x1] =	stream.linear.gather [hbm4b:s28+s2], $0x40, $0x38;
	[tilespmem:$0x6180] =	vst v63  }
0x1a5: {  	s0 =	sadd.s32 s4, s0;
	s3 =	sor.u32 s21, s3;
	s17 =	sand.u32 $0x1FFFFFF0, s17  }
0x1a6: {  	[tilespmem:s22], [sflag:$0x1] =	stream.linear.gather [hbm4b:s0+s2], $0x80, $0x38;
	[tilespmem:$0x6180] =	vst v63  }
0x1a7: {  	s31 =	sadd.s32 $0x180, s3;
	s17 =	sadd.s32 s4, s17;
	s18 =	sshll.u32 s24, $0x4  }
0x1a8: {  	[tilespmem:s31], [sflag:$0x1] =	stream.strided.gather [hbm4b:s17+s8], $0x0, s9, s8, $0x38;
	[tilespmem:$0x6180] =	vst v63  }
0x1a9: {  	s21 =	sshll.u32 s19, $0x4;
	s18 =	sand.u32 $0x1FFFFFF0, s18  }
0x1aa: {  	[tilespmem:s31], [sflag:$0x1] =	stream.linear.gather [hbm4b:s17+s2], $0x40, $0x38;
	[tilespmem:$0x6180] =	vst v63  }
0x1ab: {  	s20 =	sadd.s32 s4, s18;
	s22 =	sld [smem:s16+$0x1];
	s17 =	sadd.s32 $0x1C0, s3  }
0x1ac: {  	[tilespmem:s17], [sflag:$0x1] =	stream.strided.gather [hbm4b:s20+s8], $0x0, s9, s8, $0x38;
	[tilespmem:$0x6180] =	vst v63  }
0x1ad: {  	s24 =	sadd.s32 $0x580, s3;
	s18 =	sand.u32 $0x1FFFFFF0, s21  }
0x1ae: {  	[tilespmem:s17], [sflag:$0x1] =	stream.linear.gather [hbm4b:s20+s2], $0x40, $0x38;
	[tilespmem:$0x6180] =	vst v63  }
0x1af: {  	s26 =	sld [smem:s16+$0x2];
	s23 =	sadd.s32 s4, s18;
	s25 =	sshll.u32 s22, $0x4  }
0x1b0: {  	[tilespmem:s24], [sflag:$0x1] =	stream.strided.gather [hbm4b:s23+s8], $0x0, s9, s8, $0x38;
	[tilespmem:$0x6180] =	vst v63  }
0x1b1: {  	s18 =	sand.u32 $0x1FFFFFF0, s25  }
0x1b2: {  	[tilespmem:s24], [sflag:$0x1] =	stream.linear.gather [hbm4b:s23+s2], $0x40, $0x38;
	[tilespmem:$0x6180] =	vst v63  }
0x1b3: {  	s28 =	sadd.s32 $0x5C0, s3;
	s16 =	sshll.u32 s26, $0x4;
	s29 =	sadd.s32 s4, s18  }
0x1b4: {  	[tilespmem:s28], [sflag:$0x1] =	stream.strided.gather [hbm4b:s29+s8], $0x0, s9, s8, $0x38;
	[tilespmem:$0x6180] =	vst v63  }
0x1b5: {  	s16 =	sand.u32 $0x1FFFFFF0, s16  }
0x1b6: {  	[tilespmem:s28], [sflag:$0x1] =	stream.linear.gather [hbm4b:s29+s2], $0x40, $0x38;
	[tilespmem:$0x6180] =	vst v63  }
0x1b7: {  	s30 =	sadd.s32 $0x980, s3;
	s31 =	sadd.s32 s4, s16  }
0x1b8: {  	[tilespmem:s30], [sflag:$0x1] =	stream.linear.gather [hbm4b:s31+s2], $0x80, $0x38;
	[tilespmem:$0x6180] =	vst v63  }
0x1b9: {  	_ =	swait.ge [sflag:s10], $0x40  }
0x1ba: {  	[sflag:s10] =	ssyncset.done $0x0  }
0x1bb: {  	[sflag:s10] =	ssyncadd.s32 $0xFFFFFFC0  }
0x1bc: {  	_ =	swait.ge [sflag:s10], $0x40  }
0x1bd: {  	[sflag:s10] =	ssyncset.done $0x0  }
0x1be: {  	[sflag:s10] =	ssyncadd.s32 $0xFFFFFFC0  }
0x1bf: {  	_ =	swait.ge [sflag:s10], $0x40  }
0x1c0: {  	[sflag:s10] =	ssyncset.done $0x0  }
0x1c1: {  	[sflag:s10] =	ssyncadd.s32 $0xFFFFFFC0  }
0x1c2: {  	_ =	swait.ge [sflag:s10], $0x40  }
0x1c3: {  	[sflag:s10] =	ssyncset.done $0x0  }
0x1c4: {  	[sflag:s10] =	ssyncadd.s32 $0xFFFFFFC0  }
0x1c5: {  	_ =	swait.ge [sflag:s10], $0x80  }
0x1c6: {  	s16 =	simm.s32 $0x3F;
	[sflag:s10] =	ssyncset.done $0x0  }
.LBB2_5:
0x1c7: {  	p0 =	sne.s32 s16, $0x1;
	s16 =	sadd.s32 $0xFFFFFFFF, s16;
	[sflag:s10] =	ssyncadd.s32 $0xFFFFFF80  }
0x1c8: {  	_ =	swait.ge [sflag:s10], $0x40  }
0x1c9: {  	[sflag:s10] =	ssyncset.done $0x0  }
0x1ca: {  	[sflag:s10] =	ssyncadd.s32 $0xFFFFFFC0  }
0x1cb: {  	_ =	swait.ge [sflag:s10], $0x40  }
0x1cc: {  	[sflag:s10] =	ssyncset.done $0x0  }
0x1cd: {  	[sflag:s10] =	ssyncadd.s32 $0xFFFFFFC0  }
0x1ce: {  	_ =	swait.ge [sflag:s10], $0x40  }
0x1cf: {  	[sflag:s10] =	ssyncset.done $0x0  }
0x1d0: {  	[sflag:s10] =	ssyncadd.s32 $0xFFFFFFC0  }
.Ltmp1:
0x1d1: {  	_ =	swait.ge [sflag:s10], $0x40;
	(pc) =	sbr.rel @p0 .LBB2_5-.Ltmp1, $4  }
0x1d2: {  	[sflag:s10] =	ssyncset.done $0x0  }
0x1d3: {  	[sflag:s10] =	ssyncadd.s32 $0xFFFFFFC0  }
0x1d4: {  	_ =	swait.ge [sflag:s10], $0x80  }
0x1d5: {  	[sflag:s10] =	ssyncset.done $0x0  }
0x1d6: {  	s0 =	sshrl.u32 s15, $0x3  }
0x1d7: {  	s14 =	sadd.s32 $0x1, s14;
	s0 =	smul.u32 $0x180, s0  }
0x1d8: {  	p0 =	sne.s32 s14, $0x8  }
.Ltmp2:
0x1d9: {  	[sflag:s10] =	ssyncadd.s32 $0xFFFFFF80;
	s0 =	sadd.s32 s5, s0;
	(pc) =	sbr.rel @p0 .LBB2_2-.Ltmp2, $4  }
0x1da: {  	[hbm4b:s0+s2] =	stream.linear.scatter [tilespmem:s11], [sflag:$0x2], $0x6000, $0x38;
	[tilespmem:$0x6180] =	vst v63  }
0x1db: {  	_ =	swait.ge [sflag:s12], $0x6000  }
0x1dc: {  	[sflag:s12] =	ssyncset.done $0x0  }
0x1dd: {  	[sflag:s12] =	ssyncadd.s32 $0xFFFFA000  }
0x1de: {  	s13 =	sadd.s32 $0x1, s13  }
0x1df: {  	p0 =	sne.s32 s13, s7  }
.Ltmp3:
0x1e0: {  	_ = 	snop;
	(pc) =	sbr.rel @p0 .LBB2_1-.Ltmp3, $1  }
0x1e1: {  	_ =	sdelay $0x3  }
0x1e2: {  	_ =	sfence.sel $0x180000  }
0x1e3: {  	[bflag:$0x0] =	sbarrier.arrive $0xFFFF  }
0x1e4: {  	_ =	strace $0x90000047  }
0x1e5: {  	s0 =	stileid.u32;
	[bflag:$0x2] =	sbarrier.arrive $0xFFFF  }
0x1e6: {  	p0 =	sne.s32 s0, $0x0;
	s0 =	rddreg [dreg:$0x2]  }
0x1e7: {  	s0 =	sadd.s32 @!p0 $0x100000, s0  }
0x1e8: {  	[sflag:s0] =	ssyncadd.tile.s32 @!p0 $0x1;
	_ =	shalt  }
.Lfunc_end2:
_tile_overlayer_lowered:
.L_overlay_start_2:
0x1e9: {  	(tag) =	ssettag $0x2  }
0x1ea: {  	s0 =	rddreg [dreg:$0x0];
	s2 =	stileid.u32  }
0x1eb: {  	s1 =	rddreg [dreg:$0x1];
	p0 =	sne.s32 s2, $0x0  }
0x1ec: {  	s3 =	rddreg [dreg:$0x2];
	[bflag:$0x3] =	sbarrier.arrive $0xFFFF;
	s2 =	simm.s32 @!p0 $0x1C02  }
0x1ed: {  	[timem:s3], [sflag:s2] =	dma.local @!p0 [hbm:s0], s1  }
0x1ee: {  	s0 =	simm.s32 @!p0 $0x2  }
0x1ef: {  	_ =	swait.ge @!p0 [sflag:s0], s1  }
0x1f0: {  	s1 =	ssub.s32 @!p0 $0x0, s1;
	[sflag:s0] =	ssyncset.done @!p0 $0x0  }
0x1f1: {  	[sflag:s0] =	ssyncadd.s32 @!p0 s1  }
0x1f2: {  	[bflag:$0x3] =	sbarrier.arrive $0xFFFF  }
0x1f3: {  	_ =	shalt  }

</sc_bundles>
